<compile_context>
chip_gen: v7x
topology: tpu7x:2x2x1
jax: 0.10.2.dev20260603
libtpu: 0.0.44.dev20260713+nightly
codegen_flags: <defaults>
</compile_context>

<pallas_src>
import functools

import jax
import jax.numpy as jnp
from jax import lax
from jax.experimental import pallas as pl
from jax.experimental.pallas import tpu as pltpu
from jax.experimental.pallas import tpu_sc as plsc

MIN_SZ = 33000
MAX_SZ = 34000
NBINS = 1024
NC, NS, L = 2, 16, 16
NW = NC * NS

_CP = pltpu.CompilerParams(needs_layout_passes=False, use_tc_tiling_on_sc=True)


@functools.lru_cache(maxsize=None)
def _build(d0, d1, d2, rows1, rows2):
    slabs_per_w = d0 // NW
    nch1 = slabs_per_w * (d1 // rows1)
    nch2 = slabs_per_w * (d1 // rows2)
    ch1_per_slab = d1 // rows1
    ch2_per_slab = d1 // rows2
    chunk1 = rows1 * d2
    chunk2 = rows2 * d2
    per_w = slabs_per_w * d1 * d2
    n = d0 * d1 * d2
    mesh = plsc.VectorSubcoreMesh(
        core_axis_name="c", subcore_axis_name="s", num_cores=NC, num_subcores=NS
    )

    @functools.partial(
        pl.kernel,
        out_type=(
            jax.ShapeDtypeStruct((NW * NBINS,), jnp.int32),
            jax.ShapeDtypeStruct((n // 2,), jnp.int32),
        ),
        mesh=mesh,
        compiler_params=_CP,
        scratch_types=[
            pltpu.VMEM((rows1, d2), jnp.float32),
            pltpu.VMEM((rows1, d2), jnp.float32),
            pltpu.VMEM((chunk1 // 2,), jnp.int32),
            pltpu.VMEM((chunk1 // 2,), jnp.int32),
            pltpu.VMEM((NBINS * L,), jnp.int32),
            pltpu.VMEM((NBINS,), jnp.int32),
            pltpu.SemaphoreType.DMA,
            pltpu.SemaphoreType.DMA,
            pltpu.SemaphoreType.DMA,
            pltpu.SemaphoreType.DMA,
        ],
    )
    def hist_k(img_hbm, out_hbm, idx_hbm, bufa, bufb, ixa, ixb, subh, partial,
               sema, semb, sxa, sxb):
        wid = lax.axis_index("s") * NC + lax.axis_index("c")
        bufs = (bufa, bufb)
        ixbufs = (ixa, ixb)
        sems = (sema, semb)
        xsems = (sxa, sxb)
        zero = jnp.zeros((L,), jnp.int32)

        def zbody(i, _):
            subh[pl.ds(i * L, L)] = zero
            return 0

        lax.fori_loop(0, NBINS, zbody, 0)

        ones = jnp.ones((L,), jnp.int32)
        lane_f = lax.iota(jnp.int32, L).astype(jnp.float32)
        sixteen = jnp.float32(L)

        def src(c):
            s = wid * slabs_per_w + c // ch1_per_slab
            r = (c % ch1_per_slab) * rows1
            return img_hbm.at[s, pl.ds(r, rows1)]

        def xdst(c):
            return idx_hbm.at[pl.ds(wid * (per_w // 2) + c * (chunk1 // 2), chunk1 // 2)]

        pltpu.async_copy(src(0), bufa, sema)
        pltpu.async_copy(src(1), bufb, semb)

        nvp = d2 // L

        def pbody(p, _):
            for b in range(2):
                c = 2 * p + b
                buf, sem = bufs[b], sems[b]
                ix, xsem = ixbufs[b], xsems[b]
                pltpu.make_async_copy(src(c), buf, sem).wait()

                @pl.when(c >= 2)
                def _():
                    pltpu.make_async_copy(ix, xdst(c - 2), xsem).wait()

                @plsc.parallel_loop(0, chunk1 // (2 * L), 1, unroll=8)
                def _(i):
                    q0 = 2 * i
                    q1 = 2 * i + 1
                    va = buf[q0 // nvp, pl.ds((q0 % nvp) * L, L)]
                    vb = buf[q1 // nvp, pl.ds((q1 % nvp) * L, L)]
                    ia = (va * sixteen + lane_f).astype(jnp.int32)
                    ib = (vb * sixteen + lane_f).astype(jnp.int32)
                    plsc.addupdate_scatter(subh, [ia], ones)
                    plsc.addupdate_scatter(subh, [ib], ones)
                    packed = plsc.pack(ia, ib, format=plsc.PackFormat.INTERLEAVED)
                    ix[pl.ds(pl.multiple_of(i * L, L), L)] = plsc.bitcast(
                        packed, jnp.int32
                    )

                pltpu.async_copy(ix, xdst(c), xsem)

                @pl.when(c + 2 < nch1)
                def _():
                    pltpu.async_copy(src(c + 2), buf, sem)

            return 0

        lax.fori_loop(0, nch1 // 2, pbody, 0)
        pltpu.make_async_copy(ixa, xdst(nch1 - 2), sxa).wait()
        pltpu.make_async_copy(ixb, xdst(nch1 - 1), sxb).wait()

        lane_i = lax.iota(jnp.int32, L)

        def rbody(j, _):
            res = jnp.zeros((L,), jnp.int32)
            for k in range(L):
                row = subh[pl.ds((j * L + k) * L, L)]
                s = jnp.sum(row)
                res = jnp.where(lane_i == k, s, res)
            partial[pl.ds(j * L, L)] = res
            return 0

        lax.fori_loop(0, NBINS // L, rbody, 0)
        pltpu.sync_copy(partial, out_hbm.at[pl.ds(wid * NBINS, NBINS)])

    @functools.partial(
        pl.kernel,
        out_type=jax.ShapeDtypeStruct((d0, d1, d2), jnp.float32),
        mesh=mesh,
        compiler_params=_CP,
        scratch_types=[
            pltpu.VMEM((NW * NBINS,), jnp.int32),
            pltpu.VMEM((NBINS * L,), jnp.float32),
            pltpu.VMEM((NBINS,), jnp.float32),
            pltpu.VMEM((chunk2 // 2,), jnp.int32),
            pltpu.VMEM((chunk2 // 2,), jnp.int32),
            pltpu.VMEM((rows2, d2), jnp.float32),
            pltpu.VMEM((rows2, d2), jnp.float32),
            pltpu.SemaphoreType.DMA,
            pltpu.SemaphoreType.DMA,
            pltpu.SemaphoreType.DMA,
            pltpu.SemaphoreType.DMA,
        ],
    )
    def mask_k(idx_hbm, hist_hbm, out_hbm, parts, table2, staging, ina, inb,
               outa, outb, sia, sib, soa, sob):
        wid = lax.axis_index("s") * NC + lax.axis_index("c")
        ibufs, obufs = (ina, inb), (outa, outb)
        isems, osems = (sia, sib), (soa, sob)

        def src(c):
            return idx_hbm.at[pl.ds(wid * (per_w // 2) + c * (chunk2 // 2), chunk2 // 2)]

        def dst(c):
            s = wid * slabs_per_w + c // ch2_per_slab
            r = (c % ch2_per_slab) * rows2
            return out_hbm.at[s, pl.ds(r, rows2)]

        pltpu.async_copy(src(0), ina, sia)
        pltpu.async_copy(src(1), inb, sib)

        pltpu.sync_copy(hist_hbm, parts)
        lane_i = lax.iota(jnp.int32, L)

        def tbody(j, _):
            acc = parts[pl.ds(j * L, L)]
            for w in range(1, NW):
                acc = acc + parts[pl.ds(w * NBINS + j * L, L)]
            lvals = (lane_i + j * L).astype(jnp.float32)
            keep = (acc >= MIN_SZ) & (acc <= MAX_SZ)
            staging[pl.ds(j * L, L)] = jnp.where(keep, lvals, jnp.float32(0.0))
            return 0

        lax.fori_loop(0, NBINS // L, tbody, 0)

        def t2body(j, _):
            t = staging[pl.ds(j * L, L)]
            for k in range(L):
                table2[pl.ds((j * L + k) * L, L)] = jnp.full((L,), t[k], jnp.float32)
            return 0

        lax.fori_loop(0, NBINS // L, t2body, 0)

        nvp = d2 // L

        def pbody(p, _):
            for b in range(2):
                c = 2 * p + b
                ib, ob = ibufs[b], obufs[b]
                isem, osem = isems[b], osems[b]
                pltpu.make_async_copy(src(c), ib, isem).wait()

                @pl.when(c >= 2)
                def _():
                    pltpu.make_async_copy(ob, dst(c - 2), osem).wait()

                @plsc.parallel_loop(0, chunk2 // (2 * L), 1, unroll=8)
                def _(i):
                    packed = plsc.bitcast(
                        ib[pl.ds(pl.multiple_of(i * L, L), L)], jnp.int16
                    )
                    ia, ixb = plsc.unpack(packed, format=plsc.PackFormat.INTERLEAVED)
                    q0 = 2 * i
                    q1 = 2 * i + 1
                    ob[q0 // nvp, pl.ds((q0 % nvp) * L, L)] = plsc.load_gather(
                        table2, [ia]
                    )
                    ob[q1 // nvp, pl.ds((q1 % nvp) * L, L)] = plsc.load_gather(
                        table2, [ixb]
                    )

                pltpu.async_copy(ob, dst(c), osem)

                @pl.when(c + 2 < nch2)
                def _():
                    pltpu.async_copy(src(c + 2), ib, isem)

            return 0

        lax.fori_loop(0, nch2 // 2, pbody, 0)
        pltpu.make_async_copy(outa, dst(nch2 - 2), soa).wait()
        pltpu.make_async_copy(outb, dst(nch2 - 1), sob).wait()

    return hist_k, mask_k


def kernel(image):
    d0, d1, d2 = image.shape
    rows1 = 64
    while d1 % (rows1 * 2) != 0:
        rows1 //= 2
    rows2 = rows1 // 2
    hist_k, mask_k = _build(d0, d1, d2, rows1, rows2)
    parts, idx16 = hist_k(image)
    return mask_k(idx16, parts)

# --- scband reference (transcript-rebuilt; emitter-appended) ---
"""Pipeline reference for scband-label-size-filter-36876589203620 (READ-ONLY COPY).

The authoritative reference and input builder live on the scoring server;
editing this copy changes nothing except your own understanding.
"""

import jax, jax.numpy as jnp
import numpy as np

MIN_LABEL_SIZE = 33000
MAX_LABEL_SIZE = 34000
BACKGROUND_LABEL = 0
NUM_LABELS = 1000


def setup_inputs(seed: int = 0) -> dict:
    key = jax.random.key(seed)
    labels = jax.random.randint(key, (128, 512, 512), 0, NUM_LABELS, dtype=jnp.int32)
    image = labels.astype(jnp.float32)
    return {"image": image}


def reference(image):
    # Faithful translation of LabelSizeFilter.forward:
    # torch.unique(image, return_counts=True) over integer-valued labels is
    # equivalent to a bincount histogram over the label ids. The torch loop
    # computes unique_labels/label_counts ONCE up front, then replaces every
    # label whose count is < min_label_size or > max_label_size (excluding the
    # background label) with the background label. Because counts are computed
    # before any replacement, the loop is order-independent and equals the
    # vectorized masking below.
    labels = image.astype(jnp.int32)
    counts = jnp.bincount(labels.ravel(), length=NUM_LABELS)
    pix_counts = jnp.take(counts, labels, axis=0)
    not_bg = labels != BACKGROUND_LABEL
    too_small = pix_counts < MIN_LABEL_SIZE
    too_big = pix_counts > MAX_LABEL_SIZE
    mask = not_bg & (too_small | too_big)
    out = jnp.where(mask, jnp.float32(BACKGROUND_LABEL), image)
    return out

if __name__ == "__main__":
    import jax
    _d = setup_inputs()
    print(jax.jit(kernel)(*tuple(_d.values())))

</pallas_src>

<mosaic_0001>
#map = affine_map<(d0, d1) -> (0, 0, 0)>
#map1 = affine_map<(d0, d1) -> (0)>
module attributes {stable_mosaic.version = 14 : i64} {
  func.func @hist_k(%arg0: i32, %arg1: i32, %arg2: memref<128x512x512xf32, #tpu.memory_space<hbm>>, %arg3: memref<32768xi32, #tpu.memory_space<hbm>>, %arg4: memref<16777216xi32, #tpu.memory_space<hbm>>, %arg5: memref<64x512xf32, #tpu.memory_space<vmem>>, %arg6: memref<64x512xf32, #tpu.memory_space<vmem>>, %arg7: memref<16384xi32, #tpu.memory_space<vmem>>, %arg8: memref<16384xi32, #tpu.memory_space<vmem>>, %arg9: memref<16384xi32, #tpu.memory_space<vmem>>, %arg10: memref<1024xi32, #tpu.memory_space<vmem>>, %arg11: memref<!tpu.dma_semaphore, #tpu.memory_space<semaphore_mem>>, %arg12: memref<!tpu.dma_semaphore, #tpu.memory_space<semaphore_mem>>, %arg13: memref<!tpu.dma_semaphore, #tpu.memory_space<semaphore_mem>>, %arg14: memref<!tpu.dma_semaphore, #tpu.memory_space<semaphore_mem>>) attributes {dimension_semantics = [#tpu.dimension_semantics<core_parallel>, #tpu.dimension_semantics<subcore_parallel>], iteration_bounds = array<i64: 2, 16>, scalar_prefetch = 0 : i64, scratch_operands = 10 : i64, tpu.core_type = #tpu.core_type<sc_vector_subcore>, window_params = [{transform_indices = #map}, {transform_indices = #map1}, {transform_indices = #map1}]} {
    %mul3A = arith.constant 2 : i32
    %mul3A_0 = arith.muli %arg1, %mul3A : i32
    %add3A = arith.addi %mul3A_0, %arg0 : i32
    %broadcast_in_dim3A = arith.constant 0 : i32
    %broadcast_in_dim3A_1 = vector.broadcast %broadcast_in_dim3A : i32 to vector<16xi32>
    %scan3A = arith.constant 0 : i32
    %scan3A_2 = arith.constant 0 : i32
    %scan3A_3 = arith.constant 1024 : i32
    %scan3A_4 = arith.addi %scan3A_2, %scan3A_3 : i32
    %scan3A_5 = arith.constant 1 : i32
    %scan3A_6 = scf.for %scan3A_62 = %scan3A_2 to %scan3A_4 step %scan3A_5 iter_args(%scan3A_63 = %scan3A) -> (i32)  : i32 {
      %mul3A_64 = arith.constant 16 : i32
      %mul3A_65 = arith.muli %scan3A_62, %mul3A_64 : i32
      %swap3A = arith.index_cast %mul3A_65 : i32 to index
      %swap3A_66 = tpu.vector_load %arg9[%swap3A] {strides = array<i32>} : memref<16384xi32, #tpu.memory_space<vmem>>, vector<16xi32>,
      tpu.vector_store %arg9[%swap3A], %broadcast_in_dim3A_1 {strides = array<i32>} : memref<16384xi32, #tpu.memory_space<vmem>>, vector<16xi32>,
      %scan3A_67 = arith.constant 0 : i32
      scf.yield %scan3A_67 : i32
    }
    %scan3A_7 = arith.constant 1024 : i32
    %broadcast_in_dim3A_8 = arith.constant 1 : i32
    %broadcast_in_dim3A_9 = vector.broadcast %broadcast_in_dim3A_8 : i32 to vector<16xi32>
    %iota3A = tpu.iota {dimensions = array<i32: 0>} : vector<16xi32>
    %convert_element_type3A = arith.sitofp %iota3A : vector<16xi32> to vector<16xf32>
    %mul3A_10 = arith.constant 4 : i32
    %mul3A_11 = arith.muli %add3A, %mul3A_10 : i32
    %add3A_12 = arith.constant 0 : i32
    %add3A_13 = arith.addi %mul3A_11, %add3A_12 : i32
    %dma_start3A = arith.constant 0 : i32
    %dma_start3A_14 = arith.constant 0 : i32
    %dma_start3A_15 = tpu.memref_slice %arg2[%add3A_13, %dma_start3A, %dma_start3A_14] : memref<128x512x512xf32, #tpu.memory_space<hbm>> -> memref<1x64x512xf32, #tpu.memory_space<hbm>>
    %dma_start3A_16 = tpu.memref_squeeze %dma_start3A_15 : memref<1x64x512xf32, #tpu.memory_space<hbm>> -> memref<64x512xf32, #tpu.memory_space<hbm>>
    %dma_start3A_17 = arith.constant 0 : i32
    %dma_start3A_18 = arith.constant 0 : i32
    %dma_start3A_19 = tpu.memref_slice %arg2[%add3A_13, %dma_start3A_17, %dma_start3A_18] : memref<128x512x512xf32, #tpu.memory_space<hbm>> -> memref<1x64x512xf32, #tpu.memory_space<hbm>>
    %dma_start3A_20 = tpu.memref_squeeze %dma_start3A_19 : memref<1x64x512xf32, #tpu.memory_space<hbm>> -> memref<64x512xf32, #tpu.memory_space<hbm>>
    tpu.enqueue_dma source(%dma_start3A_20 : memref<64x512xf32, #tpu.memory_space<hbm>>) target(%arg5 : memref<64x512xf32, #tpu.memory_space<vmem>>) target_semaphore(%arg11 : memref<!tpu.dma_semaphore, #tpu.memory_space<semaphore_mem>>)
    %mul3A_21 = arith.constant 4 : i32
    %mul3A_22 = arith.muli %add3A, %mul3A_21 : i32
    %add3A_23 = arith.constant 0 : i32
    %add3A_24 = arith.addi %mul3A_22, %add3A_23 : i32
    %dma_start3A_25 = arith.constant 64 : i32
    %dma_start3A_26 = arith.constant 0 : i32
    %dma_start3A_27 = tpu.memref_slice %arg2[%add3A_24, %dma_start3A_25, %dma_start3A_26] : memref<128x512x512xf32, #tpu.memory_space<hbm>> -> memref<1x64x512xf32, #tpu.memory_space<hbm>>
    %dma_start3A_28 = tpu.memref_squeeze %dma_start3A_27 : memref<1x64x512xf32, #tpu.memory_space<hbm>> -> memref<64x512xf32, #tpu.memory_space<hbm>>
    %dma_start3A_29 = arith.constant 64 : i32
    %dma_start3A_30 = arith.constant 0 : i32
    %dma_start3A_31 = tpu.memref_slice %arg2[%add3A_24, %dma_start3A_29, %dma_start3A_30] : memref<128x512x512xf32, #tpu.memory_space<hbm>> -> memref<1x64x512xf32, #tpu.memory_space<hbm>>
    %dma_start3A_32 = tpu.memref_squeeze %dma_start3A_31 : memref<1x64x512xf32, #tpu.memory_space<hbm>> -> memref<64x512xf32, #tpu.memory_space<hbm>>
    tpu.enqueue_dma source(%dma_start3A_32 : memref<64x512xf32, #tpu.memory_space<hbm>>) target(%arg6 : memref<64x512xf32, #tpu.memory_space<vmem>>) target_semaphore(%arg12 : memref<!tpu.dma_semaphore, #tpu.memory_space<semaphore_mem>>)
    %scan3A_33 = arith.constant 1.600000e+01 : f32
    %scan3A_34 = arith.constant 0 : i32
    %scan3A_35 = arith.constant 0 : i32
    %scan3A_36 = arith.constant 16 : i32
    %scan3A_37 = arith.addi %scan3A_35, %scan3A_36 : i32
    %scan3A_38 = arith.constant 1 : i32
    %scan3A_39 = scf.for %scan3A_62 = %scan3A_35 to %scan3A_37 step %scan3A_38 iter_args(%scan3A_63 = %scan3A_34) -> (i32)  : i32 {
      %mul3A_64 = arith.constant 2 : i32
      %mul3A_65 = arith.muli %mul3A_64, %scan3A_62 : i32
      %add3A_66 = arith.constant 0 : i32
      %add3A_67 = arith.addi %mul3A_65, %add3A_66 : i32
      %mul3A_68 = arith.constant 4 : i32
      %mul3A_69 = arith.muli %add3A, %mul3A_68 : i32
      %jit3A = arith.constant 8 : i32
      %div3A = arith.divsi %add3A_67, %jit3A : i32
      %sign3A = arith.constant 0 : i32
      %sign3A_70 = arith.cmpi sgt, %add3A_67, %sign3A : i32
      %sign3A_71 = arith.extui %sign3A_70 : i1 to i32
      %sign3A_72 = arith.constant 0 : i32
      %sign3A_73 = arith.cmpi slt, %add3A_67, %sign3A_72 : i32
      %sign3A_74 = arith.extui %sign3A_73 : i1 to i32
      %sign3A_75 = arith.subi %sign3A_71, %sign3A_74 : i32
      %sign3A_76 = arith.constant 0 : i32
      %sign3A_77 = arith.cmpi sgt, %jit3A, %sign3A_76 : i32
      %sign3A_78 = arith.extui %sign3A_77 : i1 to i32
      %sign3A_79 = arith.constant 0 : i32
      %sign3A_80 = arith.cmpi slt, %jit3A, %sign3A_79 : i32
      %sign3A_81 = arith.extui %sign3A_80 : i1 to i32
      %sign3A_82 = arith.subi %sign3A_78, %sign3A_81 : i32
      %ne3A = arith.cmpi ne, %sign3A_75, %sign3A_82 : i32
      %rem3A = arith.remsi %add3A_67, %jit3A : i32
      %ne3A_83 = arith.constant 0 : i32
      %ne3A_84 = arith.cmpi ne, %rem3A, %ne3A_83 : i32
      %and3A = arith.andi %ne3A, %ne3A_84 : i1
      %sub3A = arith.constant 1 : i32
      %sub3A_85 = arith.subi %div3A, %sub3A : i32
      %select_n3A = arith.select %and3A, %sub3A_85, %div3A : i32
      %add3A_86 = arith.addi %mul3A_69, %select_n3A : i32
      %jit3A_87 = arith.constant 8 : i32
      %eq3A = arith.constant 0 : i32
      %eq3A_88 = arith.cmpi eq, %jit3A_87, %eq3A : i32
      %jit3A_89 = arith.constant 1 : i32
      %select_n3A_90 = arith.select %eq3A_88, %jit3A_89, %jit3A_87 : i32
      %rem3A_91 = arith.remsi %add3A_67, %select_n3A_90 : i32
      %ne3A_92 = arith.constant 0 : i32
      %ne3A_93 = arith.cmpi ne, %rem3A_91, %ne3A_92 : i32
      %lt3A = arith.constant 0 : i32
      %lt3A_94 = arith.cmpi slt, %rem3A_91, %lt3A : i32
      %lt3A_95 = arith.constant 0 : i32
      %lt3A_96 = arith.cmpi slt, %select_n3A_90, %lt3A_95 : i32
      %ne3A_97 = arith.xori %lt3A_94, %lt3A_96 : i1
      %and3A_98 = arith.andi %ne3A_97, %ne3A_93 : i1
      %add3A_99 = arith.addi %rem3A_91, %select_n3A_90 : i32
      %select_n3A_100 = arith.select %and3A_98, %add3A_99, %rem3A_91 : i32
      %mul3A_101 = arith.constant 64 : i32
      %mul3A_102 = arith.muli %select_n3A_100, %mul3A_101 : i32
      %dma_wait3A_103 = arith.constant 0 : i32
      %dma_wait3A_104 = tpu.memref_slice %arg2[%add3A_86, %mul3A_102, %dma_wait3A_103] : memref<128x512x512xf32, #tpu.memory_space<hbm>> -> memref<1x64x512xf32, #tpu.memory_space<hbm>>
      %dma_wait3A_105 = tpu.memref_squeeze %dma_wait3A_104 : memref<1x64x512xf32, #tpu.memory_space<hbm>> -> memref<64x512xf32, #tpu.memory_space<hbm>>
      %dma_wait3A_106 = arith.constant 0 : i32
      %dma_wait3A_107 = tpu.memref_slice %arg2[%add3A_86, %mul3A_102, %dma_wait3A_106] : memref<128x512x512xf32, #tpu.memory_space<hbm>> -> memref<1x64x512xf32, #tpu.memory_space<hbm>>
      %dma_wait3A_108 = tpu.memref_squeeze %dma_wait3A_107 : memref<1x64x512xf32, #tpu.memory_space<hbm>> -> memref<64x512xf32, #tpu.memory_space<hbm>>
      tpu.wait_dma2 semaphore(%arg11 : memref<!tpu.dma_semaphore, #tpu.memory_space<semaphore_mem>>) src(%dma_wait3A_108 : memref<64x512xf32, #tpu.memory_space<hbm>>) dst(%arg5 : memref<64x512xf32, #tpu.memory_space<vmem>>)
      %ge3A = arith.constant 2 : i32
      %ge3A_109 = arith.cmpi sge, %add3A_67, %ge3A : i32
      %convert_element_type3A_110 = arith.extui %ge3A_109 : i1 to i32
      %cond3A = arith.constant 0 : i32
      %cond3A_111 = arith.cmpi ne, %convert_element_type3A_110, %cond3A : i32
      scf.if %cond3A_111 {
        %sub3A_206 = arith.constant 2 : i32
        %sub3A_207 = arith.subi %add3A_67, %sub3A_206 : i32
        %mul3A_208 = arith.constant 524288 : i32
        %mul3A_209 = arith.muli %add3A, %mul3A_208 : i32
        %mul3A_210 = arith.constant 16384 : i32
        %mul3A_211 = arith.muli %sub3A_207, %mul3A_210 : i32
        %add3A_212 = arith.addi %mul3A_209, %mul3A_211 : i32
        %dma_wait3A_213 = tpu.memref_slice %arg4[%add3A_212] : memref<16777216xi32, #tpu.memory_space<hbm>> -> memref<16384xi32, #tpu.memory_space<hbm>>
        %dma_wait3A_214 = tpu.memref_slice %arg4[%add3A_212] : memref<16777216xi32, #tpu.memory_space<hbm>> -> memref<16384xi32, #tpu.memory_space<hbm>>
        tpu.wait_dma2 semaphore(%arg13 : memref<!tpu.dma_semaphore, #tpu.memory_space<semaphore_mem>>) src(%arg7 : memref<16384xi32, #tpu.memory_space<vmem>>) dst(%dma_wait3A_214 : memref<16384xi32, #tpu.memory_space<hbm>>)
      } else {
      }
      %parallel_loop3A = arith.constant 0 : i32
      %parallel_loop3A_112 = arith.constant 1024 : i32
      %parallel_loop3A_113 = arith.constant 1 : i32
      scf.for %parallel_loop3A_206 = %parallel_loop3A to %parallel_loop3A_112 step %parallel_loop3A_113  : i32 {
        %parallel_loop3A_207 = arith.constant 2 : i32
        %parallel_loop3A_208 = arith.muli %parallel_loop3A_207, %parallel_loop3A_206 : i32
        %parallel_loop3A_209 = arith.constant 2 : i32
        %parallel_loop3A_210 = arith.muli %parallel_loop3A_209, %parallel_loop3A_206 : i32
        %parallel_loop3A_211 = arith.constant 1 : i32
        %parallel_loop3A_212 = arith.addi %parallel_loop3A_210, %parallel_loop3A_211 : i32
        %parallel_loop3A_213 = arith.constant 32 : i32
        %parallel_loop3A_214 = arith.divsi %parallel_loop3A_208, %parallel_loop3A_213 : i32
        %parallel_loop3A_215 = arith.constant 0 : i32
        %parallel_loop3A_216 = arith.cmpi sgt, %parallel_loop3A_208, %parallel_loop3A_215 : i32
        %parallel_loop3A_217 = arith.extui %parallel_loop3A_216 : i1 to i32
        %parallel_loop3A_218 = arith.constant 0 : i32
        %parallel_loop3A_219 = arith.cmpi slt, %parallel_loop3A_208, %parallel_loop3A_218 : i32
        %parallel_loop3A_220 = arith.extui %parallel_loop3A_219 : i1 to i32
        %parallel_loop3A_221 = arith.subi %parallel_loop3A_217, %parallel_loop3A_220 : i32
        %parallel_loop3A_222 = arith.constant 0 : i32
        %parallel_loop3A_223 = arith.cmpi sgt, %parallel_loop3A_213, %parallel_loop3A_222 : i32
        %parallel_loop3A_224 = arith.extui %parallel_loop3A_223 : i1 to i32
        %parallel_loop3A_225 = arith.constant 0 : i32
        %parallel_loop3A_226 = arith.cmpi slt, %parallel_loop3A_213, %parallel_loop3A_225 : i32
        %parallel_loop3A_227 = arith.extui %parallel_loop3A_226 : i1 to i32
        %parallel_loop3A_228 = arith.subi %parallel_loop3A_224, %parallel_loop3A_227 : i32
        %parallel_loop3A_229 = arith.cmpi ne, %parallel_loop3A_221, %parallel_loop3A_228 : i32
        %parallel_loop3A_230 = arith.remsi %parallel_loop3A_208, %parallel_loop3A_213 : i32
        %parallel_loop3A_231 = arith.constant 0 : i32
        %parallel_loop3A_232 = arith.cmpi ne, %parallel_loop3A_230, %parallel_loop3A_231 : i32
        %parallel_loop3A_233 = arith.andi %parallel_loop3A_229, %parallel_loop3A_232 : i1
        %parallel_loop3A_234 = arith.constant 1 : i32
        %parallel_loop3A_235 = arith.subi %parallel_loop3A_214, %parallel_loop3A_234 : i32
        %parallel_loop3A_236 = arith.select %parallel_loop3A_233, %parallel_loop3A_235, %parallel_loop3A_214 : i32
        %parallel_loop3A_237 = arith.constant 32 : i32
        %parallel_loop3A_238 = arith.constant 0 : i32
        %parallel_loop3A_239 = arith.cmpi eq, %parallel_loop3A_237, %parallel_loop3A_238 : i32
        %parallel_loop3A_240 = arith.constant 1 : i32
        %parallel_loop3A_241 = arith.select %parallel_loop3A_239, %parallel_loop3A_240, %parallel_loop3A_237 : i32
        %parallel_loop3A_242 = arith.remsi %parallel_loop3A_208, %parallel_loop3A_241 : i32
        %parallel_loop3A_243 = arith.constant 0 : i32
        %parallel_loop3A_244 = arith.cmpi ne, %parallel_loop3A_242, %parallel_loop3A_243 : i32
        %parallel_loop3A_245 = arith.constant 0 : i32
        %parallel_loop3A_246 = arith.cmpi slt, %parallel_loop3A_242, %parallel_loop3A_245 : i32
        %parallel_loop3A_247 = arith.constant 0 : i32
        %parallel_loop3A_248 = arith.cmpi slt, %parallel_loop3A_241, %parallel_loop3A_247 : i32
        %parallel_loop3A_249 = arith.xori %parallel_loop3A_246, %parallel_loop3A_248 : i1
        %parallel_loop3A_250 = arith.andi %parallel_loop3A_249, %parallel_loop3A_244 : i1
        %parallel_loop3A_251 = arith.addi %parallel_loop3A_242, %parallel_loop3A_241 : i32
        %parallel_loop3A_252 = arith.select %parallel_loop3A_250, %parallel_loop3A_251, %parallel_loop3A_242 : i32
        %parallel_loop3A_253 = arith.constant 16 : i32
        %parallel_loop3A_254 = arith.muli %parallel_loop3A_252, %parallel_loop3A_253 : i32
        %parallel_loop3A_255 = arith.index_cast %parallel_loop3A_236 : i32 to index
        %parallel_loop3A_256 = arith.index_cast %parallel_loop3A_254 : i32 to index
        %parallel_loop3A_257 = tpu.vector_load %arg5[%parallel_loop3A_255, %parallel_loop3A_256] {strides = array<i32>} : memref<64x512xf32, #tpu.memory_space<vmem>>, vector<16xf32>,
        %parallel_loop3A_258 = arith.constant 32 : i32
        %parallel_loop3A_259 = arith.divsi %parallel_loop3A_212, %parallel_loop3A_258 : i32
        %parallel_loop3A_260 = arith.constant 0 : i32
        %parallel_loop3A_261 = arith.cmpi sgt, %parallel_loop3A_212, %parallel_loop3A_260 : i32
        %parallel_loop3A_262 = arith.extui %parallel_loop3A_261 : i1 to i32
        %parallel_loop3A_263 = arith.constant 0 : i32
        %parallel_loop3A_264 = arith.cmpi slt, %parallel_loop3A_212, %parallel_loop3A_263 : i32
        %parallel_loop3A_265 = arith.extui %parallel_loop3A_264 : i1 to i32
        %parallel_loop3A_266 = arith.subi %parallel_loop3A_262, %parallel_loop3A_265 : i32
        %parallel_loop3A_267 = arith.constant 0 : i32
        %parallel_loop3A_268 = arith.cmpi sgt, %parallel_loop3A_258, %parallel_loop3A_267 : i32
        %parallel_loop3A_269 = arith.extui %parallel_loop3A_268 : i1 to i32
        %parallel_loop3A_270 = arith.constant 0 : i32
        %parallel_loop3A_271 = arith.cmpi slt, %parallel_loop3A_258, %parallel_loop3A_270 : i32
        %parallel_loop3A_272 = arith.extui %parallel_loop3A_271 : i1 to i32
        %parallel_loop3A_273 = arith.subi %parallel_loop3A_269, %parallel_loop3A_272 : i32
        %parallel_loop3A_274 = arith.cmpi ne, %parallel_loop3A_266, %parallel_loop3A_273 : i32
        %parallel_loop3A_275 = arith.remsi %parallel_loop3A_212, %parallel_loop3A_258 : i32
        %parallel_loop3A_276 = arith.constant 0 : i32
        %parallel_loop3A_277 = arith.cmpi ne, %parallel_loop3A_275, %parallel_loop3A_276 : i32
        %parallel_loop3A_278 = arith.andi %parallel_loop3A_274, %parallel_loop3A_277 : i1
        %parallel_loop3A_279 = arith.constant 1 : i32
        %parallel_loop3A_280 = arith.subi %parallel_loop3A_259, %parallel_loop3A_279 : i32
        %parallel_loop3A_281 = arith.select %parallel_loop3A_278, %parallel_loop3A_280, %parallel_loop3A_259 : i32
        %parallel_loop3A_282 = arith.constant 32 : i32
        %parallel_loop3A_283 = arith.constant 0 : i32
        %parallel_loop3A_284 = arith.cmpi eq, %parallel_loop3A_282, %parallel_loop3A_283 : i32
        %parallel_loop3A_285 = arith.constant 1 : i32
        %parallel_loop3A_286 = arith.select %parallel_loop3A_284, %parallel_loop3A_285, %parallel_loop3A_282 : i32
        %parallel_loop3A_287 = arith.remsi %parallel_loop3A_212, %parallel_loop3A_286 : i32
        %parallel_loop3A_288 = arith.constant 0 : i32
        %parallel_loop3A_289 = arith.cmpi ne, %parallel_loop3A_287, %parallel_loop3A_288 : i32
        %parallel_loop3A_290 = arith.constant 0 : i32
        %parallel_loop3A_291 = arith.cmpi slt, %parallel_loop3A_287, %parallel_loop3A_290 : i32
        %parallel_loop3A_292 = arith.constant 0 : i32
        %parallel_loop3A_293 = arith.cmpi slt, %parallel_loop3A_286, %parallel_loop3A_292 : i32
        %parallel_loop3A_294 = arith.xori %parallel_loop3A_291, %parallel_loop3A_293 : i1
        %parallel_loop3A_295 = arith.andi %parallel_loop3A_294, %parallel_loop3A_289 : i1
        %parallel_loop3A_296 = arith.addi %parallel_loop3A_287, %parallel_loop3A_286 : i32
        %parallel_loop3A_297 = arith.select %parallel_loop3A_295, %parallel_loop3A_296, %parallel_loop3A_287 : i32
        %parallel_loop3A_298 = arith.constant 16 : i32
        %parallel_loop3A_299 = arith.muli %parallel_loop3A_297, %parallel_loop3A_298 : i32
        %parallel_loop3A_300 = arith.index_cast %parallel_loop3A_281 : i32 to index
        %parallel_loop3A_301 = arith.index_cast %parallel_loop3A_299 : i32 to index
        %parallel_loop3A_302 = tpu.vector_load %arg5[%parallel_loop3A_300, %parallel_loop3A_301] {strides = array<i32>} : memref<64x512xf32, #tpu.memory_space<vmem>>, vector<16xf32>,
        %parallel_loop3A_303 = vector.broadcast %scan3A_33 : f32 to vector<16xf32>
        %parallel_loop3A_304 = arith.mulf %parallel_loop3A_257, %parallel_loop3A_303 : vector<16xf32>
        %parallel_loop3A_305 = arith.addf %parallel_loop3A_304, %convert_element_type3A : vector<16xf32>
        %parallel_loop3A_306 = arith.fptosi %parallel_loop3A_305 : vector<16xf32> to vector<16xi32>
        %parallel_loop3A_307 = vector.broadcast %scan3A_33 : f32 to vector<16xf32>
        %parallel_loop3A_308 = arith.mulf %parallel_loop3A_302, %parallel_loop3A_307 : vector<16xf32>
        %parallel_loop3A_309 = arith.addf %parallel_loop3A_308, %convert_element_type3A : vector<16xf32>
        %parallel_loop3A_310 = arith.fptosi %parallel_loop3A_309 : vector<16xf32> to vector<16xi32>
        tpu.vector_store_idx %arg9[%parallel_loop3A_306], %broadcast_in_dim3A_9 {add = true} : memref<16384xi32, #tpu.memory_space<vmem>>[vector<16xi32>], vector<16xi32>,
        tpu.vector_store_idx %arg9[%parallel_loop3A_310], %broadcast_in_dim3A_9 {add = true} : memref<16384xi32, #tpu.memory_space<vmem>>[vector<16xi32>], vector<16xi32>,
        %parallel_loop3A_311 = tpu.pack_subelements %parallel_loop3A_306, %parallel_loop3A_310 {pack_format = #tpu.pack_format<interleaved>, positions = array<i32: 0, 1>} : vector<16xi32>, vector<16xi32> -> vector<32xi16>
        %parallel_loop3A_312 = vector.bitcast %parallel_loop3A_311 : vector<32xi16> to vector<16xi32>
        %parallel_loop3A_313 = arith.constant 16 : i32
        %parallel_loop3A_314 = arith.muli %parallel_loop3A_206, %parallel_loop3A_313 : i32
        %parallel_loop3A_315 = tpu.assume_multiple %parallel_loop3A_314, 16 : i32
        %parallel_loop3A_316 = arith.index_cast %parallel_loop3A_315 : i32 to index
        %parallel_loop3A_317 = tpu.vector_load %arg7[%parallel_loop3A_316] {strides = array<i32>} : memref<16384xi32, #tpu.memory_space<vmem>>, vector<16xi32>,
        tpu.vector_store %arg7[%parallel_loop3A_316], %parallel_loop3A_312 {strides = array<i32>} : memref<16384xi32, #tpu.memory_space<vmem>>, vector<16xi32>,
      } {sc.loop_unroll_factor = 8 : i64, sc.parallel_access}
      %mul3A_114 = arith.constant 524288 : i32
      %mul3A_115 = arith.muli %add3A, %mul3A_114 : i32
      %mul3A_116 = arith.constant 16384 : i32
      %mul3A_117 = arith.muli %add3A_67, %mul3A_116 : i32
      %add3A_118 = arith.addi %mul3A_115, %mul3A_117 : i32
      %dma_start3A_119 = tpu.memref_slice %arg4[%add3A_118] : memref<16777216xi32, #tpu.memory_space<hbm>> -> memref<16384xi32, #tpu.memory_space<hbm>>
      %dma_start3A_120 = tpu.memref_slice %arg4[%add3A_118] : memref<16777216xi32, #tpu.memory_space<hbm>> -> memref<16384xi32, #tpu.memory_space<hbm>>
      tpu.enqueue_dma source(%arg7 : memref<16384xi32, #tpu.memory_space<vmem>>) target(%dma_start3A_120 : memref<16384xi32, #tpu.memory_space<hbm>>) target_semaphore(%arg13 : memref<!tpu.dma_semaphore, #tpu.memory_space<semaphore_mem>>)
      %add3A_121 = arith.constant 2 : i32
      %add3A_122 = arith.addi %add3A_67, %add3A_121 : i32
      %lt3A_123 = arith.constant 32 : i32
      %lt3A_124 = arith.cmpi slt, %add3A_122, %lt3A_123 : i32
      %convert_element_type3A_125 = arith.extui %lt3A_124 : i1 to i32
      %cond3A_126 = arith.constant 0 : i32
      %cond3A_127 = arith.cmpi ne, %convert_element_type3A_125, %cond3A_126 : i32
      scf.if %cond3A_127 {
        %add3A_206 = arith.constant 2 : i32
        %add3A_207 = arith.addi %add3A_67, %add3A_206 : i32
        %mul3A_208 = arith.constant 4 : i32
        %mul3A_209 = arith.muli %add3A, %mul3A_208 : i32
        %jit3A_210 = arith.constant 8 : i32
        %div3A_211 = arith.divsi %add3A_207, %jit3A_210 : i32
        %sign3A_212 = arith.constant 0 : i32
        %sign3A_213 = arith.cmpi sgt, %add3A_207, %sign3A_212 : i32
        %sign3A_214 = arith.extui %sign3A_213 : i1 to i32
        %sign3A_215 = arith.constant 0 : i32
        %sign3A_216 = arith.cmpi slt, %add3A_207, %sign3A_215 : i32
        %sign3A_217 = arith.extui %sign3A_216 : i1 to i32
        %sign3A_218 = arith.subi %sign3A_214, %sign3A_217 : i32
        %sign3A_219 = arith.constant 0 : i32
        %sign3A_220 = arith.cmpi sgt, %jit3A_210, %sign3A_219 : i32
        %sign3A_221 = arith.extui %sign3A_220 : i1 to i32
        %sign3A_222 = arith.constant 0 : i32
        %sign3A_223 = arith.cmpi slt, %jit3A_210, %sign3A_222 : i32
        %sign3A_224 = arith.extui %sign3A_223 : i1 to i32
        %sign3A_225 = arith.subi %sign3A_221, %sign3A_224 : i32
        %ne3A_226 = arith.cmpi ne, %sign3A_218, %sign3A_225 : i32
        %rem3A_227 = arith.remsi %add3A_207, %jit3A_210 : i32
        %ne3A_228 = arith.constant 0 : i32
        %ne3A_229 = arith.cmpi ne, %rem3A_227, %ne3A_228 : i32
        %and3A_230 = arith.andi %ne3A_226, %ne3A_229 : i1
        %sub3A_231 = arith.constant 1 : i32
        %sub3A_232 = arith.subi %div3A_211, %sub3A_231 : i32
        %select_n3A_233 = arith.select %and3A_230, %sub3A_232, %div3A_211 : i32
        %add3A_234 = arith.addi %mul3A_209, %select_n3A_233 : i32
        %jit3A_235 = arith.constant 8 : i32
        %eq3A_236 = arith.constant 0 : i32
        %eq3A_237 = arith.cmpi eq, %jit3A_235, %eq3A_236 : i32
        %jit3A_238 = arith.constant 1 : i32
        %select_n3A_239 = arith.select %eq3A_237, %jit3A_238, %jit3A_235 : i32
        %rem3A_240 = arith.remsi %add3A_207, %select_n3A_239 : i32
        %ne3A_241 = arith.constant 0 : i32
        %ne3A_242 = arith.cmpi ne, %rem3A_240, %ne3A_241 : i32
        %lt3A_243 = arith.constant 0 : i32
        %lt3A_244 = arith.cmpi slt, %rem3A_240, %lt3A_243 : i32
        %lt3A_245 = arith.constant 0 : i32
        %lt3A_246 = arith.cmpi slt, %select_n3A_239, %lt3A_245 : i32
        %ne3A_247 = arith.xori %lt3A_244, %lt3A_246 : i1
        %and3A_248 = arith.andi %ne3A_247, %ne3A_242 : i1
        %add3A_249 = arith.addi %rem3A_240, %select_n3A_239 : i32
        %select_n3A_250 = arith.select %and3A_248, %add3A_249, %rem3A_240 : i32
        %mul3A_251 = arith.constant 64 : i32
        %mul3A_252 = arith.muli %select_n3A_250, %mul3A_251 : i32
        %dma_start3A_253 = arith.constant 0 : i32
        %dma_start3A_254 = tpu.memref_slice %arg2[%add3A_234, %mul3A_252, %dma_start3A_253] : memref<128x512x512xf32, #tpu.memory_space<hbm>> -> memref<1x64x512xf32, #tpu.memory_space<hbm>>
        %dma_start3A_255 = tpu.memref_squeeze %dma_start3A_254 : memref<1x64x512xf32, #tpu.memory_space<hbm>> -> memref<64x512xf32, #tpu.memory_space<hbm>>
        %dma_start3A_256 = arith.constant 0 : i32
        %dma_start3A_257 = tpu.memref_slice %arg2[%add3A_234, %mul3A_252, %dma_start3A_256] : memref<128x512x512xf32, #tpu.memory_space<hbm>> -> memref<1x64x512xf32, #tpu.memory_space<hbm>>
        %dma_start3A_258 = tpu.memref_squeeze %dma_start3A_257 : memref<1x64x512xf32, #tpu.memory_space<hbm>> -> memref<64x512xf32, #tpu.memory_space<hbm>>
        tpu.enqueue_dma source(%dma_start3A_258 : memref<64x512xf32, #tpu.memory_space<hbm>>) target(%arg5 : memref<64x512xf32, #tpu.memory_space<vmem>>) target_semaphore(%arg11 : memref<!tpu.dma_semaphore, #tpu.memory_space<semaphore_mem>>)
      } else {
      }
      %mul3A_128 = arith.constant 2 : i32
      %mul3A_129 = arith.muli %mul3A_128, %scan3A_62 : i32
      %add3A_130 = arith.constant 1 : i32
      %add3A_131 = arith.addi %mul3A_129, %add3A_130 : i32
      %mul3A_132 = arith.constant 4 : i32
      %mul3A_133 = arith.muli %add3A, %mul3A_132 : i32
      %jit3A_134 = arith.constant 8 : i32
      %div3A_135 = arith.divsi %add3A_131, %jit3A_134 : i32
      %sign3A_136 = arith.constant 0 : i32
      %sign3A_137 = arith.cmpi sgt, %add3A_131, %sign3A_136 : i32
      %sign3A_138 = arith.extui %sign3A_137 : i1 to i32
      %sign3A_139 = arith.constant 0 : i32
      %sign3A_140 = arith.cmpi slt, %add3A_131, %sign3A_139 : i32
      %sign3A_141 = arith.extui %sign3A_140 : i1 to i32
      %sign3A_142 = arith.subi %sign3A_138, %sign3A_141 : i32
      %sign3A_143 = arith.constant 0 : i32
      %sign3A_144 = arith.cmpi sgt, %jit3A_134, %sign3A_143 : i32
      %sign3A_145 = arith.extui %sign3A_144 : i1 to i32
      %sign3A_146 = arith.constant 0 : i32
      %sign3A_147 = arith.cmpi slt, %jit3A_134, %sign3A_146 : i32
      %sign3A_148 = arith.extui %sign3A_147 : i1 to i32
      %sign3A_149 = arith.subi %sign3A_145, %sign3A_148 : i32
      %ne3A_150 = arith.cmpi ne, %sign3A_142, %sign3A_149 : i32
      %rem3A_151 = arith.remsi %add3A_131, %jit3A_134 : i32
      %ne3A_152 = arith.constant 0 : i32
      %ne3A_153 = arith.cmpi ne, %rem3A_151, %ne3A_152 : i32
      %and3A_154 = arith.andi %ne3A_150, %ne3A_153 : i1
      %sub3A_155 = arith.constant 1 : i32
      %sub3A_156 = arith.subi %div3A_135, %sub3A_155 : i32
      %select_n3A_157 = arith.select %and3A_154, %sub3A_156, %div3A_135 : i32
      %add3A_158 = arith.addi %mul3A_133, %select_n3A_157 : i32
      %jit3A_159 = arith.constant 8 : i32
      %eq3A_160 = arith.constant 0 : i32
      %eq3A_161 = arith.cmpi eq, %jit3A_159, %eq3A_160 : i32
      %jit3A_162 = arith.constant 1 : i32
      %select_n3A_163 = arith.select %eq3A_161, %jit3A_162, %jit3A_159 : i32
      %rem3A_164 = arith.remsi %add3A_131, %select_n3A_163 : i32
      %ne3A_165 = arith.constant 0 : i32
      %ne3A_166 = arith.cmpi ne, %rem3A_164, %ne3A_165 : i32
      %lt3A_167 = arith.constant 0 : i32
      %lt3A_168 = arith.cmpi slt, %rem3A_164, %lt3A_167 : i32
      %lt3A_169 = arith.constant 0 : i32
      %lt3A_170 = arith.cmpi slt, %select_n3A_163, %lt3A_169 : i32
      %ne3A_171 = arith.xori %lt3A_168, %lt3A_170 : i1
      %and3A_172 = arith.andi %ne3A_171, %ne3A_166 : i1
      %add3A_173 = arith.addi %rem3A_164, %select_n3A_163 : i32
      %select_n3A_174 = arith.select %and3A_172, %add3A_173, %rem3A_164 : i32
      %mul3A_175 = arith.constant 64 : i32
      %mul3A_176 = arith.muli %select_n3A_174, %mul3A_175 : i32
      %dma_wait3A_177 = arith.constant 0 : i32
      %dma_wait3A_178 = tpu.memref_slice %arg2[%add3A_158, %mul3A_176, %dma_wait3A_177] : memref<128x512x512xf32, #tpu.memory_space<hbm>> -> memref<1x64x512xf32, #tpu.memory_space<hbm>>
      %dma_wait3A_179 = tpu.memref_squeeze %dma_wait3A_178 : memref<1x64x512xf32, #tpu.memory_space<hbm>> -> memref<64x512xf32, #tpu.memory_space<hbm>>
      %dma_wait3A_180 = arith.constant 0 : i32
      %dma_wait3A_181 = tpu.memref_slice %arg2[%add3A_158, %mul3A_176, %dma_wait3A_180] : memref<128x512x512xf32, #tpu.memory_space<hbm>> -> memref<1x64x512xf32, #tpu.memory_space<hbm>>
      %dma_wait3A_182 = tpu.memref_squeeze %dma_wait3A_181 : memref<1x64x512xf32, #tpu.memory_space<hbm>> -> memref<64x512xf32, #tpu.memory_space<hbm>>
      tpu.wait_dma2 semaphore(%arg12 : memref<!tpu.dma_semaphore, #tpu.memory_space<semaphore_mem>>) src(%dma_wait3A_182 : memref<64x512xf32, #tpu.memory_space<hbm>>) dst(%arg6 : memref<64x512xf32, #tpu.memory_space<vmem>>)
      %ge3A_183 = arith.constant 2 : i32
      %ge3A_184 = arith.cmpi sge, %add3A_131, %ge3A_183 : i32
      %convert_element_type3A_185 = arith.extui %ge3A_184 : i1 to i32
      %cond3A_186 = arith.constant 0 : i32
      %cond3A_187 = arith.cmpi ne, %convert_element_type3A_185, %cond3A_186 : i32
      scf.if %cond3A_187 {
        %sub3A_206 = arith.constant 2 : i32
        %sub3A_207 = arith.subi %add3A_131, %sub3A_206 : i32
        %mul3A_208 = arith.constant 524288 : i32
        %mul3A_209 = arith.muli %add3A, %mul3A_208 : i32
        %mul3A_210 = arith.constant 16384 : i32
        %mul3A_211 = arith.muli %sub3A_207, %mul3A_210 : i32
        %add3A_212 = arith.addi %mul3A_209, %mul3A_211 : i32
        %dma_wait3A_213 = tpu.memref_slice %arg4[%add3A_212] : memref<16777216xi32, #tpu.memory_space<hbm>> -> memref<16384xi32, #tpu.memory_space<hbm>>
        %dma_wait3A_214 = tpu.memref_slice %arg4[%add3A_212] : memref<16777216xi32, #tpu.memory_space<hbm>> -> memref<16384xi32, #tpu.memory_space<hbm>>
        tpu.wait_dma2 semaphore(%arg14 : memref<!tpu.dma_semaphore, #tpu.memory_space<semaphore_mem>>) src(%arg8 : memref<16384xi32, #tpu.memory_space<vmem>>) dst(%dma_wait3A_214 : memref<16384xi32, #tpu.memory_space<hbm>>)
      } else {
      }
      %parallel_loop3A_188 = arith.constant 0 : i32
      %parallel_loop3A_189 = arith.constant 1024 : i32
      %parallel_loop3A_190 = arith.constant 1 : i32
      scf.for %parallel_loop3A_206 = %parallel_loop3A_188 to %parallel_loop3A_189 step %parallel_loop3A_190  : i32 {
        %parallel_loop3A_207 = arith.constant 2 : i32
        %parallel_loop3A_208 = arith.muli %parallel_loop3A_207, %parallel_loop3A_206 : i32
        %parallel_loop3A_209 = arith.constant 2 : i32
        %parallel_loop3A_210 = arith.muli %parallel_loop3A_209, %parallel_loop3A_206 : i32
        %parallel_loop3A_211 = arith.constant 1 : i32
        %parallel_loop3A_212 = arith.addi %parallel_loop3A_210, %parallel_loop3A_211 : i32
        %parallel_loop3A_213 = arith.constant 32 : i32
        %parallel_loop3A_214 = arith.divsi %parallel_loop3A_208, %parallel_loop3A_213 : i32
        %parallel_loop3A_215 = arith.constant 0 : i32
        %parallel_loop3A_216 = arith.cmpi sgt, %parallel_loop3A_208, %parallel_loop3A_215 : i32
        %parallel_loop3A_217 = arith.extui %parallel_loop3A_216 : i1 to i32
        %parallel_loop3A_218 = arith.constant 0 : i32
        %parallel_loop3A_219 = arith.cmpi slt, %parallel_loop3A_208, %parallel_loop3A_218 : i32
        %parallel_loop3A_220 = arith.extui %parallel_loop3A_219 : i1 to i32
        %parallel_loop3A_221 = arith.subi %parallel_loop3A_217, %parallel_loop3A_220 : i32
        %parallel_loop3A_222 = arith.constant 0 : i32
        %parallel_loop3A_223 = arith.cmpi sgt, %parallel_loop3A_213, %parallel_loop3A_222 : i32
        %parallel_loop3A_224 = arith.extui %parallel_loop3A_223 : i1 to i32
        %parallel_loop3A_225 = arith.constant 0 : i32
        %parallel_loop3A_226 = arith.cmpi slt, %parallel_loop3A_213, %parallel_loop3A_225 : i32
        %parallel_loop3A_227 = arith.extui %parallel_loop3A_226 : i1 to i32
        %parallel_loop3A_228 = arith.subi %parallel_loop3A_224, %parallel_loop3A_227 : i32
        %parallel_loop3A_229 = arith.cmpi ne, %parallel_loop3A_221, %parallel_loop3A_228 : i32
        %parallel_loop3A_230 = arith.remsi %parallel_loop3A_208, %parallel_loop3A_213 : i32
        %parallel_loop3A_231 = arith.constant 0 : i32
        %parallel_loop3A_232 = arith.cmpi ne, %parallel_loop3A_230, %parallel_loop3A_231 : i32
        %parallel_loop3A_233 = arith.andi %parallel_loop3A_229, %parallel_loop3A_232 : i1
        %parallel_loop3A_234 = arith.constant 1 : i32
        %parallel_loop3A_235 = arith.subi %parallel_loop3A_214, %parallel_loop3A_234 : i32
        %parallel_loop3A_236 = arith.select %parallel_loop3A_233, %parallel_loop3A_235, %parallel_loop3A_214 : i32
        %parallel_loop3A_237 = arith.constant 32 : i32
        %parallel_loop3A_238 = arith.constant 0 : i32
        %parallel_loop3A_239 = arith.cmpi eq, %parallel_loop3A_237, %parallel_loop3A_238 : i32
        %parallel_loop3A_240 = arith.constant 1 : i32
        %parallel_loop3A_241 = arith.select %parallel_loop3A_239, %parallel_loop3A_240, %parallel_loop3A_237 : i32
        %parallel_loop3A_242 = arith.remsi %parallel_loop3A_208, %parallel_loop3A_241 : i32
        %parallel_loop3A_243 = arith.constant 0 : i32
        %parallel_loop3A_244 = arith.cmpi ne, %parallel_loop3A_242, %parallel_loop3A_243 : i32
        %parallel_loop3A_245 = arith.constant 0 : i32
        %parallel_loop3A_246 = arith.cmpi slt, %parallel_loop3A_242, %parallel_loop3A_245 : i32
        %parallel_loop3A_247 = arith.constant 0 : i32
        %parallel_loop3A_248 = arith.cmpi slt, %parallel_loop3A_241, %parallel_loop3A_247 : i32
        %parallel_loop3A_249 = arith.xori %parallel_loop3A_246, %parallel_loop3A_248 : i1
        %parallel_loop3A_250 = arith.andi %parallel_loop3A_249, %parallel_loop3A_244 : i1
        %parallel_loop3A_251 = arith.addi %parallel_loop3A_242, %parallel_loop3A_241 : i32
        %parallel_loop3A_252 = arith.select %parallel_loop3A_250, %parallel_loop3A_251, %parallel_loop3A_242 : i32
        %parallel_loop3A_253 = arith.constant 16 : i32
        %parallel_loop3A_254 = arith.muli %parallel_loop3A_252, %parallel_loop3A_253 : i32
        %parallel_loop3A_255 = arith.index_cast %parallel_loop3A_236 : i32 to index
        %parallel_loop3A_256 = arith.index_cast %parallel_loop3A_254 : i32 to index
        %parallel_loop3A_257 = tpu.vector_load %arg6[%parallel_loop3A_255, %parallel_loop3A_256] {strides = array<i32>} : memref<64x512xf32, #tpu.memory_space<vmem>>, vector<16xf32>,
        %parallel_loop3A_258 = arith.constant 32 : i32
        %parallel_loop3A_259 = arith.divsi %parallel_loop3A_212, %parallel_loop3A_258 : i32
        %parallel_loop3A_260 = arith.constant 0 : i32
        %parallel_loop3A_261 = arith.cmpi sgt, %parallel_loop3A_212, %parallel_loop3A_260 : i32
        %parallel_loop3A_262 = arith.extui %parallel_loop3A_261 : i1 to i32
        %parallel_loop3A_263 = arith.constant 0 : i32
        %parallel_loop3A_264 = arith.cmpi slt, %parallel_loop3A_212, %parallel_loop3A_263 : i32
        %parallel_loop3A_265 = arith.extui %parallel_loop3A_264 : i1 to i32
        %parallel_loop3A_266 = arith.subi %parallel_loop3A_262, %parallel_loop3A_265 : i32
        %parallel_loop3A_267 = arith.constant 0 : i32
        %parallel_loop3A_268 = arith.cmpi sgt, %parallel_loop3A_258, %parallel_loop3A_267 : i32
        %parallel_loop3A_269 = arith.extui %parallel_loop3A_268 : i1 to i32
        %parallel_loop3A_270 = arith.constant 0 : i32
        %parallel_loop3A_271 = arith.cmpi slt, %parallel_loop3A_258, %parallel_loop3A_270 : i32
        %parallel_loop3A_272 = arith.extui %parallel_loop3A_271 : i1 to i32
        %parallel_loop3A_273 = arith.subi %parallel_loop3A_269, %parallel_loop3A_272 : i32
        %parallel_loop3A_274 = arith.cmpi ne, %parallel_loop3A_266, %parallel_loop3A_273 : i32
        %parallel_loop3A_275 = arith.remsi %parallel_loop3A_212, %parallel_loop3A_258 : i32
        %parallel_loop3A_276 = arith.constant 0 : i32
        %parallel_loop3A_277 = arith.cmpi ne, %parallel_loop3A_275, %parallel_loop3A_276 : i32
        %parallel_loop3A_278 = arith.andi %parallel_loop3A_274, %parallel_loop3A_277 : i1
        %parallel_loop3A_279 = arith.constant 1 : i32
        %parallel_loop3A_280 = arith.subi %parallel_loop3A_259, %parallel_loop3A_279 : i32
        %parallel_loop3A_281 = arith.select %parallel_loop3A_278, %parallel_loop3A_280, %parallel_loop3A_259 : i32
        %parallel_loop3A_282 = arith.constant 32 : i32
        %parallel_loop3A_283 = arith.constant 0 : i32
        %parallel_loop3A_284 = arith.cmpi eq, %parallel_loop3A_282, %parallel_loop3A_283 : i32
        %parallel_loop3A_285 = arith.constant 1 : i32
        %parallel_loop3A_286 = arith.select %parallel_loop3A_284, %parallel_loop3A_285, %parallel_loop3A_282 : i32
        %parallel_loop3A_287 = arith.remsi %parallel_loop3A_212, %parallel_loop3A_286 : i32
        %parallel_loop3A_288 = arith.constant 0 : i32
        %parallel_loop3A_289 = arith.cmpi ne, %parallel_loop3A_287, %parallel_loop3A_288 : i32
        %parallel_loop3A_290 = arith.constant 0 : i32
        %parallel_loop3A_291 = arith.cmpi slt, %parallel_loop3A_287, %parallel_loop3A_290 : i32
        %parallel_loop3A_292 = arith.constant 0 : i32
        %parallel_loop3A_293 = arith.cmpi slt, %parallel_loop3A_286, %parallel_loop3A_292 : i32
        %parallel_loop3A_294 = arith.xori %parallel_loop3A_291, %parallel_loop3A_293 : i1
        %parallel_loop3A_295 = arith.andi %parallel_loop3A_294, %parallel_loop3A_289 : i1
        %parallel_loop3A_296 = arith.addi %parallel_loop3A_287, %parallel_loop3A_286 : i32
        %parallel_loop3A_297 = arith.select %parallel_loop3A_295, %parallel_loop3A_296, %parallel_loop3A_287 : i32
        %parallel_loop3A_298 = arith.constant 16 : i32
        %parallel_loop3A_299 = arith.muli %parallel_loop3A_297, %parallel_loop3A_298 : i32
        %parallel_loop3A_300 = arith.index_cast %parallel_loop3A_281 : i32 to index
        %parallel_loop3A_301 = arith.index_cast %parallel_loop3A_299 : i32 to index
        %parallel_loop3A_302 = tpu.vector_load %arg6[%parallel_loop3A_300, %parallel_loop3A_301] {strides = array<i32>} : memref<64x512xf32, #tpu.memory_space<vmem>>, vector<16xf32>,
        %parallel_loop3A_303 = vector.broadcast %scan3A_33 : f32 to vector<16xf32>
        %parallel_loop3A_304 = arith.mulf %parallel_loop3A_257, %parallel_loop3A_303 : vector<16xf32>
        %parallel_loop3A_305 = arith.addf %parallel_loop3A_304, %convert_element_type3A : vector<16xf32>
        %parallel_loop3A_306 = arith.fptosi %parallel_loop3A_305 : vector<16xf32> to vector<16xi32>
        %parallel_loop3A_307 = vector.broadcast %scan3A_33 : f32 to vector<16xf32>
        %parallel_loop3A_308 = arith.mulf %parallel_loop3A_302, %parallel_loop3A_307 : vector<16xf32>
        %parallel_loop3A_309 = arith.addf %parallel_loop3A_308, %convert_element_type3A : vector<16xf32>
        %parallel_loop3A_310 = arith.fptosi %parallel_loop3A_309 : vector<16xf32> to vector<16xi32>
        tpu.vector_store_idx %arg9[%parallel_loop3A_306], %broadcast_in_dim3A_9 {add = true} : memref<16384xi32, #tpu.memory_space<vmem>>[vector<16xi32>], vector<16xi32>,
        tpu.vector_store_idx %arg9[%parallel_loop3A_310], %broadcast_in_dim3A_9 {add = true} : memref<16384xi32, #tpu.memory_space<vmem>>[vector<16xi32>], vector<16xi32>,
        %parallel_loop3A_311 = tpu.pack_subelements %parallel_loop3A_306, %parallel_loop3A_310 {pack_format = #tpu.pack_format<interleaved>, positions = array<i32: 0, 1>} : vector<16xi32>, vector<16xi32> -> vector<32xi16>
        %parallel_loop3A_312 = vector.bitcast %parallel_loop3A_311 : vector<32xi16> to vector<16xi32>
        %parallel_loop3A_313 = arith.constant 16 : i32
        %parallel_loop3A_314 = arith.muli %parallel_loop3A_206, %parallel_loop3A_313 : i32
        %parallel_loop3A_315 = tpu.assume_multiple %parallel_loop3A_314, 16 : i32
        %parallel_loop3A_316 = arith.index_cast %parallel_loop3A_315 : i32 to index
        %parallel_loop3A_317 = tpu.vector_load %arg8[%parallel_loop3A_316] {strides = array<i32>} : memref<16384xi32, #tpu.memory_space<vmem>>, vector<16xi32>,
        tpu.vector_store %arg8[%parallel_loop3A_316], %parallel_loop3A_312 {strides = array<i32>} : memref<16384xi32, #tpu.memory_space<vmem>>, vector<16xi32>,
      } {sc.loop_unroll_factor = 8 : i64, sc.parallel_access}
      %mul3A_191 = arith.constant 524288 : i32
      %mul3A_192 = arith.muli %add3A, %mul3A_191 : i32
      %mul3A_193 = arith.constant 16384 : i32
      %mul3A_194 = arith.muli %add3A_131, %mul3A_193 : i32
      %add3A_195 = arith.addi %mul3A_192, %mul3A_194 : i32
      %dma_start3A_196 = tpu.memref_slice %arg4[%add3A_195] : memref<16777216xi32, #tpu.memory_space<hbm>> -> memref<16384xi32, #tpu.memory_space<hbm>>
      %dma_start3A_197 = tpu.memref_slice %arg4[%add3A_195] : memref<16777216xi32, #tpu.memory_space<hbm>> -> memref<16384xi32, #tpu.memory_space<hbm>>
      tpu.enqueue_dma source(%arg8 : memref<16384xi32, #tpu.memory_space<vmem>>) target(%dma_start3A_197 : memref<16384xi32, #tpu.memory_space<hbm>>) target_semaphore(%arg14 : memref<!tpu.dma_semaphore, #tpu.memory_space<semaphore_mem>>)
      %add3A_198 = arith.constant 2 : i32
      %add3A_199 = arith.addi %add3A_131, %add3A_198 : i32
      %lt3A_200 = arith.constant 32 : i32
      %lt3A_201 = arith.cmpi slt, %add3A_199, %lt3A_200 : i32
      %convert_element_type3A_202 = arith.extui %lt3A_201 : i1 to i32
      %cond3A_203 = arith.constant 0 : i32
      %cond3A_204 = arith.cmpi ne, %convert_element_type3A_202, %cond3A_203 : i32
      scf.if %cond3A_204 {
        %add3A_206 = arith.constant 2 : i32
        %add3A_207 = arith.addi %add3A_131, %add3A_206 : i32
        %mul3A_208 = arith.constant 4 : i32
        %mul3A_209 = arith.muli %add3A, %mul3A_208 : i32
        %jit3A_210 = arith.constant 8 : i32
        %div3A_211 = arith.divsi %add3A_207, %jit3A_210 : i32
        %sign3A_212 = arith.constant 0 : i32
        %sign3A_213 = arith.cmpi sgt, %add3A_207, %sign3A_212 : i32
        %sign3A_214 = arith.extui %sign3A_213 : i1 to i32
        %sign3A_215 = arith.constant 0 : i32
        %sign3A_216 = arith.cmpi slt, %add3A_207, %sign3A_215 : i32
        %sign3A_217 = arith.extui %sign3A_216 : i1 to i32
        %sign3A_218 = arith.subi %sign3A_214, %sign3A_217 : i32
        %sign3A_219 = arith.constant 0 : i32
        %sign3A_220 = arith.cmpi sgt, %jit3A_210, %sign3A_219 : i32
        %sign3A_221 = arith.extui %sign3A_220 : i1 to i32
        %sign3A_222 = arith.constant 0 : i32
        %sign3A_223 = arith.cmpi slt, %jit3A_210, %sign3A_222 : i32
        %sign3A_224 = arith.extui %sign3A_223 : i1 to i32
        %sign3A_225 = arith.subi %sign3A_221, %sign3A_224 : i32
        %ne3A_226 = arith.cmpi ne, %sign3A_218, %sign3A_225 : i32
        %rem3A_227 = arith.remsi %add3A_207, %jit3A_210 : i32
        %ne3A_228 = arith.constant 0 : i32
        %ne3A_229 = arith.cmpi ne, %rem3A_227, %ne3A_228 : i32
        %and3A_230 = arith.andi %ne3A_226, %ne3A_229 : i1
        %sub3A_231 = arith.constant 1 : i32
        %sub3A_232 = arith.subi %div3A_211, %sub3A_231 : i32
        %select_n3A_233 = arith.select %and3A_230, %sub3A_232, %div3A_211 : i32
        %add3A_234 = arith.addi %mul3A_209, %select_n3A_233 : i32
        %jit3A_235 = arith.constant 8 : i32
        %eq3A_236 = arith.constant 0 : i32
        %eq3A_237 = arith.cmpi eq, %jit3A_235, %eq3A_236 : i32
        %jit3A_238 = arith.constant 1 : i32
        %select_n3A_239 = arith.select %eq3A_237, %jit3A_238, %jit3A_235 : i32
        %rem3A_240 = arith.remsi %add3A_207, %select_n3A_239 : i32
        %ne3A_241 = arith.constant 0 : i32
        %ne3A_242 = arith.cmpi ne, %rem3A_240, %ne3A_241 : i32
        %lt3A_243 = arith.constant 0 : i32
        %lt3A_244 = arith.cmpi slt, %rem3A_240, %lt3A_243 : i32
        %lt3A_245 = arith.constant 0 : i32
        %lt3A_246 = arith.cmpi slt, %select_n3A_239, %lt3A_245 : i32
        %ne3A_247 = arith.xori %lt3A_244, %lt3A_246 : i1
        %and3A_248 = arith.andi %ne3A_247, %ne3A_242 : i1
        %add3A_249 = arith.addi %rem3A_240, %select_n3A_239 : i32
        %select_n3A_250 = arith.select %and3A_248, %add3A_249, %rem3A_240 : i32
        %mul3A_251 = arith.constant 64 : i32
        %mul3A_252 = arith.muli %select_n3A_250, %mul3A_251 : i32
        %dma_start3A_253 = arith.constant 0 : i32
        %dma_start3A_254 = tpu.memref_slice %arg2[%add3A_234, %mul3A_252, %dma_start3A_253] : memref<128x512x512xf32, #tpu.memory_space<hbm>> -> memref<1x64x512xf32, #tpu.memory_space<hbm>>
        %dma_start3A_255 = tpu.memref_squeeze %dma_start3A_254 : memref<1x64x512xf32, #tpu.memory_space<hbm>> -> memref<64x512xf32, #tpu.memory_space<hbm>>
        %dma_start3A_256 = arith.constant 0 : i32
        %dma_start3A_257 = tpu.memref_slice %arg2[%add3A_234, %mul3A_252, %dma_start3A_256] : memref<128x512x512xf32, #tpu.memory_space<hbm>> -> memref<1x64x512xf32, #tpu.memory_space<hbm>>
        %dma_start3A_258 = tpu.memref_squeeze %dma_start3A_257 : memref<1x64x512xf32, #tpu.memory_space<hbm>> -> memref<64x512xf32, #tpu.memory_space<hbm>>
        tpu.enqueue_dma source(%dma_start3A_258 : memref<64x512xf32, #tpu.memory_space<hbm>>) target(%arg6 : memref<64x512xf32, #tpu.memory_space<vmem>>) target_semaphore(%arg12 : memref<!tpu.dma_semaphore, #tpu.memory_space<semaphore_mem>>)
      } else {
      }
      %scan3A_205 = arith.constant 0 : i32
      scf.yield %scan3A_205 : i32
    }
    %scan3A_40 = arith.constant 16 : i32
    %mul3A_41 = arith.constant 524288 : i32
    %mul3A_42 = arith.muli %add3A, %mul3A_41 : i32
    %add3A_43 = arith.constant 491520 : i32
    %add3A_44 = arith.addi %mul3A_42, %add3A_43 : i32
    %dma_wait3A = tpu.memref_slice %arg4[%add3A_44] : memref<16777216xi32, #tpu.memory_space<hbm>> -> memref<16384xi32, #tpu.memory_space<hbm>>
    %dma_wait3A_45 = tpu.memref_slice %arg4[%add3A_44] : memref<16777216xi32, #tpu.memory_space<hbm>> -> memref<16384xi32, #tpu.memory_space<hbm>>
    tpu.wait_dma2 semaphore(%arg13 : memref<!tpu.dma_semaphore, #tpu.memory_space<semaphore_mem>>) src(%arg7 : memref<16384xi32, #tpu.memory_space<vmem>>) dst(%dma_wait3A_45 : memref<16384xi32, #tpu.memory_space<hbm>>)
    %mul3A_46 = arith.constant 524288 : i32
    %mul3A_47 = arith.muli %add3A, %mul3A_46 : i32
    %add3A_48 = arith.constant 507904 : i32
    %add3A_49 = arith.addi %mul3A_47, %add3A_48 : i32
    %dma_wait3A_50 = tpu.memref_slice %arg4[%add3A_49] : memref<16777216xi32, #tpu.memory_space<hbm>> -> memref<16384xi32, #tpu.memory_space<hbm>>
    %dma_wait3A_51 = tpu.memref_slice %arg4[%add3A_49] : memref<16777216xi32, #tpu.memory_space<hbm>> -> memref<16384xi32, #tpu.memory_space<hbm>>
    tpu.wait_dma2 semaphore(%arg14 : memref<!tpu.dma_semaphore, #tpu.memory_space<semaphore_mem>>) src(%arg8 : memref<16384xi32, #tpu.memory_space<vmem>>) dst(%dma_wait3A_51 : memref<16384xi32, #tpu.memory_space<hbm>>)
    %iota3A_52 = tpu.iota {dimensions = array<i32: 0>} : vector<16xi32>
    %scan3A_53 = arith.constant 0 : i32
    %scan3A_54 = arith.constant 0 : i32
    %scan3A_55 = arith.constant 64 : i32
    %scan3A_56 = arith.addi %scan3A_54, %scan3A_55 : i32
    %scan3A_57 = arith.constant 1 : i32
    %scan3A_58 = scf.for %scan3A_62 = %scan3A_54 to %scan3A_56 step %scan3A_57 iter_args(%scan3A_63 = %scan3A_53) -> (i32)  : i32 {
      %broadcast_in_dim3A_64 = arith.constant 0 : i32
      %broadcast_in_dim3A_65 = vector.broadcast %broadcast_in_dim3A_64 : i32 to vector<16xi32>
      %mul3A_66 = arith.constant 16 : i32
      %mul3A_67 = arith.muli %scan3A_62, %mul3A_66 : i32
      %add3A_68 = arith.constant 0 : i32
      %add3A_69 = arith.addi %mul3A_67, %add3A_68 : i32
      %mul3A_70 = arith.constant 16 : i32
      %mul3A_71 = arith.muli %add3A_69, %mul3A_70 : i32
      %get3A = arith.index_cast %mul3A_71 : i32 to index
      %get3A_72 = tpu.vector_load %arg9[%get3A] {strides = array<i32>} : memref<16384xi32, #tpu.memory_space<vmem>>, vector<16xi32>,
      %reduce_sum3A = arith.constant true
      %reduce_sum3A_73 = vector.broadcast %reduce_sum3A : i1 to vector<16xi1>
      %reduce_sum3A_74 = tpu.scan <sum>, %get3A_72 masked %reduce_sum3A_73 : vector<16xi32>, vector<16xi1> -> vector<16xi32>
      %reduce_sum3A_75 = vector.extract %reduce_sum3A_74[15] : i32 from vector<16xi32>
      %eq3A = arith.constant 0 : i32
      %eq3A_76 = vector.broadcast %eq3A : i32 to vector<16xi32>
      %eq3A_77 = arith.cmpi eq, %iota3A_52, %eq3A_76 : vector<16xi32>
      %broadcast_in_dim3A_78 = vector.broadcast %reduce_sum3A_75 : i32 to vector<16xi32>
      %select_n3A = arith.select %eq3A_77, %broadcast_in_dim3A_78, %broadcast_in_dim3A_65 : vector<16xi1>, vector<16xi32>
      %mul3A_79 = arith.constant 16 : i32
      %mul3A_80 = arith.muli %scan3A_62, %mul3A_79 : i32
      %add3A_81 = arith.constant 1 : i32
      %add3A_82 = arith.addi %mul3A_80, %add3A_81 : i32
      %mul3A_83 = arith.constant 16 : i32
      %mul3A_84 = arith.muli %add3A_82, %mul3A_83 : i32
      %get3A_85 = arith.index_cast %mul3A_84 : i32 to index
      %get3A_86 = tpu.vector_load %arg9[%get3A_85] {strides = array<i32>} : memref<16384xi32, #tpu.memory_space<vmem>>, vector<16xi32>,
      %reduce_sum3A_87 = arith.constant true
      %reduce_sum3A_88 = vector.broadcast %reduce_sum3A_87 : i1 to vector<16xi1>
      %reduce_sum3A_89 = tpu.scan <sum>, %get3A_86 masked %reduce_sum3A_88 : vector<16xi32>, vector<16xi1> -> vector<16xi32>
      %reduce_sum3A_90 = vector.extract %reduce_sum3A_89[15] : i32 from vector<16xi32>
      %eq3A_91 = arith.constant 1 : i32
      %eq3A_92 = vector.broadcast %eq3A_91 : i32 to vector<16xi32>
      %eq3A_93 = arith.cmpi eq, %iota3A_52, %eq3A_92 : vector<16xi32>
      %broadcast_in_dim3A_94 = vector.broadcast %reduce_sum3A_90 : i32 to vector<16xi32>
      %select_n3A_95 = arith.select %eq3A_93, %broadcast_in_dim3A_94, %select_n3A : vector<16xi1>, vector<16xi32>
      %mul3A_96 = arith.constant 16 : i32
      %mul3A_97 = arith.muli %scan3A_62, %mul3A_96 : i32
      %add3A_98 = arith.constant 2 : i32
      %add3A_99 = arith.addi %mul3A_97, %add3A_98 : i32
      %mul3A_100 = arith.constant 16 : i32
      %mul3A_101 = arith.muli %add3A_99, %mul3A_100 : i32
      %get3A_102 = arith.index_cast %mul3A_101 : i32 to index
      %get3A_103 = tpu.vector_load %arg9[%get3A_102] {strides = array<i32>} : memref<16384xi32, #tpu.memory_space<vmem>>, vector<16xi32>,
      %reduce_sum3A_104 = arith.constant true
      %reduce_sum3A_105 = vector.broadcast %reduce_sum3A_104 : i1 to vector<16xi1>
      %reduce_sum3A_106 = tpu.scan <sum>, %get3A_103 masked %reduce_sum3A_105 : vector<16xi32>, vector<16xi1> -> vector<16xi32>
      %reduce_sum3A_107 = vector.extract %reduce_sum3A_106[15] : i32 from vector<16xi32>
      %eq3A_108 = arith.constant 2 : i32
      %eq3A_109 = vector.broadcast %eq3A_108 : i32 to vector<16xi32>
      %eq3A_110 = arith.cmpi eq, %iota3A_52, %eq3A_109 : vector<16xi32>
      %broadcast_in_dim3A_111 = vector.broadcast %reduce_sum3A_107 : i32 to vector<16xi32>
      %select_n3A_112 = arith.select %eq3A_110, %broadcast_in_dim3A_111, %select_n3A_95 : vector<16xi1>, vector<16xi32>
      %mul3A_113 = arith.constant 16 : i32
      %mul3A_114 = arith.muli %scan3A_62, %mul3A_113 : i32
      %add3A_115 = arith.constant 3 : i32
      %add3A_116 = arith.addi %mul3A_114, %add3A_115 : i32
      %mul3A_117 = arith.constant 16 : i32
      %mul3A_118 = arith.muli %add3A_116, %mul3A_117 : i32
      %get3A_119 = arith.index_cast %mul3A_118 : i32 to index
      %get3A_120 = tpu.vector_load %arg9[%get3A_119] {strides = array<i32>} : memref<16384xi32, #tpu.memory_space<vmem>>, vector<16xi32>,
      %reduce_sum3A_121 = arith.constant true
      %reduce_sum3A_122 = vector.broadcast %reduce_sum3A_121 : i1 to vector<16xi1>
      %reduce_sum3A_123 = tpu.scan <sum>, %get3A_120 masked %reduce_sum3A_122 : vector<16xi32>, vector<16xi1> -> vector<16xi32>
      %reduce_sum3A_124 = vector.extract %reduce_sum3A_123[15] : i32 from vector<16xi32>
      %eq3A_125 = arith.constant 3 : i32
      %eq3A_126 = vector.broadcast %eq3A_125 : i32 to vector<16xi32>
      %eq3A_127 = arith.cmpi eq, %iota3A_52, %eq3A_126 : vector<16xi32>
      %broadcast_in_dim3A_128 = vector.broadcast %reduce_sum3A_124 : i32 to vector<16xi32>
      %select_n3A_129 = arith.select %eq3A_127, %broadcast_in_dim3A_128, %select_n3A_112 : vector<16xi1>, vector<16xi32>
      %mul3A_130 = arith.constant 16 : i32
      %mul3A_131 = arith.muli %scan3A_62, %mul3A_130 : i32
      %add3A_132 = arith.constant 4 : i32
      %add3A_133 = arith.addi %mul3A_131, %add3A_132 : i32
      %mul3A_134 = arith.constant 16 : i32
      %mul3A_135 = arith.muli %add3A_133, %mul3A_134 : i32
      %get3A_136 = arith.index_cast %mul3A_135 : i32 to index
      %get3A_137 = tpu.vector_load %arg9[%get3A_136] {strides = array<i32>} : memref<16384xi32, #tpu.memory_space<vmem>>, vector<16xi32>,
      %reduce_sum3A_138 = arith.constant true
      %reduce_sum3A_139 = vector.broadcast %reduce_sum3A_138 : i1 to vector<16xi1>
      %reduce_sum3A_140 = tpu.scan <sum>, %get3A_137 masked %reduce_sum3A_139 : vector<16xi32>, vector<16xi1> -> vector<16xi32>
      %reduce_sum3A_141 = vector.extract %reduce_sum3A_140[15] : i32 from vector<16xi32>
      %eq3A_142 = arith.constant 4 : i32
      %eq3A_143 = vector.broadcast %eq3A_142 : i32 to vector<16xi32>
      %eq3A_144 = arith.cmpi eq, %iota3A_52, %eq3A_143 : vector<16xi32>
      %broadcast_in_dim3A_145 = vector.broadcast %reduce_sum3A_141 : i32 to vector<16xi32>
      %select_n3A_146 = arith.select %eq3A_144, %broadcast_in_dim3A_145, %select_n3A_129 : vector<16xi1>, vector<16xi32>
      %mul3A_147 = arith.constant 16 : i32
      %mul3A_148 = arith.muli %scan3A_62, %mul3A_147 : i32
      %add3A_149 = arith.constant 5 : i32
      %add3A_150 = arith.addi %mul3A_148, %add3A_149 : i32
      %mul3A_151 = arith.constant 16 : i32
      %mul3A_152 = arith.muli %add3A_150, %mul3A_151 : i32
      %get3A_153 = arith.index_cast %mul3A_152 : i32 to index
      %get3A_154 = tpu.vector_load %arg9[%get3A_153] {strides = array<i32>} : memref<16384xi32, #tpu.memory_space<vmem>>, vector<16xi32>,
      %reduce_sum3A_155 = arith.constant true
      %reduce_sum3A_156 = vector.broadcast %reduce_sum3A_155 : i1 to vector<16xi1>
      %reduce_sum3A_157 = tpu.scan <sum>, %get3A_154 masked %reduce_sum3A_156 : vector<16xi32>, vector<16xi1> -> vector<16xi32>
      %reduce_sum3A_158 = vector.extract %reduce_sum3A_157[15] : i32 from vector<16xi32>
      %eq3A_159 = arith.constant 5 : i32
      %eq3A_160 = vector.broadcast %eq3A_159 : i32 to vector<16xi32>
      %eq3A_161 = arith.cmpi eq, %iota3A_52, %eq3A_160 : vector<16xi32>
      %broadcast_in_dim3A_162 = vector.broadcast %reduce_sum3A_158 : i32 to vector<16xi32>
      %select_n3A_163 = arith.select %eq3A_161, %broadcast_in_dim3A_162, %select_n3A_146 : vector<16xi1>, vector<16xi32>
      %mul3A_164 = arith.constant 16 : i32
      %mul3A_165 = arith.muli %scan3A_62, %mul3A_164 : i32
      %add3A_166 = arith.constant 6 : i32
      %add3A_167 = arith.addi %mul3A_165, %add3A_166 : i32
      %mul3A_168 = arith.constant 16 : i32
      %mul3A_169 = arith.muli %add3A_167, %mul3A_168 : i32
      %get3A_170 = arith.index_cast %mul3A_169 : i32 to index
      %get3A_171 = tpu.vector_load %arg9[%get3A_170] {strides = array<i32>} : memref<16384xi32, #tpu.memory_space<vmem>>, vector<16xi32>,
      %reduce_sum3A_172 = arith.constant true
      %reduce_sum3A_173 = vector.broadcast %reduce_sum3A_172 : i1 to vector<16xi1>
      %reduce_sum3A_174 = tpu.scan <sum>, %get3A_171 masked %reduce_sum3A_173 : vector<16xi32>, vector<16xi1> -> vector<16xi32>
      %reduce_sum3A_175 = vector.extract %reduce_sum3A_174[15] : i32 from vector<16xi32>
      %eq3A_176 = arith.constant 6 : i32
      %eq3A_177 = vector.broadcast %eq3A_176 : i32 to vector<16xi32>
      %eq3A_178 = arith.cmpi eq, %iota3A_52, %eq3A_177 : vector<16xi32>
      %broadcast_in_dim3A_179 = vector.broadcast %reduce_sum3A_175 : i32 to vector<16xi32>
      %select_n3A_180 = arith.select %eq3A_178, %broadcast_in_dim3A_179, %select_n3A_163 : vector<16xi1>, vector<16xi32>
      %mul3A_181 = arith.constant 16 : i32
      %mul3A_182 = arith.muli %scan3A_62, %mul3A_181 : i32
      %add3A_183 = arith.constant 7 : i32
      %add3A_184 = arith.addi %mul3A_182, %add3A_183 : i32
      %mul3A_185 = arith.constant 16 : i32
      %mul3A_186 = arith.muli %add3A_184, %mul3A_185 : i32
      %get3A_187 = arith.index_cast %mul3A_186 : i32 to index
      %get3A_188 = tpu.vector_load %arg9[%get3A_187] {strides = array<i32>} : memref<16384xi32, #tpu.memory_space<vmem>>, vector<16xi32>,
      %reduce_sum3A_189 = arith.constant true
      %reduce_sum3A_190 = vector.broadcast %reduce_sum3A_189 : i1 to vector<16xi1>
      %reduce_sum3A_191 = tpu.scan <sum>, %get3A_188 masked %reduce_sum3A_190 : vector<16xi32>, vector<16xi1> -> vector<16xi32>
      %reduce_sum3A_192 = vector.extract %reduce_sum3A_191[15] : i32 from vector<16xi32>
      %eq3A_193 = arith.constant 7 : i32
      %eq3A_194 = vector.broadcast %eq3A_193 : i32 to vector<16xi32>
      %eq3A_195 = arith.cmpi eq, %iota3A_52, %eq3A_194 : vector<16xi32>
      %broadcast_in_dim3A_196 = vector.broadcast %reduce_sum3A_192 : i32 to vector<16xi32>
      %select_n3A_197 = arith.select %eq3A_195, %broadcast_in_dim3A_196, %select_n3A_180 : vector<16xi1>, vector<16xi32>
      %mul3A_198 = arith.constant 16 : i32
      %mul3A_199 = arith.muli %scan3A_62, %mul3A_198 : i32
      %add3A_200 = arith.constant 8 : i32
      %add3A_201 = arith.addi %mul3A_199, %add3A_200 : i32
      %mul3A_202 = arith.constant 16 : i32
      %mul3A_203 = arith.muli %add3A_201, %mul3A_202 : i32
      %get3A_204 = arith.index_cast %mul3A_203 : i32 to index
      %get3A_205 = tpu.vector_load %arg9[%get3A_204] {strides = array<i32>} : memref<16384xi32, #tpu.memory_space<vmem>>, vector<16xi32>,
      %reduce_sum3A_206 = arith.constant true
      %reduce_sum3A_207 = vector.broadcast %reduce_sum3A_206 : i1 to vector<16xi1>
      %reduce_sum3A_208 = tpu.scan <sum>, %get3A_205 masked %reduce_sum3A_207 : vector<16xi32>, vector<16xi1> -> vector<16xi32>
      %reduce_sum3A_209 = vector.extract %reduce_sum3A_208[15] : i32 from vector<16xi32>
      %eq3A_210 = arith.constant 8 : i32
      %eq3A_211 = vector.broadcast %eq3A_210 : i32 to vector<16xi32>
      %eq3A_212 = arith.cmpi eq, %iota3A_52, %eq3A_211 : vector<16xi32>
      %broadcast_in_dim3A_213 = vector.broadcast %reduce_sum3A_209 : i32 to vector<16xi32>
      %select_n3A_214 = arith.select %eq3A_212, %broadcast_in_dim3A_213, %select_n3A_197 : vector<16xi1>, vector<16xi32>
      %mul3A_215 = arith.constant 16 : i32
      %mul3A_216 = arith.muli %scan3A_62, %mul3A_215 : i32
      %add3A_217 = arith.constant 9 : i32
      %add3A_218 = arith.addi %mul3A_216, %add3A_217 : i32
      %mul3A_219 = arith.constant 16 : i32
      %mul3A_220 = arith.muli %add3A_218, %mul3A_219 : i32
      %get3A_221 = arith.index_cast %mul3A_220 : i32 to index
      %get3A_222 = tpu.vector_load %arg9[%get3A_221] {strides = array<i32>} : memref<16384xi32, #tpu.memory_space<vmem>>, vector<16xi32>,
      %reduce_sum3A_223 = arith.constant true
      %reduce_sum3A_224 = vector.broadcast %reduce_sum3A_223 : i1 to vector<16xi1>
      %reduce_sum3A_225 = tpu.scan <sum>, %get3A_222 masked %reduce_sum3A_224 : vector<16xi32>, vector<16xi1> -> vector<16xi32>
      %reduce_sum3A_226 = vector.extract %reduce_sum3A_225[15] : i32 from vector<16xi32>
      %eq3A_227 = arith.constant 9 : i32
      %eq3A_228 = vector.broadcast %eq3A_227 : i32 to vector<16xi32>
      %eq3A_229 = arith.cmpi eq, %iota3A_52, %eq3A_228 : vector<16xi32>
      %broadcast_in_dim3A_230 = vector.broadcast %reduce_sum3A_226 : i32 to vector<16xi32>
      %select_n3A_231 = arith.select %eq3A_229, %broadcast_in_dim3A_230, %select_n3A_214 : vector<16xi1>, vector<16xi32>
      %mul3A_232 = arith.constant 16 : i32
      %mul3A_233 = arith.muli %scan3A_62, %mul3A_232 : i32
      %add3A_234 = arith.constant 10 : i32
      %add3A_235 = arith.addi %mul3A_233, %add3A_234 : i32
      %mul3A_236 = arith.constant 16 : i32
      %mul3A_237 = arith.muli %add3A_235, %mul3A_236 : i32
      %get3A_238 = arith.index_cast %mul3A_237 : i32 to index
      %get3A_239 = tpu.vector_load %arg9[%get3A_238] {strides = array<i32>} : memref<16384xi32, #tpu.memory_space<vmem>>, vector<16xi32>,
      %reduce_sum3A_240 = arith.constant true
      %reduce_sum3A_241 = vector.broadcast %reduce_sum3A_240 : i1 to vector<16xi1>
      %reduce_sum3A_242 = tpu.scan <sum>, %get3A_239 masked %reduce_sum3A_241 : vector<16xi32>, vector<16xi1> -> vector<16xi32>
      %reduce_sum3A_243 = vector.extract %reduce_sum3A_242[15] : i32 from vector<16xi32>
      %eq3A_244 = arith.constant 10 : i32
      %eq3A_245 = vector.broadcast %eq3A_244 : i32 to vector<16xi32>
      %eq3A_246 = arith.cmpi eq, %iota3A_52, %eq3A_245 : vector<16xi32>
      %broadcast_in_dim3A_247 = vector.broadcast %reduce_sum3A_243 : i32 to vector<16xi32>
      %select_n3A_248 = arith.select %eq3A_246, %broadcast_in_dim3A_247, %select_n3A_231 : vector<16xi1>, vector<16xi32>
      %mul3A_249 = arith.constant 16 : i32
      %mul3A_250 = arith.muli %scan3A_62, %mul3A_249 : i32
      %add3A_251 = arith.constant 11 : i32
      %add3A_252 = arith.addi %mul3A_250, %add3A_251 : i32
      %mul3A_253 = arith.constant 16 : i32
      %mul3A_254 = arith.muli %add3A_252, %mul3A_253 : i32
      %get3A_255 = arith.index_cast %mul3A_254 : i32 to index
      %get3A_256 = tpu.vector_load %arg9[%get3A_255] {strides = array<i32>} : memref<16384xi32, #tpu.memory_space<vmem>>, vector<16xi32>,
      %reduce_sum3A_257 = arith.constant true
      %reduce_sum3A_258 = vector.broadcast %reduce_sum3A_257 : i1 to vector<16xi1>
      %reduce_sum3A_259 = tpu.scan <sum>, %get3A_256 masked %reduce_sum3A_258 : vector<16xi32>, vector<16xi1> -> vector<16xi32>
      %reduce_sum3A_260 = vector.extract %reduce_sum3A_259[15] : i32 from vector<16xi32>
      %eq3A_261 = arith.constant 11 : i32
      %eq3A_262 = vector.broadcast %eq3A_261 : i32 to vector<16xi32>
      %eq3A_263 = arith.cmpi eq, %iota3A_52, %eq3A_262 : vector<16xi32>
      %broadcast_in_dim3A_264 = vector.broadcast %reduce_sum3A_260 : i32 to vector<16xi32>
      %select_n3A_265 = arith.select %eq3A_263, %broadcast_in_dim3A_264, %select_n3A_248 : vector<16xi1>, vector<16xi32>
      %mul3A_266 = arith.constant 16 : i32
      %mul3A_267 = arith.muli %scan3A_62, %mul3A_266 : i32
      %add3A_268 = arith.constant 12 : i32
      %add3A_269 = arith.addi %mul3A_267, %add3A_268 : i32
      %mul3A_270 = arith.constant 16 : i32
      %mul3A_271 = arith.muli %add3A_269, %mul3A_270 : i32
      %get3A_272 = arith.index_cast %mul3A_271 : i32 to index
      %get3A_273 = tpu.vector_load %arg9[%get3A_272] {strides = array<i32>} : memref<16384xi32, #tpu.memory_space<vmem>>, vector<16xi32>,
      %reduce_sum3A_274 = arith.constant true
      %reduce_sum3A_275 = vector.broadcast %reduce_sum3A_274 : i1 to vector<16xi1>
      %reduce_sum3A_276 = tpu.scan <sum>, %get3A_273 masked %reduce_sum3A_275 : vector<16xi32>, vector<16xi1> -> vector<16xi32>
      %reduce_sum3A_277 = vector.extract %reduce_sum3A_276[15] : i32 from vector<16xi32>
      %eq3A_278 = arith.constant 12 : i32
      %eq3A_279 = vector.broadcast %eq3A_278 : i32 to vector<16xi32>
      %eq3A_280 = arith.cmpi eq, %iota3A_52, %eq3A_279 : vector<16xi32>
      %broadcast_in_dim3A_281 = vector.broadcast %reduce_sum3A_277 : i32 to vector<16xi32>
      %select_n3A_282 = arith.select %eq3A_280, %broadcast_in_dim3A_281, %select_n3A_265 : vector<16xi1>, vector<16xi32>
      %mul3A_283 = arith.constant 16 : i32
      %mul3A_284 = arith.muli %scan3A_62, %mul3A_283 : i32
      %add3A_285 = arith.constant 13 : i32
      %add3A_286 = arith.addi %mul3A_284, %add3A_285 : i32
      %mul3A_287 = arith.constant 16 : i32
      %mul3A_288 = arith.muli %add3A_286, %mul3A_287 : i32
      %get3A_289 = arith.index_cast %mul3A_288 : i32 to index
      %get3A_290 = tpu.vector_load %arg9[%get3A_289] {strides = array<i32>} : memref<16384xi32, #tpu.memory_space<vmem>>, vector<16xi32>,
      %reduce_sum3A_291 = arith.constant true
      %reduce_sum3A_292 = vector.broadcast %reduce_sum3A_291 : i1 to vector<16xi1>
      %reduce_sum3A_293 = tpu.scan <sum>, %get3A_290 masked %reduce_sum3A_292 : vector<16xi32>, vector<16xi1> -> vector<16xi32>
      %reduce_sum3A_294 = vector.extract %reduce_sum3A_293[15] : i32 from vector<16xi32>
      %eq3A_295 = arith.constant 13 : i32
      %eq3A_296 = vector.broadcast %eq3A_295 : i32 to vector<16xi32>
      %eq3A_297 = arith.cmpi eq, %iota3A_52, %eq3A_296 : vector<16xi32>
      %broadcast_in_dim3A_298 = vector.broadcast %reduce_sum3A_294 : i32 to vector<16xi32>
      %select_n3A_299 = arith.select %eq3A_297, %broadcast_in_dim3A_298, %select_n3A_282 : vector<16xi1>, vector<16xi32>
      %mul3A_300 = arith.constant 16 : i32
      %mul3A_301 = arith.muli %scan3A_62, %mul3A_300 : i32
      %add3A_302 = arith.constant 14 : i32
      %add3A_303 = arith.addi %mul3A_301, %add3A_302 : i32
      %mul3A_304 = arith.constant 16 : i32
      %mul3A_305 = arith.muli %add3A_303, %mul3A_304 : i32
      %get3A_306 = arith.index_cast %mul3A_305 : i32 to index
      %get3A_307 = tpu.vector_load %arg9[%get3A_306] {strides = array<i32>} : memref<16384xi32, #tpu.memory_space<vmem>>, vector<16xi32>,
      %reduce_sum3A_308 = arith.constant true
      %reduce_sum3A_309 = vector.broadcast %reduce_sum3A_308 : i1 to vector<16xi1>
      %reduce_sum3A_310 = tpu.scan <sum>, %get3A_307 masked %reduce_sum3A_309 : vector<16xi32>, vector<16xi1> -> vector<16xi32>
      %reduce_sum3A_311 = vector.extract %reduce_sum3A_310[15] : i32 from vector<16xi32>
      %eq3A_312 = arith.constant 14 : i32
      %eq3A_313 = vector.broadcast %eq3A_312 : i32 to vector<16xi32>
      %eq3A_314 = arith.cmpi eq, %iota3A_52, %eq3A_313 : vector<16xi32>
      %broadcast_in_dim3A_315 = vector.broadcast %reduce_sum3A_311 : i32 to vector<16xi32>
      %select_n3A_316 = arith.select %eq3A_314, %broadcast_in_dim3A_315, %select_n3A_299 : vector<16xi1>, vector<16xi32>
      %mul3A_317 = arith.constant 16 : i32
      %mul3A_318 = arith.muli %scan3A_62, %mul3A_317 : i32
      %add3A_319 = arith.constant 15 : i32
      %add3A_320 = arith.addi %mul3A_318, %add3A_319 : i32
      %mul3A_321 = arith.constant 16 : i32
      %mul3A_322 = arith.muli %add3A_320, %mul3A_321 : i32
      %get3A_323 = arith.index_cast %mul3A_322 : i32 to index
      %get3A_324 = tpu.vector_load %arg9[%get3A_323] {strides = array<i32>} : memref<16384xi32, #tpu.memory_space<vmem>>, vector<16xi32>,
      %reduce_sum3A_325 = arith.constant true
      %reduce_sum3A_326 = vector.broadcast %reduce_sum3A_325 : i1 to vector<16xi1>
      %reduce_sum3A_327 = tpu.scan <sum>, %get3A_324 masked %reduce_sum3A_326 : vector<16xi32>, vector<16xi1> -> vector<16xi32>
      %reduce_sum3A_328 = vector.extract %reduce_sum3A_327[15] : i32 from vector<16xi32>
      %eq3A_329 = arith.constant 15 : i32
      %eq3A_330 = vector.broadcast %eq3A_329 : i32 to vector<16xi32>
      %eq3A_331 = arith.cmpi eq, %iota3A_52, %eq3A_330 : vector<16xi32>
      %broadcast_in_dim3A_332 = vector.broadcast %reduce_sum3A_328 : i32 to vector<16xi32>
      %select_n3A_333 = arith.select %eq3A_331, %broadcast_in_dim3A_332, %select_n3A_316 : vector<16xi1>, vector<16xi32>
      %mul3A_334 = arith.constant 16 : i32
      %mul3A_335 = arith.muli %scan3A_62, %mul3A_334 : i32
      %swap3A = arith.index_cast %mul3A_335 : i32 to index
      %swap3A_336 = tpu.vector_load %arg10[%swap3A] {strides = array<i32>} : memref<1024xi32, #tpu.memory_space<vmem>>, vector<16xi32>,
      tpu.vector_store %arg10[%swap3A], %select_n3A_333 {strides = array<i32>} : memref<1024xi32, #tpu.memory_space<vmem>>, vector<16xi32>,
      %scan3A_337 = arith.constant 0 : i32
      scf.yield %scan3A_337 : i32
    }
    %scan3A_59 = arith.constant 64 : i32
    %mul3A_60 = arith.constant 1024 : i32
    %mul3A_61 = arith.muli %add3A, %mul3A_60 : i32
    "tpu.region"() ({
      %run_scoped3A = tpu.sem_alloc : memref<!tpu.dma_semaphore, #tpu.memory_space<semaphore_mem>>
      %dma_start3A_62 = tpu.memref_slice %arg3[%mul3A_61] : memref<32768xi32, #tpu.memory_space<hbm>> -> memref<1024xi32, #tpu.memory_space<hbm>>
      %dma_start3A_63 = tpu.memref_slice %arg3[%mul3A_61] : memref<32768xi32, #tpu.memory_space<hbm>> -> memref<1024xi32, #tpu.memory_space<hbm>>
      tpu.enqueue_dma source(%arg10 : memref<1024xi32, #tpu.memory_space<vmem>>) target(%dma_start3A_63 : memref<1024xi32, #tpu.memory_space<hbm>>) target_semaphore(%run_scoped3A : memref<!tpu.dma_semaphore, #tpu.memory_space<semaphore_mem>>)
      %dma_wait3A_64 = tpu.memref_slice %arg3[%mul3A_61] : memref<32768xi32, #tpu.memory_space<hbm>> -> memref<1024xi32, #tpu.memory_space<hbm>>
      %dma_wait3A_65 = tpu.memref_slice %arg3[%mul3A_61] : memref<32768xi32, #tpu.memory_space<hbm>> -> memref<1024xi32, #tpu.memory_space<hbm>>
      tpu.wait_dma2 semaphore(%run_scoped3A : memref<!tpu.dma_semaphore, #tpu.memory_space<semaphore_mem>>) src(%arg10 : memref<1024xi32, #tpu.memory_space<vmem>>) dst(%dma_wait3A_65 : memref<1024xi32, #tpu.memory_space<hbm>>)
      tpu.yield
    }) : () -> ()
    return
  }
}

#map = affine_map<(d0, d1) -> (0)>
#map1 = affine_map<(d0, d1) -> (0, 0, 0)>
module attributes {stable_mosaic.version = 14 : i64} {
  func.func @mask_k(%arg0: i32, %arg1: i32, %arg2: memref<16777216xi32, #tpu.memory_space<hbm>>, %arg3: memref<32768xi32, #tpu.memory_space<hbm>>, %arg4: memref<128x512x512xf32, #tpu.memory_space<hbm>>, %arg5: memref<32768xi32, #tpu.memory_space<vmem>>, %arg6: memref<16384xf32, #tpu.memory_space<vmem>>, %arg7: memref<1024xf32, #tpu.memory_space<vmem>>, %arg8: memref<8192xi32, #tpu.memory_space<vmem>>, %arg9: memref<8192xi32, #tpu.memory_space<vmem>>, %arg10: memref<32x512xf32, #tpu.memory_space<vmem>>, %arg11: memref<32x512xf32, #tpu.memory_space<vmem>>, %arg12: memref<!tpu.dma_semaphore, #tpu.memory_space<semaphore_mem>>, %arg13: memref<!tpu.dma_semaphore, #tpu.memory_space<semaphore_mem>>, %arg14: memref<!tpu.dma_semaphore, #tpu.memory_space<semaphore_mem>>, %arg15: memref<!tpu.dma_semaphore, #tpu.memory_space<semaphore_mem>>) attributes {dimension_semantics = [#tpu.dimension_semantics<core_parallel>, #tpu.dimension_semantics<subcore_parallel>], iteration_bounds = array<i64: 2, 16>, scalar_prefetch = 0 : i64, scratch_operands = 11 : i64, tpu.core_type = #tpu.core_type<sc_vector_subcore>, window_params = [{transform_indices = #map}, {transform_indices = #map}, {transform_indices = #map1}]} {
    %mul3A = arith.constant 2 : i32
    %mul3A_0 = arith.muli %arg1, %mul3A : i32
    %add3A = arith.addi %mul3A_0, %arg0 : i32
    %mul3A_1 = arith.constant 524288 : i32
    %mul3A_2 = arith.muli %add3A, %mul3A_1 : i32
    %add3A_3 = arith.constant 0 : i32
    %add3A_4 = arith.addi %mul3A_2, %add3A_3 : i32
    %dma_start3A = tpu.memref_slice %arg2[%add3A_4] : memref<16777216xi32, #tpu.memory_space<hbm>> -> memref<8192xi32, #tpu.memory_space<hbm>>
    %dma_start3A_5 = tpu.memref_slice %arg2[%add3A_4] : memref<16777216xi32, #tpu.memory_space<hbm>> -> memref<8192xi32, #tpu.memory_space<hbm>>
    tpu.enqueue_dma source(%dma_start3A_5 : memref<8192xi32, #tpu.memory_space<hbm>>) target(%arg8 : memref<8192xi32, #tpu.memory_space<vmem>>) target_semaphore(%arg12 : memref<!tpu.dma_semaphore, #tpu.memory_space<semaphore_mem>>)
    %mul3A_6 = arith.constant 524288 : i32
    %mul3A_7 = arith.muli %add3A, %mul3A_6 : i32
    %add3A_8 = arith.constant 8192 : i32
    %add3A_9 = arith.addi %mul3A_7, %add3A_8 : i32
    %dma_start3A_10 = tpu.memref_slice %arg2[%add3A_9] : memref<16777216xi32, #tpu.memory_space<hbm>> -> memref<8192xi32, #tpu.memory_space<hbm>>
    %dma_start3A_11 = tpu.memref_slice %arg2[%add3A_9] : memref<16777216xi32, #tpu.memory_space<hbm>> -> memref<8192xi32, #tpu.memory_space<hbm>>
    tpu.enqueue_dma source(%dma_start3A_11 : memref<8192xi32, #tpu.memory_space<hbm>>) target(%arg9 : memref<8192xi32, #tpu.memory_space<vmem>>) target_semaphore(%arg13 : memref<!tpu.dma_semaphore, #tpu.memory_space<semaphore_mem>>)
    "tpu.region"() ({
      %run_scoped3A = tpu.sem_alloc : memref<!tpu.dma_semaphore, #tpu.memory_space<semaphore_mem>>
      tpu.enqueue_dma source(%arg3 : memref<32768xi32, #tpu.memory_space<hbm>>) target(%arg5 : memref<32768xi32, #tpu.memory_space<vmem>>) target_semaphore(%run_scoped3A : memref<!tpu.dma_semaphore, #tpu.memory_space<semaphore_mem>>)
      tpu.wait_dma2 semaphore(%run_scoped3A : memref<!tpu.dma_semaphore, #tpu.memory_space<semaphore_mem>>) src(%arg3 : memref<32768xi32, #tpu.memory_space<hbm>>) dst(%arg5 : memref<32768xi32, #tpu.memory_space<vmem>>)
      tpu.yield
    }) : () -> ()
    %iota3A = tpu.iota {dimensions = array<i32: 0>} : vector<16xi32>
    %scan3A = arith.constant 0 : i32
    %scan3A_12 = arith.constant 0 : i32
    %scan3A_13 = arith.constant 64 : i32
    %scan3A_14 = arith.addi %scan3A_12, %scan3A_13 : i32
    %scan3A_15 = arith.constant 1 : i32
    %scan3A_16 = scf.for %scan3A_55 = %scan3A_12 to %scan3A_14 step %scan3A_15 iter_args(%scan3A_56 = %scan3A) -> (i32)  : i32 {
      %mul3A_57 = arith.constant 16 : i32
      %mul3A_58 = arith.muli %scan3A_55, %mul3A_57 : i32
      %get3A = arith.index_cast %mul3A_58 : i32 to index
      %get3A_59 = tpu.vector_load %arg5[%get3A] {strides = array<i32>} : memref<32768xi32, #tpu.memory_space<vmem>>, vector<16xi32>,
      %mul3A_60 = arith.constant 16 : i32
      %mul3A_61 = arith.muli %scan3A_55, %mul3A_60 : i32
      %add3A_62 = arith.constant 1024 : i32
      %add3A_63 = arith.addi %add3A_62, %mul3A_61 : i32
      %get3A_64 = arith.index_cast %add3A_63 : i32 to index
      %get3A_65 = tpu.vector_load %arg5[%get3A_64] {strides = array<i32>} : memref<32768xi32, #tpu.memory_space<vmem>>, vector<16xi32>,
      %add3A_66 = arith.addi %get3A_59, %get3A_65 : vector<16xi32>
      %mul3A_67 = arith.constant 16 : i32
      %mul3A_68 = arith.muli %scan3A_55, %mul3A_67 : i32
      %add3A_69 = arith.constant 2048 : i32
      %add3A_70 = arith.addi %add3A_69, %mul3A_68 : i32
      %get3A_71 = arith.index_cast %add3A_70 : i32 to index
      %get3A_72 = tpu.vector_load %arg5[%get3A_71] {strides = array<i32>} : memref<32768xi32, #tpu.memory_space<vmem>>, vector<16xi32>,
      %add3A_73 = arith.addi %add3A_66, %get3A_72 : vector<16xi32>
      %mul3A_74 = arith.constant 16 : i32
      %mul3A_75 = arith.muli %scan3A_55, %mul3A_74 : i32
      %add3A_76 = arith.constant 3072 : i32
      %add3A_77 = arith.addi %add3A_76, %mul3A_75 : i32
      %get3A_78 = arith.index_cast %add3A_77 : i32 to index
      %get3A_79 = tpu.vector_load %arg5[%get3A_78] {strides = array<i32>} : memref<32768xi32, #tpu.memory_space<vmem>>, vector<16xi32>,
      %add3A_80 = arith.addi %add3A_73, %get3A_79 : vector<16xi32>
      %mul3A_81 = arith.constant 16 : i32
      %mul3A_82 = arith.muli %scan3A_55, %mul3A_81 : i32
      %add3A_83 = arith.constant 4096 : i32
      %add3A_84 = arith.addi %add3A_83, %mul3A_82 : i32
      %get3A_85 = arith.index_cast %add3A_84 : i32 to index
      %get3A_86 = tpu.vector_load %arg5[%get3A_85] {strides = array<i32>} : memref<32768xi32, #tpu.memory_space<vmem>>, vector<16xi32>,
      %add3A_87 = arith.addi %add3A_80, %get3A_86 : vector<16xi32>
      %mul3A_88 = arith.constant 16 : i32
      %mul3A_89 = arith.muli %scan3A_55, %mul3A_88 : i32
      %add3A_90 = arith.constant 5120 : i32
      %add3A_91 = arith.addi %add3A_90, %mul3A_89 : i32
      %get3A_92 = arith.index_cast %add3A_91 : i32 to index
      %get3A_93 = tpu.vector_load %arg5[%get3A_92] {strides = array<i32>} : memref<32768xi32, #tpu.memory_space<vmem>>, vector<16xi32>,
      %add3A_94 = arith.addi %add3A_87, %get3A_93 : vector<16xi32>
      %mul3A_95 = arith.constant 16 : i32
      %mul3A_96 = arith.muli %scan3A_55, %mul3A_95 : i32
      %add3A_97 = arith.constant 6144 : i32
      %add3A_98 = arith.addi %add3A_97, %mul3A_96 : i32
      %get3A_99 = arith.index_cast %add3A_98 : i32 to index
      %get3A_100 = tpu.vector_load %arg5[%get3A_99] {strides = array<i32>} : memref<32768xi32, #tpu.memory_space<vmem>>, vector<16xi32>,
      %add3A_101 = arith.addi %add3A_94, %get3A_100 : vector<16xi32>
      %mul3A_102 = arith.constant 16 : i32
      %mul3A_103 = arith.muli %scan3A_55, %mul3A_102 : i32
      %add3A_104 = arith.constant 7168 : i32
      %add3A_105 = arith.addi %add3A_104, %mul3A_103 : i32
      %get3A_106 = arith.index_cast %add3A_105 : i32 to index
      %get3A_107 = tpu.vector_load %arg5[%get3A_106] {strides = array<i32>} : memref<32768xi32, #tpu.memory_space<vmem>>, vector<16xi32>,
      %add3A_108 = arith.addi %add3A_101, %get3A_107 : vector<16xi32>
      %mul3A_109 = arith.constant 16 : i32
      %mul3A_110 = arith.muli %scan3A_55, %mul3A_109 : i32
      %add3A_111 = arith.constant 8192 : i32
      %add3A_112 = arith.addi %add3A_111, %mul3A_110 : i32
      %get3A_113 = arith.index_cast %add3A_112 : i32 to index
      %get3A_114 = tpu.vector_load %arg5[%get3A_113] {strides = array<i32>} : memref<32768xi32, #tpu.memory_space<vmem>>, vector<16xi32>,
      %add3A_115 = arith.addi %add3A_108, %get3A_114 : vector<16xi32>
      %mul3A_116 = arith.constant 16 : i32
      %mul3A_117 = arith.muli %scan3A_55, %mul3A_116 : i32
      %add3A_118 = arith.constant 9216 : i32
      %add3A_119 = arith.addi %add3A_118, %mul3A_117 : i32
      %get3A_120 = arith.index_cast %add3A_119 : i32 to index
      %get3A_121 = tpu.vector_load %arg5[%get3A_120] {strides = array<i32>} : memref<32768xi32, #tpu.memory_space<vmem>>, vector<16xi32>,
      %add3A_122 = arith.addi %add3A_115, %get3A_121 : vector<16xi32>
      %mul3A_123 = arith.constant 16 : i32
      %mul3A_124 = arith.muli %scan3A_55, %mul3A_123 : i32
      %add3A_125 = arith.constant 10240 : i32
      %add3A_126 = arith.addi %add3A_125, %mul3A_124 : i32
      %get3A_127 = arith.index_cast %add3A_126 : i32 to index
      %get3A_128 = tpu.vector_load %arg5[%get3A_127] {strides = array<i32>} : memref<32768xi32, #tpu.memory_space<vmem>>, vector<16xi32>,
      %add3A_129 = arith.addi %add3A_122, %get3A_128 : vector<16xi32>
      %mul3A_130 = arith.constant 16 : i32
      %mul3A_131 = arith.muli %scan3A_55, %mul3A_130 : i32
      %add3A_132 = arith.constant 11264 : i32
      %add3A_133 = arith.addi %add3A_132, %mul3A_131 : i32
      %get3A_134 = arith.index_cast %add3A_133 : i32 to index
      %get3A_135 = tpu.vector_load %arg5[%get3A_134] {strides = array<i32>} : memref<32768xi32, #tpu.memory_space<vmem>>, vector<16xi32>,
      %add3A_136 = arith.addi %add3A_129, %get3A_135 : vector<16xi32>
      %mul3A_137 = arith.constant 16 : i32
      %mul3A_138 = arith.muli %scan3A_55, %mul3A_137 : i32
      %add3A_139 = arith.constant 12288 : i32
      %add3A_140 = arith.addi %add3A_139, %mul3A_138 : i32
      %get3A_141 = arith.index_cast %add3A_140 : i32 to index
      %get3A_142 = tpu.vector_load %arg5[%get3A_141] {strides = array<i32>} : memref<32768xi32, #tpu.memory_space<vmem>>, vector<16xi32>,
      %add3A_143 = arith.addi %add3A_136, %get3A_142 : vector<16xi32>
      %mul3A_144 = arith.constant 16 : i32
      %mul3A_145 = arith.muli %scan3A_55, %mul3A_144 : i32
      %add3A_146 = arith.constant 13312 : i32
      %add3A_147 = arith.addi %add3A_146, %mul3A_145 : i32
      %get3A_148 = arith.index_cast %add3A_147 : i32 to index
      %get3A_149 = tpu.vector_load %arg5[%get3A_148] {strides = array<i32>} : memref<32768xi32, #tpu.memory_space<vmem>>, vector<16xi32>,
      %add3A_150 = arith.addi %add3A_143, %get3A_149 : vector<16xi32>
      %mul3A_151 = arith.constant 16 : i32
      %mul3A_152 = arith.muli %scan3A_55, %mul3A_151 : i32
      %add3A_153 = arith.constant 14336 : i32
      %add3A_154 = arith.addi %add3A_153, %mul3A_152 : i32
      %get3A_155 = arith.index_cast %add3A_154 : i32 to index
      %get3A_156 = tpu.vector_load %arg5[%get3A_155] {strides = array<i32>} : memref<32768xi32, #tpu.memory_space<vmem>>, vector<16xi32>,
      %add3A_157 = arith.addi %add3A_150, %get3A_156 : vector<16xi32>
      %mul3A_158 = arith.constant 16 : i32
      %mul3A_159 = arith.muli %scan3A_55, %mul3A_158 : i32
      %add3A_160 = arith.constant 15360 : i32
      %add3A_161 = arith.addi %add3A_160, %mul3A_159 : i32
      %get3A_162 = arith.index_cast %add3A_161 : i32 to index
      %get3A_163 = tpu.vector_load %arg5[%get3A_162] {strides = array<i32>} : memref<32768xi32, #tpu.memory_space<vmem>>, vector<16xi32>,
      %add3A_164 = arith.addi %add3A_157, %get3A_163 : vector<16xi32>
      %mul3A_165 = arith.constant 16 : i32
      %mul3A_166 = arith.muli %scan3A_55, %mul3A_165 : i32
      %add3A_167 = arith.constant 16384 : i32
      %add3A_168 = arith.addi %add3A_167, %mul3A_166 : i32
      %get3A_169 = arith.index_cast %add3A_168 : i32 to index
      %get3A_170 = tpu.vector_load %arg5[%get3A_169] {strides = array<i32>} : memref<32768xi32, #tpu.memory_space<vmem>>, vector<16xi32>,
      %add3A_171 = arith.addi %add3A_164, %get3A_170 : vector<16xi32>
      %mul3A_172 = arith.constant 16 : i32
      %mul3A_173 = arith.muli %scan3A_55, %mul3A_172 : i32
      %add3A_174 = arith.constant 17408 : i32
      %add3A_175 = arith.addi %add3A_174, %mul3A_173 : i32
      %get3A_176 = arith.index_cast %add3A_175 : i32 to index
      %get3A_177 = tpu.vector_load %arg5[%get3A_176] {strides = array<i32>} : memref<32768xi32, #tpu.memory_space<vmem>>, vector<16xi32>,
      %add3A_178 = arith.addi %add3A_171, %get3A_177 : vector<16xi32>
      %mul3A_179 = arith.constant 16 : i32
      %mul3A_180 = arith.muli %scan3A_55, %mul3A_179 : i32
      %add3A_181 = arith.constant 18432 : i32
      %add3A_182 = arith.addi %add3A_181, %mul3A_180 : i32
      %get3A_183 = arith.index_cast %add3A_182 : i32 to index
      %get3A_184 = tpu.vector_load %arg5[%get3A_183] {strides = array<i32>} : memref<32768xi32, #tpu.memory_space<vmem>>, vector<16xi32>,
      %add3A_185 = arith.addi %add3A_178, %get3A_184 : vector<16xi32>
      %mul3A_186 = arith.constant 16 : i32
      %mul3A_187 = arith.muli %scan3A_55, %mul3A_186 : i32
      %add3A_188 = arith.constant 19456 : i32
      %add3A_189 = arith.addi %add3A_188, %mul3A_187 : i32
      %get3A_190 = arith.index_cast %add3A_189 : i32 to index
      %get3A_191 = tpu.vector_load %arg5[%get3A_190] {strides = array<i32>} : memref<32768xi32, #tpu.memory_space<vmem>>, vector<16xi32>,
      %add3A_192 = arith.addi %add3A_185, %get3A_191 : vector<16xi32>
      %mul3A_193 = arith.constant 16 : i32
      %mul3A_194 = arith.muli %scan3A_55, %mul3A_193 : i32
      %add3A_195 = arith.constant 20480 : i32
      %add3A_196 = arith.addi %add3A_195, %mul3A_194 : i32
      %get3A_197 = arith.index_cast %add3A_196 : i32 to index
      %get3A_198 = tpu.vector_load %arg5[%get3A_197] {strides = array<i32>} : memref<32768xi32, #tpu.memory_space<vmem>>, vector<16xi32>,
      %add3A_199 = arith.addi %add3A_192, %get3A_198 : vector<16xi32>
      %mul3A_200 = arith.constant 16 : i32
      %mul3A_201 = arith.muli %scan3A_55, %mul3A_200 : i32
      %add3A_202 = arith.constant 21504 : i32
      %add3A_203 = arith.addi %add3A_202, %mul3A_201 : i32
      %get3A_204 = arith.index_cast %add3A_203 : i32 to index
      %get3A_205 = tpu.vector_load %arg5[%get3A_204] {strides = array<i32>} : memref<32768xi32, #tpu.memory_space<vmem>>, vector<16xi32>,
      %add3A_206 = arith.addi %add3A_199, %get3A_205 : vector<16xi32>
      %mul3A_207 = arith.constant 16 : i32
      %mul3A_208 = arith.muli %scan3A_55, %mul3A_207 : i32
      %add3A_209 = arith.constant 22528 : i32
      %add3A_210 = arith.addi %add3A_209, %mul3A_208 : i32
      %get3A_211 = arith.index_cast %add3A_210 : i32 to index
      %get3A_212 = tpu.vector_load %arg5[%get3A_211] {strides = array<i32>} : memref<32768xi32, #tpu.memory_space<vmem>>, vector<16xi32>,
      %add3A_213 = arith.addi %add3A_206, %get3A_212 : vector<16xi32>
      %mul3A_214 = arith.constant 16 : i32
      %mul3A_215 = arith.muli %scan3A_55, %mul3A_214 : i32
      %add3A_216 = arith.constant 23552 : i32
      %add3A_217 = arith.addi %add3A_216, %mul3A_215 : i32
      %get3A_218 = arith.index_cast %add3A_217 : i32 to index
      %get3A_219 = tpu.vector_load %arg5[%get3A_218] {strides = array<i32>} : memref<32768xi32, #tpu.memory_space<vmem>>, vector<16xi32>,
      %add3A_220 = arith.addi %add3A_213, %get3A_219 : vector<16xi32>
      %mul3A_221 = arith.constant 16 : i32
      %mul3A_222 = arith.muli %scan3A_55, %mul3A_221 : i32
      %add3A_223 = arith.constant 24576 : i32
      %add3A_224 = arith.addi %add3A_223, %mul3A_222 : i32
      %get3A_225 = arith.index_cast %add3A_224 : i32 to index
      %get3A_226 = tpu.vector_load %arg5[%get3A_225] {strides = array<i32>} : memref<32768xi32, #tpu.memory_space<vmem>>, vector<16xi32>,
      %add3A_227 = arith.addi %add3A_220, %get3A_226 : vector<16xi32>
      %mul3A_228 = arith.constant 16 : i32
      %mul3A_229 = arith.muli %scan3A_55, %mul3A_228 : i32
      %add3A_230 = arith.constant 25600 : i32
      %add3A_231 = arith.addi %add3A_230, %mul3A_229 : i32
      %get3A_232 = arith.index_cast %add3A_231 : i32 to index
      %get3A_233 = tpu.vector_load %arg5[%get3A_232] {strides = array<i32>} : memref<32768xi32, #tpu.memory_space<vmem>>, vector<16xi32>,
      %add3A_234 = arith.addi %add3A_227, %get3A_233 : vector<16xi32>
      %mul3A_235 = arith.constant 16 : i32
      %mul3A_236 = arith.muli %scan3A_55, %mul3A_235 : i32
      %add3A_237 = arith.constant 26624 : i32
      %add3A_238 = arith.addi %add3A_237, %mul3A_236 : i32
      %get3A_239 = arith.index_cast %add3A_238 : i32 to index
      %get3A_240 = tpu.vector_load %arg5[%get3A_239] {strides = array<i32>} : memref<32768xi32, #tpu.memory_space<vmem>>, vector<16xi32>,
      %add3A_241 = arith.addi %add3A_234, %get3A_240 : vector<16xi32>
      %mul3A_242 = arith.constant 16 : i32
      %mul3A_243 = arith.muli %scan3A_55, %mul3A_242 : i32
      %add3A_244 = arith.constant 27648 : i32
      %add3A_245 = arith.addi %add3A_244, %mul3A_243 : i32
      %get3A_246 = arith.index_cast %add3A_245 : i32 to index
      %get3A_247 = tpu.vector_load %arg5[%get3A_246] {strides = array<i32>} : memref<32768xi32, #tpu.memory_space<vmem>>, vector<16xi32>,
      %add3A_248 = arith.addi %add3A_241, %get3A_247 : vector<16xi32>
      %mul3A_249 = arith.constant 16 : i32
      %mul3A_250 = arith.muli %scan3A_55, %mul3A_249 : i32
      %add3A_251 = arith.constant 28672 : i32
      %add3A_252 = arith.addi %add3A_251, %mul3A_250 : i32
      %get3A_253 = arith.index_cast %add3A_252 : i32 to index
      %get3A_254 = tpu.vector_load %arg5[%get3A_253] {strides = array<i32>} : memref<32768xi32, #tpu.memory_space<vmem>>, vector<16xi32>,
      %add3A_255 = arith.addi %add3A_248, %get3A_254 : vector<16xi32>
      %mul3A_256 = arith.constant 16 : i32
      %mul3A_257 = arith.muli %scan3A_55, %mul3A_256 : i32
      %add3A_258 = arith.constant 29696 : i32
      %add3A_259 = arith.addi %add3A_258, %mul3A_257 : i32
      %get3A_260 = arith.index_cast %add3A_259 : i32 to index
      %get3A_261 = tpu.vector_load %arg5[%get3A_260] {strides = array<i32>} : memref<32768xi32, #tpu.memory_space<vmem>>, vector<16xi32>,
      %add3A_262 = arith.addi %add3A_255, %get3A_261 : vector<16xi32>
      %mul3A_263 = arith.constant 16 : i32
      %mul3A_264 = arith.muli %scan3A_55, %mul3A_263 : i32
      %add3A_265 = arith.constant 30720 : i32
      %add3A_266 = arith.addi %add3A_265, %mul3A_264 : i32
      %get3A_267 = arith.index_cast %add3A_266 : i32 to index
      %get3A_268 = tpu.vector_load %arg5[%get3A_267] {strides = array<i32>} : memref<32768xi32, #tpu.memory_space<vmem>>, vector<16xi32>,
      %add3A_269 = arith.addi %add3A_262, %get3A_268 : vector<16xi32>
      %mul3A_270 = arith.constant 16 : i32
      %mul3A_271 = arith.muli %scan3A_55, %mul3A_270 : i32
      %add3A_272 = arith.constant 31744 : i32
      %add3A_273 = arith.addi %add3A_272, %mul3A_271 : i32
      %get3A_274 = arith.index_cast %add3A_273 : i32 to index
      %get3A_275 = tpu.vector_load %arg5[%get3A_274] {strides = array<i32>} : memref<32768xi32, #tpu.memory_space<vmem>>, vector<16xi32>,
      %add3A_276 = arith.addi %add3A_269, %get3A_275 : vector<16xi32>
      %mul3A_277 = arith.constant 16 : i32
      %mul3A_278 = arith.muli %scan3A_55, %mul3A_277 : i32
      %add3A_279 = vector.broadcast %mul3A_278 : i32 to vector<16xi32>
      %add3A_280 = arith.addi %iota3A, %add3A_279 : vector<16xi32>
      %convert_element_type3A = arith.sitofp %add3A_280 : vector<16xi32> to vector<16xf32>
      %ge3A = arith.constant 33000 : i32
      %ge3A_281 = vector.broadcast %ge3A : i32 to vector<16xi32>
      %ge3A_282 = arith.cmpi sge, %add3A_276, %ge3A_281 : vector<16xi32>
      %le3A = arith.constant 34000 : i32
      %le3A_283 = vector.broadcast %le3A : i32 to vector<16xi32>
      %le3A_284 = arith.cmpi sle, %add3A_276, %le3A_283 : vector<16xi32>
      %and3A = arith.andi %ge3A_282, %le3A_284 : vector<16xi1>
      %jit3A = arith.constant 0.000000e+00 : f32
      %broadcast_in_dim3A = vector.broadcast %jit3A : f32 to vector<16xf32>
      %select_n3A = arith.select %and3A, %convert_element_type3A, %broadcast_in_dim3A : vector<16xi1>, vector<16xf32>
      %mul3A_285 = arith.constant 16 : i32
      %mul3A_286 = arith.muli %scan3A_55, %mul3A_285 : i32
      %swap3A = arith.index_cast %mul3A_286 : i32 to index
      %swap3A_287 = tpu.vector_load %arg7[%swap3A] {strides = array<i32>} : memref<1024xf32, #tpu.memory_space<vmem>>, vector<16xf32>,
      tpu.vector_store %arg7[%swap3A], %select_n3A {strides = array<i32>} : memref<1024xf32, #tpu.memory_space<vmem>>, vector<16xf32>,
      %scan3A_288 = arith.constant 0 : i32
      scf.yield %scan3A_288 : i32
    }
    %scan3A_17 = arith.constant 64 : i32
    %scan3A_18 = arith.constant 0 : i32
    %scan3A_19 = arith.constant 0 : i32
    %scan3A_20 = arith.constant 64 : i32
    %scan3A_21 = arith.addi %scan3A_19, %scan3A_20 : i32
    %scan3A_22 = arith.constant 1 : i32
    %scan3A_23 = scf.for %scan3A_55 = %scan3A_19 to %scan3A_21 step %scan3A_22 iter_args(%scan3A_56 = %scan3A_18) -> (i32)  : i32 {
      %mul3A_57 = arith.constant 16 : i32
      %mul3A_58 = arith.muli %scan3A_55, %mul3A_57 : i32
      %get3A = arith.index_cast %mul3A_58 : i32 to index
      %get3A_59 = tpu.vector_load %arg7[%get3A] {strides = array<i32>} : memref<1024xf32, #tpu.memory_space<vmem>>, vector<16xf32>,
      %slice3A = vector.extract_strided_slice %get3A_59 {offsets = [0], sizes = [1], strides = [1]} : vector<16xf32> to vector<1xf32>
      %squeeze3A = vector.extract %slice3A[0] : f32 from vector<1xf32>
      %broadcast_in_dim3A = vector.broadcast %squeeze3A : f32 to vector<16xf32>
      %mul3A_60 = arith.constant 16 : i32
      %mul3A_61 = arith.muli %scan3A_55, %mul3A_60 : i32
      %add3A_62 = arith.constant 0 : i32
      %add3A_63 = arith.addi %mul3A_61, %add3A_62 : i32
      %mul3A_64 = arith.constant 16 : i32
      %mul3A_65 = arith.muli %add3A_63, %mul3A_64 : i32
      %swap3A = arith.index_cast %mul3A_65 : i32 to index
      %swap3A_66 = tpu.vector_load %arg6[%swap3A] {strides = array<i32>} : memref<16384xf32, #tpu.memory_space<vmem>>, vector<16xf32>,
      tpu.vector_store %arg6[%swap3A], %broadcast_in_dim3A {strides = array<i32>} : memref<16384xf32, #tpu.memory_space<vmem>>, vector<16xf32>,
      %slice3A_67 = vector.extract_strided_slice %get3A_59 {offsets = [1], sizes = [1], strides = [1]} : vector<16xf32> to vector<1xf32>
      %squeeze3A_68 = vector.extract %slice3A_67[0] : f32 from vector<1xf32>
      %broadcast_in_dim3A_69 = vector.broadcast %squeeze3A_68 : f32 to vector<16xf32>
      %mul3A_70 = arith.constant 16 : i32
      %mul3A_71 = arith.muli %scan3A_55, %mul3A_70 : i32
      %add3A_72 = arith.constant 1 : i32
      %add3A_73 = arith.addi %mul3A_71, %add3A_72 : i32
      %mul3A_74 = arith.constant 16 : i32
      %mul3A_75 = arith.muli %add3A_73, %mul3A_74 : i32
      %swap3A_76 = arith.index_cast %mul3A_75 : i32 to index
      %swap3A_77 = tpu.vector_load %arg6[%swap3A_76] {strides = array<i32>} : memref<16384xf32, #tpu.memory_space<vmem>>, vector<16xf32>,
      tpu.vector_store %arg6[%swap3A_76], %broadcast_in_dim3A_69 {strides = array<i32>} : memref<16384xf32, #tpu.memory_space<vmem>>, vector<16xf32>,
      %slice3A_78 = vector.extract_strided_slice %get3A_59 {offsets = [2], sizes = [1], strides = [1]} : vector<16xf32> to vector<1xf32>
      %squeeze3A_79 = vector.extract %slice3A_78[0] : f32 from vector<1xf32>
      %broadcast_in_dim3A_80 = vector.broadcast %squeeze3A_79 : f32 to vector<16xf32>
      %mul3A_81 = arith.constant 16 : i32
      %mul3A_82 = arith.muli %scan3A_55, %mul3A_81 : i32
      %add3A_83 = arith.constant 2 : i32
      %add3A_84 = arith.addi %mul3A_82, %add3A_83 : i32
      %mul3A_85 = arith.constant 16 : i32
      %mul3A_86 = arith.muli %add3A_84, %mul3A_85 : i32
      %swap3A_87 = arith.index_cast %mul3A_86 : i32 to index
      %swap3A_88 = tpu.vector_load %arg6[%swap3A_87] {strides = array<i32>} : memref<16384xf32, #tpu.memory_space<vmem>>, vector<16xf32>,
      tpu.vector_store %arg6[%swap3A_87], %broadcast_in_dim3A_80 {strides = array<i32>} : memref<16384xf32, #tpu.memory_space<vmem>>, vector<16xf32>,
      %slice3A_89 = vector.extract_strided_slice %get3A_59 {offsets = [3], sizes = [1], strides = [1]} : vector<16xf32> to vector<1xf32>
      %squeeze3A_90 = vector.extract %slice3A_89[0] : f32 from vector<1xf32>
      %broadcast_in_dim3A_91 = vector.broadcast %squeeze3A_90 : f32 to vector<16xf32>
      %mul3A_92 = arith.constant 16 : i32
      %mul3A_93 = arith.muli %scan3A_55, %mul3A_92 : i32
      %add3A_94 = arith.constant 3 : i32
      %add3A_95 = arith.addi %mul3A_93, %add3A_94 : i32
      %mul3A_96 = arith.constant 16 : i32
      %mul3A_97 = arith.muli %add3A_95, %mul3A_96 : i32
      %swap3A_98 = arith.index_cast %mul3A_97 : i32 to index
      %swap3A_99 = tpu.vector_load %arg6[%swap3A_98] {strides = array<i32>} : memref<16384xf32, #tpu.memory_space<vmem>>, vector<16xf32>,
      tpu.vector_store %arg6[%swap3A_98], %broadcast_in_dim3A_91 {strides = array<i32>} : memref<16384xf32, #tpu.memory_space<vmem>>, vector<16xf32>,
      %slice3A_100 = vector.extract_strided_slice %get3A_59 {offsets = [4], sizes = [1], strides = [1]} : vector<16xf32> to vector<1xf32>
      %squeeze3A_101 = vector.extract %slice3A_100[0] : f32 from vector<1xf32>
      %broadcast_in_dim3A_102 = vector.broadcast %squeeze3A_101 : f32 to vector<16xf32>
      %mul3A_103 = arith.constant 16 : i32
      %mul3A_104 = arith.muli %scan3A_55, %mul3A_103 : i32
      %add3A_105 = arith.constant 4 : i32
      %add3A_106 = arith.addi %mul3A_104, %add3A_105 : i32
      %mul3A_107 = arith.constant 16 : i32
      %mul3A_108 = arith.muli %add3A_106, %mul3A_107 : i32
      %swap3A_109 = arith.index_cast %mul3A_108 : i32 to index
      %swap3A_110 = tpu.vector_load %arg6[%swap3A_109] {strides = array<i32>} : memref<16384xf32, #tpu.memory_space<vmem>>, vector<16xf32>,
      tpu.vector_store %arg6[%swap3A_109], %broadcast_in_dim3A_102 {strides = array<i32>} : memref<16384xf32, #tpu.memory_space<vmem>>, vector<16xf32>,
      %slice3A_111 = vector.extract_strided_slice %get3A_59 {offsets = [5], sizes = [1], strides = [1]} : vector<16xf32> to vector<1xf32>
      %squeeze3A_112 = vector.extract %slice3A_111[0] : f32 from vector<1xf32>
      %broadcast_in_dim3A_113 = vector.broadcast %squeeze3A_112 : f32 to vector<16xf32>
      %mul3A_114 = arith.constant 16 : i32
      %mul3A_115 = arith.muli %scan3A_55, %mul3A_114 : i32
      %add3A_116 = arith.constant 5 : i32
      %add3A_117 = arith.addi %mul3A_115, %add3A_116 : i32
      %mul3A_118 = arith.constant 16 : i32
      %mul3A_119 = arith.muli %add3A_117, %mul3A_118 : i32
      %swap3A_120 = arith.index_cast %mul3A_119 : i32 to index
      %swap3A_121 = tpu.vector_load %arg6[%swap3A_120] {strides = array<i32>} : memref<16384xf32, #tpu.memory_space<vmem>>, vector<16xf32>,
      tpu.vector_store %arg6[%swap3A_120], %broadcast_in_dim3A_113 {strides = array<i32>} : memref<16384xf32, #tpu.memory_space<vmem>>, vector<16xf32>,
      %slice3A_122 = vector.extract_strided_slice %get3A_59 {offsets = [6], sizes = [1], strides = [1]} : vector<16xf32> to vector<1xf32>
      %squeeze3A_123 = vector.extract %slice3A_122[0] : f32 from vector<1xf32>
      %broadcast_in_dim3A_124 = vector.broadcast %squeeze3A_123 : f32 to vector<16xf32>
      %mul3A_125 = arith.constant 16 : i32
      %mul3A_126 = arith.muli %scan3A_55, %mul3A_125 : i32
      %add3A_127 = arith.constant 6 : i32
      %add3A_128 = arith.addi %mul3A_126, %add3A_127 : i32
      %mul3A_129 = arith.constant 16 : i32
      %mul3A_130 = arith.muli %add3A_128, %mul3A_129 : i32
      %swap3A_131 = arith.index_cast %mul3A_130 : i32 to index
      %swap3A_132 = tpu.vector_load %arg6[%swap3A_131] {strides = array<i32>} : memref<16384xf32, #tpu.memory_space<vmem>>, vector<16xf32>,
      tpu.vector_store %arg6[%swap3A_131], %broadcast_in_dim3A_124 {strides = array<i32>} : memref<16384xf32, #tpu.memory_space<vmem>>, vector<16xf32>,
      %slice3A_133 = vector.extract_strided_slice %get3A_59 {offsets = [7], sizes = [1], strides = [1]} : vector<16xf32> to vector<1xf32>
      %squeeze3A_134 = vector.extract %slice3A_133[0] : f32 from vector<1xf32>
      %broadcast_in_dim3A_135 = vector.broadcast %squeeze3A_134 : f32 to vector<16xf32>
      %mul3A_136 = arith.constant 16 : i32
      %mul3A_137 = arith.muli %scan3A_55, %mul3A_136 : i32
      %add3A_138 = arith.constant 7 : i32
      %add3A_139 = arith.addi %mul3A_137, %add3A_138 : i32
      %mul3A_140 = arith.constant 16 : i32
      %mul3A_141 = arith.muli %add3A_139, %mul3A_140 : i32
      %swap3A_142 = arith.index_cast %mul3A_141 : i32 to index
      %swap3A_143 = tpu.vector_load %arg6[%swap3A_142] {strides = array<i32>} : memref<16384xf32, #tpu.memory_space<vmem>>, vector<16xf32>,
      tpu.vector_store %arg6[%swap3A_142], %broadcast_in_dim3A_135 {strides = array<i32>} : memref<16384xf32, #tpu.memory_space<vmem>>, vector<16xf32>,
      %slice3A_144 = vector.extract_strided_slice %get3A_59 {offsets = [8], sizes = [1], strides = [1]} : vector<16xf32> to vector<1xf32>
      %squeeze3A_145 = vector.extract %slice3A_144[0] : f32 from vector<1xf32>
      %broadcast_in_dim3A_146 = vector.broadcast %squeeze3A_145 : f32 to vector<16xf32>
      %mul3A_147 = arith.constant 16 : i32
      %mul3A_148 = arith.muli %scan3A_55, %mul3A_147 : i32
      %add3A_149 = arith.constant 8 : i32
      %add3A_150 = arith.addi %mul3A_148, %add3A_149 : i32
      %mul3A_151 = arith.constant 16 : i32
      %mul3A_152 = arith.muli %add3A_150, %mul3A_151 : i32
      %swap3A_153 = arith.index_cast %mul3A_152 : i32 to index
      %swap3A_154 = tpu.vector_load %arg6[%swap3A_153] {strides = array<i32>} : memref<16384xf32, #tpu.memory_space<vmem>>, vector<16xf32>,
      tpu.vector_store %arg6[%swap3A_153], %broadcast_in_dim3A_146 {strides = array<i32>} : memref<16384xf32, #tpu.memory_space<vmem>>, vector<16xf32>,
      %slice3A_155 = vector.extract_strided_slice %get3A_59 {offsets = [9], sizes = [1], strides = [1]} : vector<16xf32> to vector<1xf32>
      %squeeze3A_156 = vector.extract %slice3A_155[0] : f32 from vector<1xf32>
      %broadcast_in_dim3A_157 = vector.broadcast %squeeze3A_156 : f32 to vector<16xf32>
      %mul3A_158 = arith.constant 16 : i32
      %mul3A_159 = arith.muli %scan3A_55, %mul3A_158 : i32
      %add3A_160 = arith.constant 9 : i32
      %add3A_161 = arith.addi %mul3A_159, %add3A_160 : i32
      %mul3A_162 = arith.constant 16 : i32
      %mul3A_163 = arith.muli %add3A_161, %mul3A_162 : i32
      %swap3A_164 = arith.index_cast %mul3A_163 : i32 to index
      %swap3A_165 = tpu.vector_load %arg6[%swap3A_164] {strides = array<i32>} : memref<16384xf32, #tpu.memory_space<vmem>>, vector<16xf32>,
      tpu.vector_store %arg6[%swap3A_164], %broadcast_in_dim3A_157 {strides = array<i32>} : memref<16384xf32, #tpu.memory_space<vmem>>, vector<16xf32>,
      %slice3A_166 = vector.extract_strided_slice %get3A_59 {offsets = [10], sizes = [1], strides = [1]} : vector<16xf32> to vector<1xf32>
      %squeeze3A_167 = vector.extract %slice3A_166[0] : f32 from vector<1xf32>
      %broadcast_in_dim3A_168 = vector.broadcast %squeeze3A_167 : f32 to vector<16xf32>
      %mul3A_169 = arith.constant 16 : i32
      %mul3A_170 = arith.muli %scan3A_55, %mul3A_169 : i32
      %add3A_171 = arith.constant 10 : i32
      %add3A_172 = arith.addi %mul3A_170, %add3A_171 : i32
      %mul3A_173 = arith.constant 16 : i32
      %mul3A_174 = arith.muli %add3A_172, %mul3A_173 : i32
      %swap3A_175 = arith.index_cast %mul3A_174 : i32 to index
      %swap3A_176 = tpu.vector_load %arg6[%swap3A_175] {strides = array<i32>} : memref<16384xf32, #tpu.memory_space<vmem>>, vector<16xf32>,
      tpu.vector_store %arg6[%swap3A_175], %broadcast_in_dim3A_168 {strides = array<i32>} : memref<16384xf32, #tpu.memory_space<vmem>>, vector<16xf32>,
      %slice3A_177 = vector.extract_strided_slice %get3A_59 {offsets = [11], sizes = [1], strides = [1]} : vector<16xf32> to vector<1xf32>
      %squeeze3A_178 = vector.extract %slice3A_177[0] : f32 from vector<1xf32>
      %broadcast_in_dim3A_179 = vector.broadcast %squeeze3A_178 : f32 to vector<16xf32>
      %mul3A_180 = arith.constant 16 : i32
      %mul3A_181 = arith.muli %scan3A_55, %mul3A_180 : i32
      %add3A_182 = arith.constant 11 : i32
      %add3A_183 = arith.addi %mul3A_181, %add3A_182 : i32
      %mul3A_184 = arith.constant 16 : i32
      %mul3A_185 = arith.muli %add3A_183, %mul3A_184 : i32
      %swap3A_186 = arith.index_cast %mul3A_185 : i32 to index
      %swap3A_187 = tpu.vector_load %arg6[%swap3A_186] {strides = array<i32>} : memref<16384xf32, #tpu.memory_space<vmem>>, vector<16xf32>,
      tpu.vector_store %arg6[%swap3A_186], %broadcast_in_dim3A_179 {strides = array<i32>} : memref<16384xf32, #tpu.memory_space<vmem>>, vector<16xf32>,
      %slice3A_188 = vector.extract_strided_slice %get3A_59 {offsets = [12], sizes = [1], strides = [1]} : vector<16xf32> to vector<1xf32>
      %squeeze3A_189 = vector.extract %slice3A_188[0] : f32 from vector<1xf32>
      %broadcast_in_dim3A_190 = vector.broadcast %squeeze3A_189 : f32 to vector<16xf32>
      %mul3A_191 = arith.constant 16 : i32
      %mul3A_192 = arith.muli %scan3A_55, %mul3A_191 : i32
      %add3A_193 = arith.constant 12 : i32
      %add3A_194 = arith.addi %mul3A_192, %add3A_193 : i32
      %mul3A_195 = arith.constant 16 : i32
      %mul3A_196 = arith.muli %add3A_194, %mul3A_195 : i32
      %swap3A_197 = arith.index_cast %mul3A_196 : i32 to index
      %swap3A_198 = tpu.vector_load %arg6[%swap3A_197] {strides = array<i32>} : memref<16384xf32, #tpu.memory_space<vmem>>, vector<16xf32>,
      tpu.vector_store %arg6[%swap3A_197], %broadcast_in_dim3A_190 {strides = array<i32>} : memref<16384xf32, #tpu.memory_space<vmem>>, vector<16xf32>,
      %slice3A_199 = vector.extract_strided_slice %get3A_59 {offsets = [13], sizes = [1], strides = [1]} : vector<16xf32> to vector<1xf32>
      %squeeze3A_200 = vector.extract %slice3A_199[0] : f32 from vector<1xf32>
      %broadcast_in_dim3A_201 = vector.broadcast %squeeze3A_200 : f32 to vector<16xf32>
      %mul3A_202 = arith.constant 16 : i32
      %mul3A_203 = arith.muli %scan3A_55, %mul3A_202 : i32
      %add3A_204 = arith.constant 13 : i32
      %add3A_205 = arith.addi %mul3A_203, %add3A_204 : i32
      %mul3A_206 = arith.constant 16 : i32
      %mul3A_207 = arith.muli %add3A_205, %mul3A_206 : i32
      %swap3A_208 = arith.index_cast %mul3A_207 : i32 to index
      %swap3A_209 = tpu.vector_load %arg6[%swap3A_208] {strides = array<i32>} : memref<16384xf32, #tpu.memory_space<vmem>>, vector<16xf32>,
      tpu.vector_store %arg6[%swap3A_208], %broadcast_in_dim3A_201 {strides = array<i32>} : memref<16384xf32, #tpu.memory_space<vmem>>, vector<16xf32>,
      %slice3A_210 = vector.extract_strided_slice %get3A_59 {offsets = [14], sizes = [1], strides = [1]} : vector<16xf32> to vector<1xf32>
      %squeeze3A_211 = vector.extract %slice3A_210[0] : f32 from vector<1xf32>
      %broadcast_in_dim3A_212 = vector.broadcast %squeeze3A_211 : f32 to vector<16xf32>
      %mul3A_213 = arith.constant 16 : i32
      %mul3A_214 = arith.muli %scan3A_55, %mul3A_213 : i32
      %add3A_215 = arith.constant 14 : i32
      %add3A_216 = arith.addi %mul3A_214, %add3A_215 : i32
      %mul3A_217 = arith.constant 16 : i32
      %mul3A_218 = arith.muli %add3A_216, %mul3A_217 : i32
      %swap3A_219 = arith.index_cast %mul3A_218 : i32 to index
      %swap3A_220 = tpu.vector_load %arg6[%swap3A_219] {strides = array<i32>} : memref<16384xf32, #tpu.memory_space<vmem>>, vector<16xf32>,
      tpu.vector_store %arg6[%swap3A_219], %broadcast_in_dim3A_212 {strides = array<i32>} : memref<16384xf32, #tpu.memory_space<vmem>>, vector<16xf32>,
      %slice3A_221 = vector.extract_strided_slice %get3A_59 {offsets = [15], sizes = [1], strides = [1]} : vector<16xf32> to vector<1xf32>
      %squeeze3A_222 = vector.extract %slice3A_221[0] : f32 from vector<1xf32>
      %broadcast_in_dim3A_223 = vector.broadcast %squeeze3A_222 : f32 to vector<16xf32>
      %mul3A_224 = arith.constant 16 : i32
      %mul3A_225 = arith.muli %scan3A_55, %mul3A_224 : i32
      %add3A_226 = arith.constant 15 : i32
      %add3A_227 = arith.addi %mul3A_225, %add3A_226 : i32
      %mul3A_228 = arith.constant 16 : i32
      %mul3A_229 = arith.muli %add3A_227, %mul3A_228 : i32
      %swap3A_230 = arith.index_cast %mul3A_229 : i32 to index
      %swap3A_231 = tpu.vector_load %arg6[%swap3A_230] {strides = array<i32>} : memref<16384xf32, #tpu.memory_space<vmem>>, vector<16xf32>,
      tpu.vector_store %arg6[%swap3A_230], %broadcast_in_dim3A_223 {strides = array<i32>} : memref<16384xf32, #tpu.memory_space<vmem>>, vector<16xf32>,
      %scan3A_232 = arith.constant 0 : i32
      scf.yield %scan3A_232 : i32
    }
    %scan3A_24 = arith.constant 64 : i32
    %scan3A_25 = arith.constant 0 : i32
    %scan3A_26 = arith.constant 0 : i32
    %scan3A_27 = arith.constant 32 : i32
    %scan3A_28 = arith.addi %scan3A_26, %scan3A_27 : i32
    %scan3A_29 = arith.constant 1 : i32
    %scan3A_30 = scf.for %scan3A_55 = %scan3A_26 to %scan3A_28 step %scan3A_29 iter_args(%scan3A_56 = %scan3A_25) -> (i32)  : i32 {
      %mul3A_57 = arith.constant 2 : i32
      %mul3A_58 = arith.muli %mul3A_57, %scan3A_55 : i32
      %add3A_59 = arith.constant 0 : i32
      %add3A_60 = arith.addi %mul3A_58, %add3A_59 : i32
      %mul3A_61 = arith.constant 524288 : i32
      %mul3A_62 = arith.muli %add3A, %mul3A_61 : i32
      %mul3A_63 = arith.constant 8192 : i32
      %mul3A_64 = arith.muli %add3A_60, %mul3A_63 : i32
      %add3A_65 = arith.addi %mul3A_62, %mul3A_64 : i32
      %dma_wait3A_66 = tpu.memref_slice %arg2[%add3A_65] : memref<16777216xi32, #tpu.memory_space<hbm>> -> memref<8192xi32, #tpu.memory_space<hbm>>
      %dma_wait3A_67 = tpu.memref_slice %arg2[%add3A_65] : memref<16777216xi32, #tpu.memory_space<hbm>> -> memref<8192xi32, #tpu.memory_space<hbm>>
      tpu.wait_dma2 semaphore(%arg12 : memref<!tpu.dma_semaphore, #tpu.memory_space<semaphore_mem>>) src(%dma_wait3A_67 : memref<8192xi32, #tpu.memory_space<hbm>>) dst(%arg8 : memref<8192xi32, #tpu.memory_space<vmem>>)
      %ge3A = arith.constant 2 : i32
      %ge3A_68 = arith.cmpi sge, %add3A_60, %ge3A : i32
      %convert_element_type3A = arith.extui %ge3A_68 : i1 to i32
      %cond3A = arith.constant 0 : i32
      %cond3A_69 = arith.cmpi ne, %convert_element_type3A, %cond3A : i32
      scf.if %cond3A_69 {
        %sub3A_198 = arith.constant 2 : i32
        %sub3A_199 = arith.subi %add3A_60, %sub3A_198 : i32
        %mul3A_200 = arith.constant 4 : i32
        %mul3A_201 = arith.muli %add3A, %mul3A_200 : i32
        %jit3A_202 = arith.constant 16 : i32
        %div3A_203 = arith.divsi %sub3A_199, %jit3A_202 : i32
        %sign3A_204 = arith.constant 0 : i32
        %sign3A_205 = arith.cmpi sgt, %sub3A_199, %sign3A_204 : i32
        %sign3A_206 = arith.extui %sign3A_205 : i1 to i32
        %sign3A_207 = arith.constant 0 : i32
        %sign3A_208 = arith.cmpi slt, %sub3A_199, %sign3A_207 : i32
        %sign3A_209 = arith.extui %sign3A_208 : i1 to i32
        %sign3A_210 = arith.subi %sign3A_206, %sign3A_209 : i32
        %sign3A_211 = arith.constant 0 : i32
        %sign3A_212 = arith.cmpi sgt, %jit3A_202, %sign3A_211 : i32
        %sign3A_213 = arith.extui %sign3A_212 : i1 to i32
        %sign3A_214 = arith.constant 0 : i32
        %sign3A_215 = arith.cmpi slt, %jit3A_202, %sign3A_214 : i32
        %sign3A_216 = arith.extui %sign3A_215 : i1 to i32
        %sign3A_217 = arith.subi %sign3A_213, %sign3A_216 : i32
        %ne3A_218 = arith.cmpi ne, %sign3A_210, %sign3A_217 : i32
        %rem3A_219 = arith.remsi %sub3A_199, %jit3A_202 : i32
        %ne3A_220 = arith.constant 0 : i32
        %ne3A_221 = arith.cmpi ne, %rem3A_219, %ne3A_220 : i32
        %and3A_222 = arith.andi %ne3A_218, %ne3A_221 : i1
        %sub3A_223 = arith.constant 1 : i32
        %sub3A_224 = arith.subi %div3A_203, %sub3A_223 : i32
        %select_n3A_225 = arith.select %and3A_222, %sub3A_224, %div3A_203 : i32
        %add3A_226 = arith.addi %mul3A_201, %select_n3A_225 : i32
        %jit3A_227 = arith.constant 16 : i32
        %eq3A_228 = arith.constant 0 : i32
        %eq3A_229 = arith.cmpi eq, %jit3A_227, %eq3A_228 : i32
        %jit3A_230 = arith.constant 1 : i32
        %select_n3A_231 = arith.select %eq3A_229, %jit3A_230, %jit3A_227 : i32
        %rem3A_232 = arith.remsi %sub3A_199, %select_n3A_231 : i32
        %ne3A_233 = arith.constant 0 : i32
        %ne3A_234 = arith.cmpi ne, %rem3A_232, %ne3A_233 : i32
        %lt3A_235 = arith.constant 0 : i32
        %lt3A_236 = arith.cmpi slt, %rem3A_232, %lt3A_235 : i32
        %lt3A_237 = arith.constant 0 : i32
        %lt3A_238 = arith.cmpi slt, %select_n3A_231, %lt3A_237 : i32
        %ne3A_239 = arith.xori %lt3A_236, %lt3A_238 : i1
        %and3A_240 = arith.andi %ne3A_239, %ne3A_234 : i1
        %add3A_241 = arith.addi %rem3A_232, %select_n3A_231 : i32
        %select_n3A_242 = arith.select %and3A_240, %add3A_241, %rem3A_232 : i32
        %mul3A_243 = arith.constant 32 : i32
        %mul3A_244 = arith.muli %select_n3A_242, %mul3A_243 : i32
        %dma_wait3A_245 = arith.constant 0 : i32
        %dma_wait3A_246 = tpu.memref_slice %arg4[%add3A_226, %mul3A_244, %dma_wait3A_245] : memref<128x512x512xf32, #tpu.memory_space<hbm>> -> memref<1x32x512xf32, #tpu.memory_space<hbm>>
        %dma_wait3A_247 = tpu.memref_squeeze %dma_wait3A_246 : memref<1x32x512xf32, #tpu.memory_space<hbm>> -> memref<32x512xf32, #tpu.memory_space<hbm>>
        %dma_wait3A_248 = arith.constant 0 : i32
        %dma_wait3A_249 = tpu.memref_slice %arg4[%add3A_226, %mul3A_244, %dma_wait3A_248] : memref<128x512x512xf32, #tpu.memory_space<hbm>> -> memref<1x32x512xf32, #tpu.memory_space<hbm>>
        %dma_wait3A_250 = tpu.memref_squeeze %dma_wait3A_249 : memref<1x32x512xf32, #tpu.memory_space<hbm>> -> memref<32x512xf32, #tpu.memory_space<hbm>>
        tpu.wait_dma2 semaphore(%arg14 : memref<!tpu.dma_semaphore, #tpu.memory_space<semaphore_mem>>) src(%arg10 : memref<32x512xf32, #tpu.memory_space<vmem>>) dst(%dma_wait3A_250 : memref<32x512xf32, #tpu.memory_space<hbm>>)
      } else {
      }
      %parallel_loop3A = arith.constant 0 : i32
      %parallel_loop3A_70 = arith.constant 512 : i32
      %parallel_loop3A_71 = arith.constant 1 : i32
      scf.for %parallel_loop3A_198 = %parallel_loop3A to %parallel_loop3A_70 step %parallel_loop3A_71  : i32 {
        %parallel_loop3A_199 = arith.constant 16 : i32
        %parallel_loop3A_200 = arith.muli %parallel_loop3A_198, %parallel_loop3A_199 : i32
        %parallel_loop3A_201 = tpu.assume_multiple %parallel_loop3A_200, 16 : i32
        %parallel_loop3A_202 = arith.index_cast %parallel_loop3A_201 : i32 to index
        %parallel_loop3A_203 = tpu.vector_load %arg8[%parallel_loop3A_202] {strides = array<i32>} : memref<8192xi32, #tpu.memory_space<vmem>>, vector<16xi32>,
        %parallel_loop3A_204 = vector.bitcast %parallel_loop3A_203 : vector<16xi32> to vector<32xi16>
        %parallel_loop3A_205 = tpu.unpack_subelements %parallel_loop3A_204, 0 {pack_format = #tpu.pack_format<interleaved>} : vector<32xi16> -> vector<16xi32>
        %parallel_loop3A_206 = tpu.unpack_subelements %parallel_loop3A_204, 1 {pack_format = #tpu.pack_format<interleaved>} : vector<32xi16> -> vector<16xi32>
        %parallel_loop3A_207 = arith.constant 2 : i32
        %parallel_loop3A_208 = arith.muli %parallel_loop3A_207, %parallel_loop3A_198 : i32
        %parallel_loop3A_209 = arith.constant 2 : i32
        %parallel_loop3A_210 = arith.muli %parallel_loop3A_209, %parallel_loop3A_198 : i32
        %parallel_loop3A_211 = arith.constant 1 : i32
        %parallel_loop3A_212 = arith.addi %parallel_loop3A_210, %parallel_loop3A_211 : i32
        %parallel_loop3A_213 = tpu.vector_load_idx %arg6[%parallel_loop3A_205] : memref<16384xf32, #tpu.memory_space<vmem>>[vector<16xi32>], vector<16xf32>,
        %parallel_loop3A_214 = arith.constant 32 : i32
        %parallel_loop3A_215 = arith.divsi %parallel_loop3A_208, %parallel_loop3A_214 : i32
        %parallel_loop3A_216 = arith.constant 0 : i32
        %parallel_loop3A_217 = arith.cmpi sgt, %parallel_loop3A_208, %parallel_loop3A_216 : i32
        %parallel_loop3A_218 = arith.extui %parallel_loop3A_217 : i1 to i32
        %parallel_loop3A_219 = arith.constant 0 : i32
        %parallel_loop3A_220 = arith.cmpi slt, %parallel_loop3A_208, %parallel_loop3A_219 : i32
        %parallel_loop3A_221 = arith.extui %parallel_loop3A_220 : i1 to i32
        %parallel_loop3A_222 = arith.subi %parallel_loop3A_218, %parallel_loop3A_221 : i32
        %parallel_loop3A_223 = arith.constant 0 : i32
        %parallel_loop3A_224 = arith.cmpi sgt, %parallel_loop3A_214, %parallel_loop3A_223 : i32
        %parallel_loop3A_225 = arith.extui %parallel_loop3A_224 : i1 to i32
        %parallel_loop3A_226 = arith.constant 0 : i32
        %parallel_loop3A_227 = arith.cmpi slt, %parallel_loop3A_214, %parallel_loop3A_226 : i32
        %parallel_loop3A_228 = arith.extui %parallel_loop3A_227 : i1 to i32
        %parallel_loop3A_229 = arith.subi %parallel_loop3A_225, %parallel_loop3A_228 : i32
        %parallel_loop3A_230 = arith.cmpi ne, %parallel_loop3A_222, %parallel_loop3A_229 : i32
        %parallel_loop3A_231 = arith.remsi %parallel_loop3A_208, %parallel_loop3A_214 : i32
        %parallel_loop3A_232 = arith.constant 0 : i32
        %parallel_loop3A_233 = arith.cmpi ne, %parallel_loop3A_231, %parallel_loop3A_232 : i32
        %parallel_loop3A_234 = arith.andi %parallel_loop3A_230, %parallel_loop3A_233 : i1
        %parallel_loop3A_235 = arith.constant 1 : i32
        %parallel_loop3A_236 = arith.subi %parallel_loop3A_215, %parallel_loop3A_235 : i32
        %parallel_loop3A_237 = arith.select %parallel_loop3A_234, %parallel_loop3A_236, %parallel_loop3A_215 : i32
        %parallel_loop3A_238 = arith.constant 32 : i32
        %parallel_loop3A_239 = arith.constant 0 : i32
        %parallel_loop3A_240 = arith.cmpi eq, %parallel_loop3A_238, %parallel_loop3A_239 : i32
        %parallel_loop3A_241 = arith.constant 1 : i32
        %parallel_loop3A_242 = arith.select %parallel_loop3A_240, %parallel_loop3A_241, %parallel_loop3A_238 : i32
        %parallel_loop3A_243 = arith.remsi %parallel_loop3A_208, %parallel_loop3A_242 : i32
        %parallel_loop3A_244 = arith.constant 0 : i32
        %parallel_loop3A_245 = arith.cmpi ne, %parallel_loop3A_243, %parallel_loop3A_244 : i32
        %parallel_loop3A_246 = arith.constant 0 : i32
        %parallel_loop3A_247 = arith.cmpi slt, %parallel_loop3A_243, %parallel_loop3A_246 : i32
        %parallel_loop3A_248 = arith.constant 0 : i32
        %parallel_loop3A_249 = arith.cmpi slt, %parallel_loop3A_242, %parallel_loop3A_248 : i32
        %parallel_loop3A_250 = arith.xori %parallel_loop3A_247, %parallel_loop3A_249 : i1
        %parallel_loop3A_251 = arith.andi %parallel_loop3A_250, %parallel_loop3A_245 : i1
        %parallel_loop3A_252 = arith.addi %parallel_loop3A_243, %parallel_loop3A_242 : i32
        %parallel_loop3A_253 = arith.select %parallel_loop3A_251, %parallel_loop3A_252, %parallel_loop3A_243 : i32
        %parallel_loop3A_254 = arith.constant 16 : i32
        %parallel_loop3A_255 = arith.muli %parallel_loop3A_253, %parallel_loop3A_254 : i32
        %parallel_loop3A_256 = arith.index_cast %parallel_loop3A_237 : i32 to index
        %parallel_loop3A_257 = arith.index_cast %parallel_loop3A_255 : i32 to index
        %parallel_loop3A_258 = tpu.vector_load %arg10[%parallel_loop3A_256, %parallel_loop3A_257] {strides = array<i32>} : memref<32x512xf32, #tpu.memory_space<vmem>>, vector<16xf32>,
        tpu.vector_store %arg10[%parallel_loop3A_256, %parallel_loop3A_257], %parallel_loop3A_213 {strides = array<i32>} : memref<32x512xf32, #tpu.memory_space<vmem>>, vector<16xf32>,
        %parallel_loop3A_259 = tpu.vector_load_idx %arg6[%parallel_loop3A_206] : memref<16384xf32, #tpu.memory_space<vmem>>[vector<16xi32>], vector<16xf32>,
        %parallel_loop3A_260 = arith.constant 32 : i32
        %parallel_loop3A_261 = arith.divsi %parallel_loop3A_212, %parallel_loop3A_260 : i32
        %parallel_loop3A_262 = arith.constant 0 : i32
        %parallel_loop3A_263 = arith.cmpi sgt, %parallel_loop3A_212, %parallel_loop3A_262 : i32
        %parallel_loop3A_264 = arith.extui %parallel_loop3A_263 : i1 to i32
        %parallel_loop3A_265 = arith.constant 0 : i32
        %parallel_loop3A_266 = arith.cmpi slt, %parallel_loop3A_212, %parallel_loop3A_265 : i32
        %parallel_loop3A_267 = arith.extui %parallel_loop3A_266 : i1 to i32
        %parallel_loop3A_268 = arith.subi %parallel_loop3A_264, %parallel_loop3A_267 : i32
        %parallel_loop3A_269 = arith.constant 0 : i32
        %parallel_loop3A_270 = arith.cmpi sgt, %parallel_loop3A_260, %parallel_loop3A_269 : i32
        %parallel_loop3A_271 = arith.extui %parallel_loop3A_270 : i1 to i32
        %parallel_loop3A_272 = arith.constant 0 : i32
        %parallel_loop3A_273 = arith.cmpi slt, %parallel_loop3A_260, %parallel_loop3A_272 : i32
        %parallel_loop3A_274 = arith.extui %parallel_loop3A_273 : i1 to i32
        %parallel_loop3A_275 = arith.subi %parallel_loop3A_271, %parallel_loop3A_274 : i32
        %parallel_loop3A_276 = arith.cmpi ne, %parallel_loop3A_268, %parallel_loop3A_275 : i32
        %parallel_loop3A_277 = arith.remsi %parallel_loop3A_212, %parallel_loop3A_260 : i32
        %parallel_loop3A_278 = arith.constant 0 : i32
        %parallel_loop3A_279 = arith.cmpi ne, %parallel_loop3A_277, %parallel_loop3A_278 : i32
        %parallel_loop3A_280 = arith.andi %parallel_loop3A_276, %parallel_loop3A_279 : i1
        %parallel_loop3A_281 = arith.constant 1 : i32
        %parallel_loop3A_282 = arith.subi %parallel_loop3A_261, %parallel_loop3A_281 : i32
        %parallel_loop3A_283 = arith.select %parallel_loop3A_280, %parallel_loop3A_282, %parallel_loop3A_261 : i32
        %parallel_loop3A_284 = arith.constant 32 : i32
        %parallel_loop3A_285 = arith.constant 0 : i32
        %parallel_loop3A_286 = arith.cmpi eq, %parallel_loop3A_284, %parallel_loop3A_285 : i32
        %parallel_loop3A_287 = arith.constant 1 : i32
        %parallel_loop3A_288 = arith.select %parallel_loop3A_286, %parallel_loop3A_287, %parallel_loop3A_284 : i32
        %parallel_loop3A_289 = arith.remsi %parallel_loop3A_212, %parallel_loop3A_288 : i32
        %parallel_loop3A_290 = arith.constant 0 : i32
        %parallel_loop3A_291 = arith.cmpi ne, %parallel_loop3A_289, %parallel_loop3A_290 : i32
        %parallel_loop3A_292 = arith.constant 0 : i32
        %parallel_loop3A_293 = arith.cmpi slt, %parallel_loop3A_289, %parallel_loop3A_292 : i32
        %parallel_loop3A_294 = arith.constant 0 : i32
        %parallel_loop3A_295 = arith.cmpi slt, %parallel_loop3A_288, %parallel_loop3A_294 : i32
        %parallel_loop3A_296 = arith.xori %parallel_loop3A_293, %parallel_loop3A_295 : i1
        %parallel_loop3A_297 = arith.andi %parallel_loop3A_296, %parallel_loop3A_291 : i1
        %parallel_loop3A_298 = arith.addi %parallel_loop3A_289, %parallel_loop3A_288 : i32
        %parallel_loop3A_299 = arith.select %parallel_loop3A_297, %parallel_loop3A_298, %parallel_loop3A_289 : i32
        %parallel_loop3A_300 = arith.constant 16 : i32
        %parallel_loop3A_301 = arith.muli %parallel_loop3A_299, %parallel_loop3A_300 : i32
        %parallel_loop3A_302 = arith.index_cast %parallel_loop3A_283 : i32 to index
        %parallel_loop3A_303 = arith.index_cast %parallel_loop3A_301 : i32 to index
        %parallel_loop3A_304 = tpu.vector_load %arg10[%parallel_loop3A_302, %parallel_loop3A_303] {strides = array<i32>} : memref<32x512xf32, #tpu.memory_space<vmem>>, vector<16xf32>,
        tpu.vector_store %arg10[%parallel_loop3A_302, %parallel_loop3A_303], %parallel_loop3A_259 {strides = array<i32>} : memref<32x512xf32, #tpu.memory_space<vmem>>, vector<16xf32>,
      } {sc.loop_unroll_factor = 8 : i64, sc.parallel_access}
      %mul3A_72 = arith.constant 4 : i32
      %mul3A_73 = arith.muli %add3A, %mul3A_72 : i32
      %jit3A = arith.constant 16 : i32
      %div3A = arith.divsi %add3A_60, %jit3A : i32
      %sign3A = arith.constant 0 : i32
      %sign3A_74 = arith.cmpi sgt, %add3A_60, %sign3A : i32
      %sign3A_75 = arith.extui %sign3A_74 : i1 to i32
      %sign3A_76 = arith.constant 0 : i32
      %sign3A_77 = arith.cmpi slt, %add3A_60, %sign3A_76 : i32
      %sign3A_78 = arith.extui %sign3A_77 : i1 to i32
      %sign3A_79 = arith.subi %sign3A_75, %sign3A_78 : i32
      %sign3A_80 = arith.constant 0 : i32
      %sign3A_81 = arith.cmpi sgt, %jit3A, %sign3A_80 : i32
      %sign3A_82 = arith.extui %sign3A_81 : i1 to i32
      %sign3A_83 = arith.constant 0 : i32
      %sign3A_84 = arith.cmpi slt, %jit3A, %sign3A_83 : i32
      %sign3A_85 = arith.extui %sign3A_84 : i1 to i32
      %sign3A_86 = arith.subi %sign3A_82, %sign3A_85 : i32
      %ne3A = arith.cmpi ne, %sign3A_79, %sign3A_86 : i32
      %rem3A = arith.remsi %add3A_60, %jit3A : i32
      %ne3A_87 = arith.constant 0 : i32
      %ne3A_88 = arith.cmpi ne, %rem3A, %ne3A_87 : i32
      %and3A = arith.andi %ne3A, %ne3A_88 : i1
      %sub3A = arith.constant 1 : i32
      %sub3A_89 = arith.subi %div3A, %sub3A : i32
      %select_n3A = arith.select %and3A, %sub3A_89, %div3A : i32
      %add3A_90 = arith.addi %mul3A_73, %select_n3A : i32
      %jit3A_91 = arith.constant 16 : i32
      %eq3A = arith.constant 0 : i32
      %eq3A_92 = arith.cmpi eq, %jit3A_91, %eq3A : i32
      %jit3A_93 = arith.constant 1 : i32
      %select_n3A_94 = arith.select %eq3A_92, %jit3A_93, %jit3A_91 : i32
      %rem3A_95 = arith.remsi %add3A_60, %select_n3A_94 : i32
      %ne3A_96 = arith.constant 0 : i32
      %ne3A_97 = arith.cmpi ne, %rem3A_95, %ne3A_96 : i32
      %lt3A = arith.constant 0 : i32
      %lt3A_98 = arith.cmpi slt, %rem3A_95, %lt3A : i32
      %lt3A_99 = arith.constant 0 : i32
      %lt3A_100 = arith.cmpi slt, %select_n3A_94, %lt3A_99 : i32
      %ne3A_101 = arith.xori %lt3A_98, %lt3A_100 : i1
      %and3A_102 = arith.andi %ne3A_101, %ne3A_97 : i1
      %add3A_103 = arith.addi %rem3A_95, %select_n3A_94 : i32
      %select_n3A_104 = arith.select %and3A_102, %add3A_103, %rem3A_95 : i32
      %mul3A_105 = arith.constant 32 : i32
      %mul3A_106 = arith.muli %select_n3A_104, %mul3A_105 : i32
      %dma_start3A_107 = arith.constant 0 : i32
      %dma_start3A_108 = tpu.memref_slice %arg4[%add3A_90, %mul3A_106, %dma_start3A_107] : memref<128x512x512xf32, #tpu.memory_space<hbm>> -> memref<1x32x512xf32, #tpu.memory_space<hbm>>
      %dma_start3A_109 = tpu.memref_squeeze %dma_start3A_108 : memref<1x32x512xf32, #tpu.memory_space<hbm>> -> memref<32x512xf32, #tpu.memory_space<hbm>>
      %dma_start3A_110 = arith.constant 0 : i32
      %dma_start3A_111 = tpu.memref_slice %arg4[%add3A_90, %mul3A_106, %dma_start3A_110] : memref<128x512x512xf32, #tpu.memory_space<hbm>> -> memref<1x32x512xf32, #tpu.memory_space<hbm>>
      %dma_start3A_112 = tpu.memref_squeeze %dma_start3A_111 : memref<1x32x512xf32, #tpu.memory_space<hbm>> -> memref<32x512xf32, #tpu.memory_space<hbm>>
      tpu.enqueue_dma source(%arg10 : memref<32x512xf32, #tpu.memory_space<vmem>>) target(%dma_start3A_112 : memref<32x512xf32, #tpu.memory_space<hbm>>) target_semaphore(%arg14 : memref<!tpu.dma_semaphore, #tpu.memory_space<semaphore_mem>>)
      %add3A_113 = arith.constant 2 : i32
      %add3A_114 = arith.addi %add3A_60, %add3A_113 : i32
      %lt3A_115 = arith.constant 64 : i32
      %lt3A_116 = arith.cmpi slt, %add3A_114, %lt3A_115 : i32
      %convert_element_type3A_117 = arith.extui %lt3A_116 : i1 to i32
      %cond3A_118 = arith.constant 0 : i32
      %cond3A_119 = arith.cmpi ne, %convert_element_type3A_117, %cond3A_118 : i32
      scf.if %cond3A_119 {
        %add3A_198 = arith.constant 2 : i32
        %add3A_199 = arith.addi %add3A_60, %add3A_198 : i32
        %mul3A_200 = arith.constant 524288 : i32
        %mul3A_201 = arith.muli %add3A, %mul3A_200 : i32
        %mul3A_202 = arith.constant 8192 : i32
        %mul3A_203 = arith.muli %add3A_199, %mul3A_202 : i32
        %add3A_204 = arith.addi %mul3A_201, %mul3A_203 : i32
        %dma_start3A_205 = tpu.memref_slice %arg2[%add3A_204] : memref<16777216xi32, #tpu.memory_space<hbm>> -> memref<8192xi32, #tpu.memory_space<hbm>>
        %dma_start3A_206 = tpu.memref_slice %arg2[%add3A_204] : memref<16777216xi32, #tpu.memory_space<hbm>> -> memref<8192xi32, #tpu.memory_space<hbm>>
        tpu.enqueue_dma source(%dma_start3A_206 : memref<8192xi32, #tpu.memory_space<hbm>>) target(%arg8 : memref<8192xi32, #tpu.memory_space<vmem>>) target_semaphore(%arg12 : memref<!tpu.dma_semaphore, #tpu.memory_space<semaphore_mem>>)
      } else {
      }
      %mul3A_120 = arith.constant 2 : i32
      %mul3A_121 = arith.muli %mul3A_120, %scan3A_55 : i32
      %add3A_122 = arith.constant 1 : i32
      %add3A_123 = arith.addi %mul3A_121, %add3A_122 : i32
      %mul3A_124 = arith.constant 524288 : i32
      %mul3A_125 = arith.muli %add3A, %mul3A_124 : i32
      %mul3A_126 = arith.constant 8192 : i32
      %mul3A_127 = arith.muli %add3A_123, %mul3A_126 : i32
      %add3A_128 = arith.addi %mul3A_125, %mul3A_127 : i32
      %dma_wait3A_129 = tpu.memref_slice %arg2[%add3A_128] : memref<16777216xi32, #tpu.memory_space<hbm>> -> memref<8192xi32, #tpu.memory_space<hbm>>
      %dma_wait3A_130 = tpu.memref_slice %arg2[%add3A_128] : memref<16777216xi32, #tpu.memory_space<hbm>> -> memref<8192xi32, #tpu.memory_space<hbm>>
      tpu.wait_dma2 semaphore(%arg13 : memref<!tpu.dma_semaphore, #tpu.memory_space<semaphore_mem>>) src(%dma_wait3A_130 : memref<8192xi32, #tpu.memory_space<hbm>>) dst(%arg9 : memref<8192xi32, #tpu.memory_space<vmem>>)
      %ge3A_131 = arith.constant 2 : i32
      %ge3A_132 = arith.cmpi sge, %add3A_123, %ge3A_131 : i32
      %convert_element_type3A_133 = arith.extui %ge3A_132 : i1 to i32
      %cond3A_134 = arith.constant 0 : i32
      %cond3A_135 = arith.cmpi ne, %convert_element_type3A_133, %cond3A_134 : i32
      scf.if %cond3A_135 {
        %sub3A_198 = arith.constant 2 : i32
        %sub3A_199 = arith.subi %add3A_123, %sub3A_198 : i32
        %mul3A_200 = arith.constant 4 : i32
        %mul3A_201 = arith.muli %add3A, %mul3A_200 : i32
        %jit3A_202 = arith.constant 16 : i32
        %div3A_203 = arith.divsi %sub3A_199, %jit3A_202 : i32
        %sign3A_204 = arith.constant 0 : i32
        %sign3A_205 = arith.cmpi sgt, %sub3A_199, %sign3A_204 : i32
        %sign3A_206 = arith.extui %sign3A_205 : i1 to i32
        %sign3A_207 = arith.constant 0 : i32
        %sign3A_208 = arith.cmpi slt, %sub3A_199, %sign3A_207 : i32
        %sign3A_209 = arith.extui %sign3A_208 : i1 to i32
        %sign3A_210 = arith.subi %sign3A_206, %sign3A_209 : i32
        %sign3A_211 = arith.constant 0 : i32
        %sign3A_212 = arith.cmpi sgt, %jit3A_202, %sign3A_211 : i32
        %sign3A_213 = arith.extui %sign3A_212 : i1 to i32
        %sign3A_214 = arith.constant 0 : i32
        %sign3A_215 = arith.cmpi slt, %jit3A_202, %sign3A_214 : i32
        %sign3A_216 = arith.extui %sign3A_215 : i1 to i32
        %sign3A_217 = arith.subi %sign3A_213, %sign3A_216 : i32
        %ne3A_218 = arith.cmpi ne, %sign3A_210, %sign3A_217 : i32
        %rem3A_219 = arith.remsi %sub3A_199, %jit3A_202 : i32
        %ne3A_220 = arith.constant 0 : i32
        %ne3A_221 = arith.cmpi ne, %rem3A_219, %ne3A_220 : i32
        %and3A_222 = arith.andi %ne3A_218, %ne3A_221 : i1
        %sub3A_223 = arith.constant 1 : i32
        %sub3A_224 = arith.subi %div3A_203, %sub3A_223 : i32
        %select_n3A_225 = arith.select %and3A_222, %sub3A_224, %div3A_203 : i32
        %add3A_226 = arith.addi %mul3A_201, %select_n3A_225 : i32
        %jit3A_227 = arith.constant 16 : i32
        %eq3A_228 = arith.constant 0 : i32
        %eq3A_229 = arith.cmpi eq, %jit3A_227, %eq3A_228 : i32
        %jit3A_230 = arith.constant 1 : i32
        %select_n3A_231 = arith.select %eq3A_229, %jit3A_230, %jit3A_227 : i32
        %rem3A_232 = arith.remsi %sub3A_199, %select_n3A_231 : i32
        %ne3A_233 = arith.constant 0 : i32
        %ne3A_234 = arith.cmpi ne, %rem3A_232, %ne3A_233 : i32
        %lt3A_235 = arith.constant 0 : i32
        %lt3A_236 = arith.cmpi slt, %rem3A_232, %lt3A_235 : i32
        %lt3A_237 = arith.constant 0 : i32
        %lt3A_238 = arith.cmpi slt, %select_n3A_231, %lt3A_237 : i32
        %ne3A_239 = arith.xori %lt3A_236, %lt3A_238 : i1
        %and3A_240 = arith.andi %ne3A_239, %ne3A_234 : i1
        %add3A_241 = arith.addi %rem3A_232, %select_n3A_231 : i32
        %select_n3A_242 = arith.select %and3A_240, %add3A_241, %rem3A_232 : i32
        %mul3A_243 = arith.constant 32 : i32
        %mul3A_244 = arith.muli %select_n3A_242, %mul3A_243 : i32
        %dma_wait3A_245 = arith.constant 0 : i32
        %dma_wait3A_246 = tpu.memref_slice %arg4[%add3A_226, %mul3A_244, %dma_wait3A_245] : memref<128x512x512xf32, #tpu.memory_space<hbm>> -> memref<1x32x512xf32, #tpu.memory_space<hbm>>
        %dma_wait3A_247 = tpu.memref_squeeze %dma_wait3A_246 : memref<1x32x512xf32, #tpu.memory_space<hbm>> -> memref<32x512xf32, #tpu.memory_space<hbm>>
        %dma_wait3A_248 = arith.constant 0 : i32
        %dma_wait3A_249 = tpu.memref_slice %arg4[%add3A_226, %mul3A_244, %dma_wait3A_248] : memref<128x512x512xf32, #tpu.memory_space<hbm>> -> memref<1x32x512xf32, #tpu.memory_space<hbm>>
        %dma_wait3A_250 = tpu.memref_squeeze %dma_wait3A_249 : memref<1x32x512xf32, #tpu.memory_space<hbm>> -> memref<32x512xf32, #tpu.memory_space<hbm>>
        tpu.wait_dma2 semaphore(%arg15 : memref<!tpu.dma_semaphore, #tpu.memory_space<semaphore_mem>>) src(%arg11 : memref<32x512xf32, #tpu.memory_space<vmem>>) dst(%dma_wait3A_250 : memref<32x512xf32, #tpu.memory_space<hbm>>)
      } else {
      }
      %parallel_loop3A_136 = arith.constant 0 : i32
      %parallel_loop3A_137 = arith.constant 512 : i32
      %parallel_loop3A_138 = arith.constant 1 : i32
      scf.for %parallel_loop3A_198 = %parallel_loop3A_136 to %parallel_loop3A_137 step %parallel_loop3A_138  : i32 {
        %parallel_loop3A_199 = arith.constant 16 : i32
        %parallel_loop3A_200 = arith.muli %parallel_loop3A_198, %parallel_loop3A_199 : i32
        %parallel_loop3A_201 = tpu.assume_multiple %parallel_loop3A_200, 16 : i32
        %parallel_loop3A_202 = arith.index_cast %parallel_loop3A_201 : i32 to index
        %parallel_loop3A_203 = tpu.vector_load %arg9[%parallel_loop3A_202] {strides = array<i32>} : memref<8192xi32, #tpu.memory_space<vmem>>, vector<16xi32>,
        %parallel_loop3A_204 = vector.bitcast %parallel_loop3A_203 : vector<16xi32> to vector<32xi16>
        %parallel_loop3A_205 = tpu.unpack_subelements %parallel_loop3A_204, 0 {pack_format = #tpu.pack_format<interleaved>} : vector<32xi16> -> vector<16xi32>
        %parallel_loop3A_206 = tpu.unpack_subelements %parallel_loop3A_204, 1 {pack_format = #tpu.pack_format<interleaved>} : vector<32xi16> -> vector<16xi32>
        %parallel_loop3A_207 = arith.constant 2 : i32
        %parallel_loop3A_208 = arith.muli %parallel_loop3A_207, %parallel_loop3A_198 : i32
        %parallel_loop3A_209 = arith.constant 2 : i32
        %parallel_loop3A_210 = arith.muli %parallel_loop3A_209, %parallel_loop3A_198 : i32
        %parallel_loop3A_211 = arith.constant 1 : i32
        %parallel_loop3A_212 = arith.addi %parallel_loop3A_210, %parallel_loop3A_211 : i32
        %parallel_loop3A_213 = tpu.vector_load_idx %arg6[%parallel_loop3A_205] : memref<16384xf32, #tpu.memory_space<vmem>>[vector<16xi32>], vector<16xf32>,
        %parallel_loop3A_214 = arith.constant 32 : i32
        %parallel_loop3A_215 = arith.divsi %parallel_loop3A_208, %parallel_loop3A_214 : i32
        %parallel_loop3A_216 = arith.constant 0 : i32
        %parallel_loop3A_217 = arith.cmpi sgt, %parallel_loop3A_208, %parallel_loop3A_216 : i32
        %parallel_loop3A_218 = arith.extui %parallel_loop3A_217 : i1 to i32
        %parallel_loop3A_219 = arith.constant 0 : i32
        %parallel_loop3A_220 = arith.cmpi slt, %parallel_loop3A_208, %parallel_loop3A_219 : i32
        %parallel_loop3A_221 = arith.extui %parallel_loop3A_220 : i1 to i32
        %parallel_loop3A_222 = arith.subi %parallel_loop3A_218, %parallel_loop3A_221 : i32
        %parallel_loop3A_223 = arith.constant 0 : i32
        %parallel_loop3A_224 = arith.cmpi sgt, %parallel_loop3A_214, %parallel_loop3A_223 : i32
        %parallel_loop3A_225 = arith.extui %parallel_loop3A_224 : i1 to i32
        %parallel_loop3A_226 = arith.constant 0 : i32
        %parallel_loop3A_227 = arith.cmpi slt, %parallel_loop3A_214, %parallel_loop3A_226 : i32
        %parallel_loop3A_228 = arith.extui %parallel_loop3A_227 : i1 to i32
        %parallel_loop3A_229 = arith.subi %parallel_loop3A_225, %parallel_loop3A_228 : i32
        %parallel_loop3A_230 = arith.cmpi ne, %parallel_loop3A_222, %parallel_loop3A_229 : i32
        %parallel_loop3A_231 = arith.remsi %parallel_loop3A_208, %parallel_loop3A_214 : i32
        %parallel_loop3A_232 = arith.constant 0 : i32
        %parallel_loop3A_233 = arith.cmpi ne, %parallel_loop3A_231, %parallel_loop3A_232 : i32
        %parallel_loop3A_234 = arith.andi %parallel_loop3A_230, %parallel_loop3A_233 : i1
        %parallel_loop3A_235 = arith.constant 1 : i32
        %parallel_loop3A_236 = arith.subi %parallel_loop3A_215, %parallel_loop3A_235 : i32
        %parallel_loop3A_237 = arith.select %parallel_loop3A_234, %parallel_loop3A_236, %parallel_loop3A_215 : i32
        %parallel_loop3A_238 = arith.constant 32 : i32
        %parallel_loop3A_239 = arith.constant 0 : i32
        %parallel_loop3A_240 = arith.cmpi eq, %parallel_loop3A_238, %parallel_loop3A_239 : i32
        %parallel_loop3A_241 = arith.constant 1 : i32
        %parallel_loop3A_242 = arith.select %parallel_loop3A_240, %parallel_loop3A_241, %parallel_loop3A_238 : i32
        %parallel_loop3A_243 = arith.remsi %parallel_loop3A_208, %parallel_loop3A_242 : i32
        %parallel_loop3A_244 = arith.constant 0 : i32
        %parallel_loop3A_245 = arith.cmpi ne, %parallel_loop3A_243, %parallel_loop3A_244 : i32
        %parallel_loop3A_246 = arith.constant 0 : i32
        %parallel_loop3A_247 = arith.cmpi slt, %parallel_loop3A_243, %parallel_loop3A_246 : i32
        %parallel_loop3A_248 = arith.constant 0 : i32
        %parallel_loop3A_249 = arith.cmpi slt, %parallel_loop3A_242, %parallel_loop3A_248 : i32
        %parallel_loop3A_250 = arith.xori %parallel_loop3A_247, %parallel_loop3A_249 : i1
        %parallel_loop3A_251 = arith.andi %parallel_loop3A_250, %parallel_loop3A_245 : i1
        %parallel_loop3A_252 = arith.addi %parallel_loop3A_243, %parallel_loop3A_242 : i32
        %parallel_loop3A_253 = arith.select %parallel_loop3A_251, %parallel_loop3A_252, %parallel_loop3A_243 : i32
        %parallel_loop3A_254 = arith.constant 16 : i32
        %parallel_loop3A_255 = arith.muli %parallel_loop3A_253, %parallel_loop3A_254 : i32
        %parallel_loop3A_256 = arith.index_cast %parallel_loop3A_237 : i32 to index
        %parallel_loop3A_257 = arith.index_cast %parallel_loop3A_255 : i32 to index
        %parallel_loop3A_258 = tpu.vector_load %arg11[%parallel_loop3A_256, %parallel_loop3A_257] {strides = array<i32>} : memref<32x512xf32, #tpu.memory_space<vmem>>, vector<16xf32>,
        tpu.vector_store %arg11[%parallel_loop3A_256, %parallel_loop3A_257], %parallel_loop3A_213 {strides = array<i32>} : memref<32x512xf32, #tpu.memory_space<vmem>>, vector<16xf32>,
        %parallel_loop3A_259 = tpu.vector_load_idx %arg6[%parallel_loop3A_206] : memref<16384xf32, #tpu.memory_space<vmem>>[vector<16xi32>], vector<16xf32>,
        %parallel_loop3A_260 = arith.constant 32 : i32
        %parallel_loop3A_261 = arith.divsi %parallel_loop3A_212, %parallel_loop3A_260 : i32
        %parallel_loop3A_262 = arith.constant 0 : i32
        %parallel_loop3A_263 = arith.cmpi sgt, %parallel_loop3A_212, %parallel_loop3A_262 : i32
        %parallel_loop3A_264 = arith.extui %parallel_loop3A_263 : i1 to i32
        %parallel_loop3A_265 = arith.constant 0 : i32
        %parallel_loop3A_266 = arith.cmpi slt, %parallel_loop3A_212, %parallel_loop3A_265 : i32
        %parallel_loop3A_267 = arith.extui %parallel_loop3A_266 : i1 to i32
        %parallel_loop3A_268 = arith.subi %parallel_loop3A_264, %parallel_loop3A_267 : i32
        %parallel_loop3A_269 = arith.constant 0 : i32
        %parallel_loop3A_270 = arith.cmpi sgt, %parallel_loop3A_260, %parallel_loop3A_269 : i32
        %parallel_loop3A_271 = arith.extui %parallel_loop3A_270 : i1 to i32
        %parallel_loop3A_272 = arith.constant 0 : i32
        %parallel_loop3A_273 = arith.cmpi slt, %parallel_loop3A_260, %parallel_loop3A_272 : i32
        %parallel_loop3A_274 = arith.extui %parallel_loop3A_273 : i1 to i32
        %parallel_loop3A_275 = arith.subi %parallel_loop3A_271, %parallel_loop3A_274 : i32
        %parallel_loop3A_276 = arith.cmpi ne, %parallel_loop3A_268, %parallel_loop3A_275 : i32
        %parallel_loop3A_277 = arith.remsi %parallel_loop3A_212, %parallel_loop3A_260 : i32
        %parallel_loop3A_278 = arith.constant 0 : i32
        %parallel_loop3A_279 = arith.cmpi ne, %parallel_loop3A_277, %parallel_loop3A_278 : i32
        %parallel_loop3A_280 = arith.andi %parallel_loop3A_276, %parallel_loop3A_279 : i1
        %parallel_loop3A_281 = arith.constant 1 : i32
        %parallel_loop3A_282 = arith.subi %parallel_loop3A_261, %parallel_loop3A_281 : i32
        %parallel_loop3A_283 = arith.select %parallel_loop3A_280, %parallel_loop3A_282, %parallel_loop3A_261 : i32
        %parallel_loop3A_284 = arith.constant 32 : i32
        %parallel_loop3A_285 = arith.constant 0 : i32
        %parallel_loop3A_286 = arith.cmpi eq, %parallel_loop3A_284, %parallel_loop3A_285 : i32
        %parallel_loop3A_287 = arith.constant 1 : i32
        %parallel_loop3A_288 = arith.select %parallel_loop3A_286, %parallel_loop3A_287, %parallel_loop3A_284 : i32
        %parallel_loop3A_289 = arith.remsi %parallel_loop3A_212, %parallel_loop3A_288 : i32
        %parallel_loop3A_290 = arith.constant 0 : i32
        %parallel_loop3A_291 = arith.cmpi ne, %parallel_loop3A_289, %parallel_loop3A_290 : i32
        %parallel_loop3A_292 = arith.constant 0 : i32
        %parallel_loop3A_293 = arith.cmpi slt, %parallel_loop3A_289, %parallel_loop3A_292 : i32
        %parallel_loop3A_294 = arith.constant 0 : i32
        %parallel_loop3A_295 = arith.cmpi slt, %parallel_loop3A_288, %parallel_loop3A_294 : i32
        %parallel_loop3A_296 = arith.xori %parallel_loop3A_293, %parallel_loop3A_295 : i1
        %parallel_loop3A_297 = arith.andi %parallel_loop3A_296, %parallel_loop3A_291 : i1
        %parallel_loop3A_298 = arith.addi %parallel_loop3A_289, %parallel_loop3A_288 : i32
        %parallel_loop3A_299 = arith.select %parallel_loop3A_297, %parallel_loop3A_298, %parallel_loop3A_289 : i32
        %parallel_loop3A_300 = arith.constant 16 : i32
        %parallel_loop3A_301 = arith.muli %parallel_loop3A_299, %parallel_loop3A_300 : i32
        %parallel_loop3A_302 = arith.index_cast %parallel_loop3A_283 : i32 to index
        %parallel_loop3A_303 = arith.index_cast %parallel_loop3A_301 : i32 to index
        %parallel_loop3A_304 = tpu.vector_load %arg11[%parallel_loop3A_302, %parallel_loop3A_303] {strides = array<i32>} : memref<32x512xf32, #tpu.memory_space<vmem>>, vector<16xf32>,
        tpu.vector_store %arg11[%parallel_loop3A_302, %parallel_loop3A_303], %parallel_loop3A_259 {strides = array<i32>} : memref<32x512xf32, #tpu.memory_space<vmem>>, vector<16xf32>,
      } {sc.loop_unroll_factor = 8 : i64, sc.parallel_access}
      %mul3A_139 = arith.constant 4 : i32
      %mul3A_140 = arith.muli %add3A, %mul3A_139 : i32
      %jit3A_141 = arith.constant 16 : i32
      %div3A_142 = arith.divsi %add3A_123, %jit3A_141 : i32
      %sign3A_143 = arith.constant 0 : i32
      %sign3A_144 = arith.cmpi sgt, %add3A_123, %sign3A_143 : i32
      %sign3A_145 = arith.extui %sign3A_144 : i1 to i32
      %sign3A_146 = arith.constant 0 : i32
      %sign3A_147 = arith.cmpi slt, %add3A_123, %sign3A_146 : i32
      %sign3A_148 = arith.extui %sign3A_147 : i1 to i32
      %sign3A_149 = arith.subi %sign3A_145, %sign3A_148 : i32
      %sign3A_150 = arith.constant 0 : i32
      %sign3A_151 = arith.cmpi sgt, %jit3A_141, %sign3A_150 : i32
      %sign3A_152 = arith.extui %sign3A_151 : i1 to i32
      %sign3A_153 = arith.constant 0 : i32
      %sign3A_154 = arith.cmpi slt, %jit3A_141, %sign3A_153 : i32
      %sign3A_155 = arith.extui %sign3A_154 : i1 to i32
      %sign3A_156 = arith.subi %sign3A_152, %sign3A_155 : i32
      %ne3A_157 = arith.cmpi ne, %sign3A_149, %sign3A_156 : i32
      %rem3A_158 = arith.remsi %add3A_123, %jit3A_141 : i32
      %ne3A_159 = arith.constant 0 : i32
      %ne3A_160 = arith.cmpi ne, %rem3A_158, %ne3A_159 : i32
      %and3A_161 = arith.andi %ne3A_157, %ne3A_160 : i1
      %sub3A_162 = arith.constant 1 : i32
      %sub3A_163 = arith.subi %div3A_142, %sub3A_162 : i32
      %select_n3A_164 = arith.select %and3A_161, %sub3A_163, %div3A_142 : i32
      %add3A_165 = arith.addi %mul3A_140, %select_n3A_164 : i32
      %jit3A_166 = arith.constant 16 : i32
      %eq3A_167 = arith.constant 0 : i32
      %eq3A_168 = arith.cmpi eq, %jit3A_166, %eq3A_167 : i32
      %jit3A_169 = arith.constant 1 : i32
      %select_n3A_170 = arith.select %eq3A_168, %jit3A_169, %jit3A_166 : i32
      %rem3A_171 = arith.remsi %add3A_123, %select_n3A_170 : i32
      %ne3A_172 = arith.constant 0 : i32
      %ne3A_173 = arith.cmpi ne, %rem3A_171, %ne3A_172 : i32
      %lt3A_174 = arith.constant 0 : i32
      %lt3A_175 = arith.cmpi slt, %rem3A_171, %lt3A_174 : i32
      %lt3A_176 = arith.constant 0 : i32
      %lt3A_177 = arith.cmpi slt, %select_n3A_170, %lt3A_176 : i32
      %ne3A_178 = arith.xori %lt3A_175, %lt3A_177 : i1
      %and3A_179 = arith.andi %ne3A_178, %ne3A_173 : i1
      %add3A_180 = arith.addi %rem3A_171, %select_n3A_170 : i32
      %select_n3A_181 = arith.select %and3A_179, %add3A_180, %rem3A_171 : i32
      %mul3A_182 = arith.constant 32 : i32
      %mul3A_183 = arith.muli %select_n3A_181, %mul3A_182 : i32
      %dma_start3A_184 = arith.constant 0 : i32
      %dma_start3A_185 = tpu.memref_slice %arg4[%add3A_165, %mul3A_183, %dma_start3A_184] : memref<128x512x512xf32, #tpu.memory_space<hbm>> -> memref<1x32x512xf32, #tpu.memory_space<hbm>>
      %dma_start3A_186 = tpu.memref_squeeze %dma_start3A_185 : memref<1x32x512xf32, #tpu.memory_space<hbm>> -> memref<32x512xf32, #tpu.memory_space<hbm>>
      %dma_start3A_187 = arith.constant 0 : i32
      %dma_start3A_188 = tpu.memref_slice %arg4[%add3A_165, %mul3A_183, %dma_start3A_187] : memref<128x512x512xf32, #tpu.memory_space<hbm>> -> memref<1x32x512xf32, #tpu.memory_space<hbm>>
      %dma_start3A_189 = tpu.memref_squeeze %dma_start3A_188 : memref<1x32x512xf32, #tpu.memory_space<hbm>> -> memref<32x512xf32, #tpu.memory_space<hbm>>
      tpu.enqueue_dma source(%arg11 : memref<32x512xf32, #tpu.memory_space<vmem>>) target(%dma_start3A_189 : memref<32x512xf32, #tpu.memory_space<hbm>>) target_semaphore(%arg15 : memref<!tpu.dma_semaphore, #tpu.memory_space<semaphore_mem>>)
      %add3A_190 = arith.constant 2 : i32
      %add3A_191 = arith.addi %add3A_123, %add3A_190 : i32
      %lt3A_192 = arith.constant 64 : i32
      %lt3A_193 = arith.cmpi slt, %add3A_191, %lt3A_192 : i32
      %convert_element_type3A_194 = arith.extui %lt3A_193 : i1 to i32
      %cond3A_195 = arith.constant 0 : i32
      %cond3A_196 = arith.cmpi ne, %convert_element_type3A_194, %cond3A_195 : i32
      scf.if %cond3A_196 {
        %add3A_198 = arith.constant 2 : i32
        %add3A_199 = arith.addi %add3A_123, %add3A_198 : i32
        %mul3A_200 = arith.constant 524288 : i32
        %mul3A_201 = arith.muli %add3A, %mul3A_200 : i32
        %mul3A_202 = arith.constant 8192 : i32
        %mul3A_203 = arith.muli %add3A_199, %mul3A_202 : i32
        %add3A_204 = arith.addi %mul3A_201, %mul3A_203 : i32
        %dma_start3A_205 = tpu.memref_slice %arg2[%add3A_204] : memref<16777216xi32, #tpu.memory_space<hbm>> -> memref<8192xi32, #tpu.memory_space<hbm>>
        %dma_start3A_206 = tpu.memref_slice %arg2[%add3A_204] : memref<16777216xi32, #tpu.memory_space<hbm>> -> memref<8192xi32, #tpu.memory_space<hbm>>
        tpu.enqueue_dma source(%dma_start3A_206 : memref<8192xi32, #tpu.memory_space<hbm>>) target(%arg9 : memref<8192xi32, #tpu.memory_space<vmem>>) target_semaphore(%arg13 : memref<!tpu.dma_semaphore, #tpu.memory_space<semaphore_mem>>)
      } else {
      }
      %scan3A_197 = arith.constant 0 : i32
      scf.yield %scan3A_197 : i32
    }
    %scan3A_31 = arith.constant 32 : i32
    %mul3A_32 = arith.constant 4 : i32
    %mul3A_33 = arith.muli %add3A, %mul3A_32 : i32
    %add3A_34 = arith.constant 3 : i32
    %add3A_35 = arith.addi %mul3A_33, %add3A_34 : i32
    %dma_wait3A = arith.constant 448 : i32
    %dma_wait3A_36 = arith.constant 0 : i32
    %dma_wait3A_37 = tpu.memref_slice %arg4[%add3A_35, %dma_wait3A, %dma_wait3A_36] : memref<128x512x512xf32, #tpu.memory_space<hbm>> -> memref<1x32x512xf32, #tpu.memory_space<hbm>>
    %dma_wait3A_38 = tpu.memref_squeeze %dma_wait3A_37 : memref<1x32x512xf32, #tpu.memory_space<hbm>> -> memref<32x512xf32, #tpu.memory_space<hbm>>
    %dma_wait3A_39 = arith.constant 448 : i32
    %dma_wait3A_40 = arith.constant 0 : i32
    %dma_wait3A_41 = tpu.memref_slice %arg4[%add3A_35, %dma_wait3A_39, %dma_wait3A_40] : memref<128x512x512xf32, #tpu.memory_space<hbm>> -> memref<1x32x512xf32, #tpu.memory_space<hbm>>
    %dma_wait3A_42 = tpu.memref_squeeze %dma_wait3A_41 : memref<1x32x512xf32, #tpu.memory_space<hbm>> -> memref<32x512xf32, #tpu.memory_space<hbm>>
    tpu.wait_dma2 semaphore(%arg14 : memref<!tpu.dma_semaphore, #tpu.memory_space<semaphore_mem>>) src(%arg10 : memref<32x512xf32, #tpu.memory_space<vmem>>) dst(%dma_wait3A_42 : memref<32x512xf32, #tpu.memory_space<hbm>>)
    %mul3A_43 = arith.constant 4 : i32
    %mul3A_44 = arith.muli %add3A, %mul3A_43 : i32
    %add3A_45 = arith.constant 3 : i32
    %add3A_46 = arith.addi %mul3A_44, %add3A_45 : i32
    %dma_wait3A_47 = arith.constant 480 : i32
    %dma_wait3A_48 = arith.constant 0 : i32
    %dma_wait3A_49 = tpu.memref_slice %arg4[%add3A_46, %dma_wait3A_47, %dma_wait3A_48] : memref<128x512x512xf32, #tpu.memory_space<hbm>> -> memref<1x32x512xf32, #tpu.memory_space<hbm>>
    %dma_wait3A_50 = tpu.memref_squeeze %dma_wait3A_49 : memref<1x32x512xf32, #tpu.memory_space<hbm>> -> memref<32x512xf32, #tpu.memory_space<hbm>>
    %dma_wait3A_51 = arith.constant 480 : i32
    %dma_wait3A_52 = arith.constant 0 : i32
    %dma_wait3A_53 = tpu.memref_slice %arg4[%add3A_46, %dma_wait3A_51, %dma_wait3A_52] : memref<128x512x512xf32, #tpu.memory_space<hbm>> -> memref<1x32x512xf32, #tpu.memory_space<hbm>>
    %dma_wait3A_54 = tpu.memref_squeeze %dma_wait3A_53 : memref<1x32x512xf32, #tpu.memory_space<hbm>> -> memref<32x512xf32, #tpu.memory_space<hbm>>
    tpu.wait_dma2 semaphore(%arg15 : memref<!tpu.dma_semaphore, #tpu.memory_space<semaphore_mem>>) src(%arg11 : memref<32x512xf32, #tpu.memory_space<vmem>>) dst(%dma_wait3A_54 : memref<32x512xf32, #tpu.memory_space<hbm>>)
    return
  }
}

</mosaic_0001>

<sc_bundles>
// kernel: kernel.4.cloned.1.call-start
scs
__scs_entry_jumppad:
0x0: {  	(pc) =	sbr.rel $0x88, $3  }
0x1: {  	(tag) =	ssettag $0x0;
	lr =	simm.s32 $0x1  }
0x2: {  	[smem:$0x3FA0] =	sst lr;
	_ =	strace $0xD0000000  }
0x3: {  	_ = 	snop  }
0x4: {  	_ = 	snop  }
0x5: {  	_ = 	snop  }
0x6: {  	_ = 	snop  }
0x7: {  	_ = 	snop  }
__scs_overlays_trampoline_lowered:
0x8: {  	[smem:$0x3FAF] =	sst s0  }
0x9: {  	[smem:$0x3FB0] =	sst s1  }
0xa: {  	[smem:$0x3FB1] =	sst s2  }
0xb: {  	[smem:$0x3FB2] =	sst s3  }
0xc: {  	[smem:$0x3FB3] =	sst s4  }
0xd: {  	[smem:$0x3FB4] =	sst s5  }
0xe: {  	[smem:$0x3FB5] =	sst s6  }
0xf: {  	[smem:$0x3FB6] =	sst s7  }
0x10: {  	[smem:$0x3FB7] =	sst s8  }
0x11: {  	[smem:$0x3FB8] =	sst s9;
	s0 =	simm.s32 @!p0 $0x0  }
0x12: {  	s1 =	sld [smem:$0x3F9E];
	s0 =	simm.s32 @p0 $0x1  }
0x13: {  	[smem:$0x3FB9] =	sst s0;
	s0 =	simm.s32 @!p1 $0x0  }
0x14: {  	s2 =	sld [smem:$0x3F9D];
	s0 =	simm.s32 @p1 $0x1  }
0x15: {  	[smem:$0x3FBA] =	sst s0;
	s0 =	simm.s32 @!p2 $0x0  }
0x16: {  	s3 =	sld [smem:$0x3FDB];
	s0 =	simm.s32 @p2 $0x1  }
0x17: {  	s4 =	simm.s32 $0x1BF5;
	[smem:$0x3FBC] =	sst s0  }
0x18: {  	s0 =	sld [smem:$0x3F9F];
	_ =	swait.ge [sflag:s4], $0x0  }
0x19: {  	s7 =	sld [smem:$0x3FA0]  }
0x1a: {  	s8 =	sadd.s32 $0xFFFFE003, lr  }
0x1b: {  	s9 =	sadd.s32 $0xFFFFFEF7, lr;
	s5 =	simm.s32 $0xFFFFFFFF;
	p2 =	slt.u32 s8, $0xFFFFF086  }
0x1c: {  	p1 =	slt.u32 s9, $0xF7A;
	s5 =	simm.s32 @!p2 $0x0  }
0x1d: {  	s5 =	simm.s32 @p1 $0x1;
	p0 =	seq.s32 s7, s2  }
0x1e: {  	s7 =	smul.u32 @!p0 $0xF7A, s2;
	p2 =	seq.s32 @!p0 s5, $0x0  }
0x1f: {  	s9 =	smul.u32 $0xF7A, s1;
	s8 =	simm.s32 @!p0 $0x1BF5;
	p2 =	por !p2, p0  }
0x20: {  	[sflag:s8] =	ssyncset.s32 @!p0 $0xFFFFF086;
	s6 =	sadd.s32 @!p0 s3, s7;
	s7 =	simm.s32 @!p0 $0x108  }
0x21: {  	s3 =	sadd.s32 s3, s9;
	s6 =	sadd.s32 @!p0 $0x88, s6;
	s7 =	simm.s32 @p2 $0x1082  }
0x22: {  	[simem:s7], [sflag:s8] =	dma.local @!p0 [hbm:s6], $0xF7A  }
0x23: {  	s9 =	sor.u32 $0xD0000000, s2;
	s6 =	simm.s32 $0x108;
	_ =	swait.ge @!p0 [sflag:s8], $0x0  }
0x24: {  	s3 =	sadd.s32 $0x88, s3;
	s6 =	simm.s32 @!p1 $0x1082;
	[sflag:s4] =	ssyncset.s32 $0xFFFFF086  }
0x25: {  	[simem:s6], [sflag:s4] =	dma.local [hbm:s3], $0xF7A  }
0x26: {  	[smem:$0x3FA0] =	sst s1;
	(tag) =	ssettag s2;
	_ =	strace s9  }
0x27: {  	s1 =	sld [smem:$0x3FB0]  }
0x28: {  	s2 =	sld [smem:$0x3FB1]  }
0x29: {  	s4 =	sld [smem:$0x3FB3]  }
0x2a: {  	p0 =	seq.s32 s5, $0x0;
	s5 =	sld [smem:$0x3FB4]  }
0x2b: {  	s6 =	sld [smem:$0x3FB5]  }
0x2c: {  	s7 =	sld [smem:$0x3FB6]  }
0x2d: {  	s3 =	simm.s32 $0x108;
	s8 =	sld [smem:$0x3FB7]  }
0x2e: {  	s3 =	simm.s32 @!p0 $0x1082;
	s9 =	sld [smem:$0x3FB8]  }
0x2f: {  	lr =	sadd.s32 s0, s3;
	s0 =	sld [smem:$0x3FAF]  }
0x30: {  	s3 =	sld [smem:$0x3FB2]  }
0x31: {  	[smem:$0x3FBB] =	sst s10  }
0x32: {  	s10 =	sld [smem:$0x3FB9];
	_ =	sdelay $0x3  }
0x33: {  	p0 =	seq.s32 s10, $0x1;
	s10 =	sld [smem:$0x3FBB];
	_ =	sdelay $0x3  }
0x34: {  	[smem:$0x3FBB] =	sst s10  }
0x35: {  	s10 =	sld [smem:$0x3FBA];
	_ =	sdelay $0x3  }
0x36: {  	p1 =	seq.s32 s10, $0x1;
	s10 =	sld [smem:$0x3FBB];
	_ =	sdelay $0x3  }
0x37: {  	[smem:$0x3FBB] =	sst s10  }
0x38: {  	s10 =	sld [smem:$0x3FBC]  }
0x39: {  	_ = 	snop;
	(pc) =	sbr.ind lr, $3  }
0x3a: {  	_ = 	snop  }
0x3b: {  	_ = 	snop  }
0x3c: {  	p2 =	seq.s32 s10, $0x1;
	s10 =	sld [smem:$0x3FBB]  }
0x3d: {  	_ =	shalt  }
0x3e: {  	_ =	shalt  }
0x3f: {  	_ =	shalt  }
0x40: {  	_ =	shalt  }
0x41: {  	_ =	shalt  }
0x42: {  	_ =	shalt  }
0x43: {  	_ =	shalt  }
0x44: {  	_ =	shalt  }
0x45: {  	_ =	shalt  }
0x46: {  	_ =	shalt  }
0x47: {  	_ =	shalt  }
0x48: {  	_ =	shalt  }
0x49: {  	_ =	shalt  }
0x4a: {  	_ =	shalt  }
0x4b: {  	_ =	shalt  }
0x4c: {  	_ =	shalt  }
0x4d: {  	_ =	shalt  }
0x4e: {  	_ =	shalt  }
0x4f: {  	_ =	shalt  }
0x50: {  	_ =	shalt  }
0x51: {  	_ =	shalt  }
0x52: {  	_ =	shalt  }
0x53: {  	_ =	shalt  }
0x54: {  	_ =	shalt  }
0x55: {  	_ =	shalt  }
0x56: {  	_ =	shalt  }
0x57: {  	_ =	shalt  }
0x58: {  	_ =	shalt  }
0x59: {  	_ =	shalt  }
0x5a: {  	_ =	shalt  }
0x5b: {  	_ =	shalt  }
0x5c: {  	_ =	shalt  }
0x5d: {  	_ =	shalt  }
0x5e: {  	_ =	shalt  }
0x5f: {  	_ =	shalt  }
0x60: {  	_ =	shalt  }
0x61: {  	_ =	shalt  }
0x62: {  	_ =	shalt  }
0x63: {  	_ =	shalt  }
0x64: {  	_ =	shalt  }
0x65: {  	_ =	shalt  }
0x66: {  	_ =	shalt  }
0x67: {  	_ =	shalt  }
0x68: {  	_ =	shalt  }
0x69: {  	_ =	shalt  }
0x6a: {  	_ =	shalt  }
0x6b: {  	_ =	shalt  }
0x6c: {  	_ =	shalt  }
0x6d: {  	_ =	shalt  }
0x6e: {  	_ =	shalt  }
0x6f: {  	_ =	shalt  }
0x70: {  	_ =	shalt  }
0x71: {  	_ =	shalt  }
0x72: {  	_ =	shalt  }
0x73: {  	_ =	shalt  }
0x74: {  	_ =	shalt  }
0x75: {  	_ =	shalt  }
0x76: {  	_ =	shalt  }
0x77: {  	_ =	shalt  }
0x78: {  	_ =	shalt  }
0x79: {  	_ =	shalt  }
0x7a: {  	_ =	shalt  }
0x7b: {  	_ =	shalt  }
0x7c: {  	_ =	shalt  }
0x7d: {  	_ =	shalt  }
0x7e: {  	_ =	shalt  }
0x7f: {  	_ =	shalt  }
0x80: {  	_ =	shalt  }
0x81: {  	_ =	shalt  }
0x82: {  	_ =	shalt  }
0x83: {  	_ =	shalt  }
0x84: {  	_ =	shalt  }
0x85: {  	_ =	shalt  }
0x86: {  	_ =	shalt  }
0x87: {  	_ =	shalt  }
.Lfunc_end0:
.L_simem_size_0:
called_computation_lowered:
.L_overlay_start_0:
0x88: {  	s2 =	sld [smem:$0x3FD9]  }
0x89: {  	s3 =	sld [smem:$0x3FFE];
	_ =	sdelay $0x1  }
0x8a: {  	s1 =	srdreg.scid  }
0x8b: {  	s0 =	sand.u32 $0x1, s1  }
0x8c: {  	s17 =	sshll.u32 s0, $0xA;
	s2 =	sadd.s32 s3, s2  }
0x8d: {  	s2 =	sadd.s32 s2, s17  }
0x8e: {  	[smem:$0x3FC7] =	sst s2  }
0x8f: {  	_ = 	snop  }
0x90: {  	s2 =	sld [smem:$0x3FC9];
	(tm) =	ssettm $0x1  }
0x91: {  	s18 =	sld [smem:$0x3FFB];
	_ =	sdelay $0x3  }
0x92: {  	_ =	strace s18  }
0x93: {  	s3 =	sld [smem:$0x3FFC];
	_ =	sdelay $0x3  }
0x94: {  	_ =	strace s3  }
0x95: {  	s3 =	sld [smem:$0x3FFD];
	_ =	sdelay $0x3  }
0x96: {  	_ =	strace s3  }
0x97: {  	_ =	strace $0x8FFFFFFF  }
0x98: {  	s19 =	sld [smem:$0x3FDB];
	_ =	sdelay $0x1  }
0x99: {  	s4 =	simm.s32 $_scs_section_size  }
0x9a: {  	s5 =	simm.s32 $_size__tile_overlayer_lowered;
	s6 =	simm.s32 $_tile_overlayer_lowered  }
0x9b: {  	s22 =	simm.s32 $0x1BFF;
	s21 =	sshll.u32 s6, $0x1;
	s3 =	sadd.s32 s4, s19  }
0x9c: {  	s7 =	simm.s32 $0x0;
	s20 =	sshll.u32 s5, $0x1;
	s5 =	sadd.s32 s21, s3  }
0x9d: {  	[timem:s7], [sflag:s22] =	dma.local [hbm:s5], s20  }
0x9e: {  	_ =	swait.ge [sflag:s22], s20  }
0x9f: {  	s4 =	ssub.s32 $0x0, s20;
	[sflag:s22] =	ssyncset.done $0x0  }
0xa0: {  	[sflag:s22] =	ssyncadd.s32 s4;
	_ =	sdelay $0x1  }
0xa1: {  	s23 =	simm.s32 $0x1B8B  }
0xa2: {  	_ =	swait.ge [sflag:s23], $0x1  }
0xa3: {  	[sflag:s23] =	ssyncset.done $0x0  }
0xa4: {  	s25 =	simm.s32 $0x1B8E;
	s24 =	sld [smem:$0x3FFE];
	[sflag:s23] =	ssyncadd.s32 $0xFFFFFFFF  }
0xa5: {  	s26 =	simm.s32 $execute0_lowered;
	[smem:$0x3FD2] =	sst s25  }
0xa6: {  	s5 =	sshll.u32 s26, $0x1;
	_ =	strace $0x80000046;
	[dreg:$0x1] =	wrdreg $0xFFFFFFFF  }
0xa7: {  	s28 =	simm.s32 $_size_execute0_lowered;
	s3 =	sadd.s32 s3, s5;
	[dreg:$0x0] =	wrdreg $0x0  }
0xa8: {  	s5 =	sshll.u32 s28, $0x1;
	[dreg:$0x2] =	wrdreg s3  }
0xa9: {  	[dreg:$0x3] =	wrdreg s5  }
0xaa: {  	[dreg:$0x4] =	wrdreg $0xC0  }
0xab: {  	_ =	task [dreg:s7], $0x5FFFF  }
0xac: {  	[dreg:$0x1] =	wrdreg $0xFFFFFFFF  }
0xad: {  	[dreg:$0x0] =	wrdreg $0x60  }
0xae: {  	[dreg:$0x2] =	wrdreg s2  }
0xaf: {  	[dreg:$0x3] =	wrdreg s24  }
0xb0: {  	[dreg:$0x4] =	wrdreg $0x9  }
0xb1: {  	_ =	task.clear_ibuf [dreg:s7], $0x5FFFF;
	_ =	strace $0x90000046  }
0xb2: {  	s29 =	simm.s32 $0x9;
	_ =	strace $0x80000048  }
0xb3: {  	_ =	swait.ge [sflag:s29], $0x1  }
0xb4: {  	[sflag:s29] =	ssyncadd.s32 $0xFFFFFFFF  }
0xb5: {  	_ =	strace $0x90000048  }
0xb6: {  	_ =	sfence  }
0xb7: {  	s30 =	sld [smem:$0x0];
	_ =	sdelay $0x2  }
0xb8: {  	s31 =	sshll.u32 s1, $0xD;
	s1 =	sshrl.u32 s1, $0x2  }
0xb9: {  	s3 =	sand.u32 $0x4000, s31;
	s1 =	sadd.s32 s1, s30  }
0xba: {  	s0 =	sor.u32 s3, s0;
	s1 =	sshll.u32 s1, $0x11  }
0xbb: {  	s0 =	sor.u32 s1, s0  }
0xbc: {  	s0 =	sadd.s32 $0x8F2B, s0  }
0xbd: {  	[sflag:s0] =	ssyncadd.remote.s32 $0x1  }
0xbe: {  	_ =	sfence.sel $0xFFFF  }
0xbf: {  	[dreg:$0x0] =	wrdreg $0xFFFFFFFF;
	(pc) =	sbr.abs _section_cstart, $3  }
0xc0: {  	[dreg:$0x1] =	wrdreg $0xFFFFFFFF  }
0xc1: {  	_ =	task.clear_ibuf [dreg:s7], $0x2FFFF;
	_ =	strace $0x9FFFFFFF  }
0xc2: {  	(tm) =	ssettm $0x7FFFFFFF  }
0xc3: {  	_ =	shalt  }
tec
execute0_lowered:
.L_overlay_start_1:
0x0: {  	(tag) =	ssettag $0x1  }
0x1: {  	v0 =	vimm.f32 $1.500000000e+01;
	vm0 =	vcmask $0x300;
	v2 =	vimm.s32 $0x1  }
0x2: {  	vm1 =	vmmov $0x3;
	v0 =	vsel vm0, $0x0, v0;
	vm0 =	vcmask $0x704  }
0x3: {  	vm2 =	vmmov $0x7;
	v0 =	vsel vm0, $0x3F800000, v0;
	vm0 =	vcmask $0xB08  }
0x4: {  	s1 =	rddreg [dreg:$0x0];
	vm3 =	vmmov $0xf;
	v0 =	vsel vm0, $0x40000000, v0;
	vm0 =	vcmask $0xF0C  }
0x5: {  	s0 =	srdreg.scid;
	s3 =	stileid.u32;
	vm4 =	vmmov $0x1f;
	v0 =	vsel vm0, $0x40400000, v0;
	vm0 =	vcmask $0x1310  }
0x6: {  	s2 =	rddreg [dreg:$0x1];
	s12 =	simm.s32 $0x8000;
	s13 =	simm.s32 $0x1;
	vm5 =	vmmov $0x3f;
	v0 =	vsel vm0, $0x40800000, v0;
	vm0 =	vcmask $0x1714  }
0x7: {  	s14 =	simm.s32 $0x18000;
	s15 =	simm.s32 $0x10000;
	s16 =	simm.s32 $0x2;
	vm6 =	vmmov $0x7f;
	v0 =	vsel vm0, $0x40A00000, v0;
	vm0 =	vcmask $0x1B18  }
0x8: {  	vm7 =	vmmov $0xff;
	s17 =	simm.s32 $0x4;
	s18 =	simm.s32 $0x14000;
	s19 =	simm.s32 $0x3;
	v0 =	vsel vm0, $0x40C00000, v0;
	vm0 =	vcmask $0x1F1C  }
0x9: {  	vm8 =	vmmov $0x1ff;
	s21 =	simm.s32 $0x5;
	s0 =	sand.u32 $0x1, s0;
	s4 =	sshll.u32 s3, $0x1;
	v0 =	vsel vm0, $0x40E00000, v0;
	vm0 =	vcmask $0x2320  }
0xa: {  	vm9 =	vmmov $0x3ff;
	s22 =	simm.s32 $0x0;
	s3 =	simm.s32 $0x0;
	s7 =	sor.u32 s0, s4;
	v0 =	vsel vm0, $0x41000000, v0;
	vm0 =	vcmask $0x2724  }
0xb: {  	vm10 =	vmmov $0x7ff;
	[smem:$0x7FF] =	sst s3;
	s0 =	ssub.s32 $0x2, s0;
	s4 =	sshll.u32 s7, $0x7;
	v0 =	vsel vm0, $0x41100000, v0;
	vm0 =	vcmask $0x2B28  }
0xc: {  	vm11 =	vmmov $0xfff;
	_ =	strace $0x80000047;
	s5 =	sshrl.u32 s0, $0x1;
	s30 =	sshll.u32 s7, $0x11;
	v0 =	vsel vm0, $0x41200000, v0;
	vm0 =	vcmask $0x2F2C  }
0xd: {  	vm12 =	vmmov $0x1fff;
	s10 =	sadd.s32 s4, s2;
	s4 =	sadd.s32 $0x1C00, s2;
	s6 =	sadd.s32 s1, s30;
	v0 =	vsel vm0, $0x41300000, v0;
	vm0 =	vcmask $0x3330  }
0xe: {  	vm13 =	vmmov $0x3fff;
	s0 =	ssub.s32 s0, s5;
	s5 =	sshll.u32 s7, $0x2;
	s2 =	sadd.s32 $0x1000, s6;
	v0 =	vsel vm0, $0x41400000, v0;
	vm0 =	vcmask $0x3734  }
0xf: {  	vm14 =	vmmov $0x7fff;
	s7 =	sshll.u32 s7, $0x13;
	s31 =	sadd.s32 $0xC00, s10;
	[dreg:$0x3] =	wrdreg s2;
	v1 =	vsel vm0, $0x41500000, v0;
	vm0 =	vcmask $0x3B38  }
0x10: {  	s9 =	sor.u32 $0x4000, s7;
	s11 =	smax.u32 s0, $0x1;
	[dreg:$0x4] =	wrdreg s31;
	v0 =	vimm.s32 $0x0;
	v1 =	vsel vm0, $0x41600000, v1;
	vm0 =	vmmov $0x1  }
.LBB2_1:
0x11: {  	s0 =	simm.s32 $0x40;
	s2 =	simm.s32 $0x0  }
.LBB2_2:
0x12: {  	p0 =	sne.s32 s0, $0xFFC0;
	[tilespmem:s2+$0x18000] =	vst v0;
	s2 =	smov.u32 s0;
	s0 =	sadd.s32 $0x40, s0  }
.Ltmp0:
0x13: {  	(pc) =	sbr.rel @p0 .LBB2_2-.Ltmp0, $2  }
0x14: {  	_ =	sdelay $0x2  }
0x15: {  	s2 =	sshra.s32 s2, $0x2  }
0x16: {  	[tilespmem:s2+$0x18000] =	vst v0;
	s23 =	simm.s32 $0x0  }
0x17: {  	[tilespmem:s23], [sflag:$0x1] =	stream.linear.gather [hbm4b:s6+s23], $0x8000, $0x38;
	[tilespmem:$0x1C400] =	vst v63  }
0x18: {  	s0 =	rddreg [dreg:$0x3];
	s24 =	simm.s32 $0x0  }
0x19: {  	[tilespmem:s12], [sflag:$0x2] =	stream.linear.gather [hbm4b:s0+s23], $0x8000, $0x38;
	[tilespmem:$0x1C400] =	vst v63  }
.LBB2_4:
0x1a: {  	_ =	swait.ge [sflag:s13], $0x8000  }
0x1b: {  	p0 =	seq.s32 s24, $0x0;
	s2 =	simm.s32 $0x0;
	[sflag:s13] =	ssyncset.done $0x0  }
0x1c: {  	s25 =	simm.s32 $0x0;
	s0 =	simm.s32 @!p0 $0x3;
	[sflag:s13] =	ssyncadd.s32 $0xFFFF8000  }
0x1d: {  	s26 =	sand.u32 $0x800, s23;
	s2 =	sand.u32 $0x7000, s2;
	_ =	swait.ge @!p0 [sflag:s0], $0x4000  }
0x1e: {  	s25 =	sand.u32 $0x380, s25;
	s2 =	sor.u32 s26, s2;
	[sflag:s0] =	ssyncset.done @!p0 $0x0  }
0x1f: {  	[sflag:s0] =	ssyncadd.s32 @!p0 $0xFFFFC000;
	s0 =	sor.u32 s25, s2  }
0x20: {  	v3 =	vld [tilespmem:s0+$0x0]  }
0x21: {  	v4 =	vld [tilespmem:s0+$0x20]  }
0x22: {  	v5 =	vld [tilespmem:s0+$0x50]  }
0x23: {  	v6 =	vld [tilespmem:s0+$0x420]  }
0x24: {  	v7 =	vld [tilespmem:s0+$0x450]  }
0x25: {  	s28 =	simm.s32 $0x800;
	s8 =	simm.s32 $0x100;
	v8 =	vld [tilespmem:s0+$0x460]  }
0x26: {  	s10 =	simm.s32 $0x40;
	s20 =	sand.u32 $0x800, s28;
	s2 =	sand.u32 $0x7000, s8;
	v9 =	vld [tilespmem:s0+$0x40]  }
0x27: {  	s25 =	sand.u32 $0x380, s10;
	v10 =	vld [tilespmem:s0+$0x440];
	s2 =	sor.u32 s20, s2  }
0x28: {  	v11 =	vld [tilespmem:s0+$0x470];
	s26 =	sor.u32 s25, s2  }
0x29: {  	v20 =	vld [tilespmem:s26+$0x470]  }
0x2a: {  	v25 =	vld [tilespmem:s26+$0x50]  }
0x2b: {  	v26 =	vld [tilespmem:s26+$0x0]  }
0x2c: {  	v29 =	vld [tilespmem:s26+$0x40];
	v3 =	vmul.f32 $1.600000000e+01, v3;
	v4 =	vmul.f32 $1.600000000e+01, v4  }
0x2d: {  	v23 =	vld [tilespmem:s26+$0x410];
	v6 =	vmul.f32 $1.600000000e+01, v6;
	v7 =	vmul.f32 $1.600000000e+01, v7  }
0x2e: {  	v21 =	vld [tilespmem:s26+$0x10];
	v8 =	vmul.f32 $1.600000000e+01, v8;
	v5 =	vmul.f32 $1.600000000e+01, v5  }
0x2f: {  	v9 =	vmul.f32 $1.600000000e+01, v9;
	v10 =	vmul.f32 $1.600000000e+01, v10  }
0x30: {  	v11 =	vmul.f32 $1.600000000e+01, v11;
	v3 =	vadd.f32 v1, v3;
	v26 =	vmul.f32 $1.600000000e+01, v26  }
0x31: {  	v4 =	vadd.f32 v1, v4;
	v25 =	vmul.f32 $1.600000000e+01, v25;
	v62 =	vmul.f32 $1.600000000e+01, v29  }
0x32: {  	v12 =	vld [tilespmem:s0+$0x410];
	v7 =	vadd.f32 v1, v7;
	v20 =	vmul.f32 $1.600000000e+01, v20;
	v23 =	vmul.f32 $1.600000000e+01, v23  }
0x33: {  	v9 =	vadd.f32 v1, v9;
	v21 =	vmul.f32 $1.600000000e+01, v21;
	v3 =	vtrunc.f32 v3  }
0x34: {  	v13 =	vld [tilespmem:s0+$0x10];
	v6 =	vadd.f32 v1, v6;
	v4 =	vtrunc.f32 v4;
	v7 =	vtrunc.f32 v7  }
0x35: {  	v18 =	vld [tilespmem:s0+$0x430];
	v9 =	vtrunc.f32 v9;
	v14 =	vcvt.f32.s32 v3  }
0x36: {  	v3 =	vtrunc.f32 v6;
	v6 =	vadd.f32 v1, v8;
	v19 =	vcvt.f32.s32 v4  }
0x37: {  	v15 =	vld [tilespmem:s0+$0x70];
	v10 =	vadd.f32 v1, v10;
	v17 =	vcvt.f32.s32 v3;
	v3 =	vmul.f32 $1.600000000e+01, v12  }
0x38: {  	v9 =	vcvt.f32.s32 v9;
	v12 =	vld [tilespmem:s0+$0x60];
	v6 =	vtrunc.f32 v6  }
0x39: {  	v16 =	vld [tilespmem:s0+$0x30];
	v6 =	vcvt.f32.s32 v6;
	v4 =	vadd.f32 v1, v3;
	v3 =	vtrunc.f32 v10  }
0x3a: {  	v8 =	vld [tilespmem:s0+$0x400];
	v10 =	vadd.f32 v1, v11;
	v11 =	vmul.f32 $1.600000000e+01, v13;
	v13 =	vmul.f32 $1.600000000e+01, v18  }
0x3b: {  	v28 =	vld [tilespmem:s26+$0x420];
	v5 =	vadd.f32 v1, v5;
	v3 =	vcvt.f32.s32 v3;
	v4 =	vtrunc.f32 v4  }
0x3c: {  	v61 =	vld [tilespmem:s26+$0x440];
	v10 =	vtrunc.f32 v10;
	v22 =	vcvt.f32.s32 v4  }
0x3d: {  	[tilespmem:v14+s14+$0x0] =	vst.idx.add.s32.msk $0xffff, v2;
	v4 =	vtrunc.f32 v5;
	v5 =	vadd.f32 v1, v11;
	v11 =	vmul.f32 $1.600000000e+01, v12  }
0x3e: {  	v20 =	vadd.f32 v1, v20;
	v10 =	vcvt.f32.s32 v10;
	[tilespmem:v19+s14+$0x0] =	vst.idx.add.s32.msk $0xffff, v2;
	v12 =	vmul.f32 $1.600000000e+01, v16  }
0x3f: {  	v23 =	vadd.f32 v1, v23;
	[tilespmem:v9+s14+$0x0] =	vst.idx.add.s32.msk $0xffff, v2;
	v24 =	vcvt.f32.s32 v4;
	v4 =	vmul.f32 $1.600000000e+01, v8  }
0x40: {  	[tilespmem:v17+s14+$0x0] =	vst.idx.add.s32.msk $0xffff, v2;
	v5 =	vtrunc.f32 v5;
	v8 =	vadd.f32 v1, v11;
	v12 =	vadd.f32 v1, v12  }
0x41: {  	v11 =	vmul.f32 $1.600000000e+01, v15;
	v15 =	vld [tilespmem:s26+$0x20];
	v4 =	vadd.f32 v1, v4;
	v5 =	vcvt.f32.s32 v5  }
0x42: {  	v13 =	vadd.f32 v1, v13;
	[tilespmem:v6+s14+$0x0] =	vst.idx.add.s32.msk $0xffff, v2;
	v8 =	vtrunc.f32 v8;
	v12 =	vtrunc.f32 v12  }
0x43: {  	v18 =	vcvt.f32.s32 v8;
	v8 =	vadd.f32 v1, v11;
	v11 =	vld [tilespmem:s26+$0x450];
	v16 =	vtrunc.f32 v4  }
0x44: {  	[tilespmem:v3+s14+$0x0] =	vst.idx.add.s32.msk $0xffff, v2;
	v4 =	vpack.i.b32.b16 v10, v6;
	v31 =	vcvt.f32.s32 v12;
	v27 =	vcvt.f32.s32 v16  }
0x45: {  	[tilespmem:v10+s14+$0x0] =	vst.idx.add.s32.msk $0xffff, v2;
	v6 =	vtrunc.f32 v8;
	v8 =	vpack.i.b32.b16 v5, v14;
	v14 =	vtrunc.f32 v13  }
0x46: {  	v13 =	vpack.i.b32.b16 v24, v9;
	v15 =	vmul.f32 $1.600000000e+01, v15;
	v12 =	vcvt.f32.s32 v6;
	v6 =	vld [tilespmem:s26+$0x460]  }
0x47: {  	v16 =	vpack.i.b32.b16 v31, v19;
	[tilespmem:v24+s14+$0x0] =	vst.idx.add.s32.msk $0xffff, v2;
	v19 =	vcvt.f32.s32 v14;
	v14 =	vcvt.f32.s32 v7  }
0x48: {  	v7 =	vadd.f32 v1, v26;
	[tilespmem:v5+s14+$0x0] =	vst.idx.add.s32.msk $0xffff, v2;
	v15 =	vadd.f32 v1, v15;
	v11 =	vmul.f32 $1.600000000e+01, v11  }
0x49: {  	v30 =	vpack.i.b32.b16 v22, v27;
	v9 =	vpack.i.b32.b16 v12, v18;
	[tilespmem:v18+s14+$0x0] =	vst.idx.add.s32.msk $0xffff, v2;
	v18 =	vmul.f32 $1.600000000e+01, v28  }
0x4a: {  	v7 =	vtrunc.f32 v7;
	v10 =	vtrunc.f32 v15;
	[tilespmem:v31+s14+$0x0] =	vst.idx.add.s32.msk $0xffff, v2;
	v11 =	vadd.f32 v1, v11  }
0x4b: {  	[tilespmem:v27+s14+$0x0] =	vst.idx.add.s32.msk $0xffff, v2;
	v10 =	vcvt.f32.s32 v10;
	v6 =	vmul.f32 $1.600000000e+01, v6;
	v18 =	vadd.f32 v1, v18  }
0x4c: {  	v63 =	vpack.i.b32.b16 v19, v17;
	[tilespmem:v22+s14+$0x0] =	vst.idx.add.s32.msk $0xffff, v2;
	v5 =	vtrunc.f32 v11;
	v11 =	vcvt.f32.s32 v7  }
0x4d: {  	s30 =	simm.s32 $0x10040;
	[tilespmem:v19+s14+$0x0] =	vst.idx.add.s32.msk $0xffff, v2;
	v18 =	vtrunc.f32 v18;
	v22 =	vadd.f32 v1, v6;
	v6 =	vtrunc.f32 v23  }
0x4e: {  	s31 =	simm.s32 $0x8;
	v17 =	vld [tilespmem:s26+$0x70];
	v15 =	vadd.f32 v1, v62;
	[tilespmem:s30+$0x0] =	vst v30;
	v23 =	vmul.f32 $1.600000000e+01, v61;
	v7 =	vcvt.f32.s32 v18  }
0x4f: {  	s29 =	simm.s32 $0x100C0;
	s25 =	sshll.u32 s24, $0x1;
	s2 =	simm.s32 $0x100C0;
	v19 =	vld [tilespmem:s26+$0x400];
	[tilespmem:s30+$0x10] =	vst v63;
	v18 =	vtrunc.f32 v20;
	v20 =	vadd.f32 v1, v25;
	v6 =	vcvt.f32.s32 v6  }
.LBB2_5:
0x50: {  	s31 =	sadd.s32 $0x8, s31;
	v24 =	vld [tilespmem:s26+$0x30];
	v23 =	vadd.f32 v1, v23;
	v22 =	vtrunc.f32 v22;
	v18 =	vcvt.f32.s32 v18;
	s28 =	sadd.s32 $0x800, s28;
	s2 =	sadd.s32 $0x80, s2;
	[tilespmem:s30+$0xFFFFFFD0] =	vst v16  }
0x51: {  	v16 =	vtrunc.f32 v20;
	s0 =	sshll.u32 s31, $0x5;
	s20 =	sshll.u32 s31, $0x3;
	p1 =	slt.u32 s31, $0x3F8;
	v20 =	vld [tilespmem:s26+$0x60];
	v22 =	vcvt.f32.s32 v22;
	[tilespmem:s30+$0xFFFFFFE0] =	vst v13  }
0x52: {  	s8 =	sand.u32 $0x800, s28;
	s0 =	sand.u32 $0x7000, s0;
	v13 =	vtrunc.f32 v23;
	[tilespmem:v12+s14+$0x0] =	vst.idx.add.s32.msk $0xffff, v2  }
0x53: {  	s20 =	sand.u32 $0x380, s20;
	v12 =	vadd.f32 v1, v21;
	v21 =	vcvt.f32.s32 v16;
	s0 =	sor.u32 s8, s0;
	v16 =	vld [tilespmem:s26+$0x430];
	v13 =	vcvt.f32.s32 v13;
	[tilespmem:s30+$0xFFFFFFC0] =	vst v8  }
0x54: {  	v8 =	vmul.f32 $1.600000000e+01, v19;
	v19 =	vpack.i.b32.b16 v18, v22;
	s26 =	sor.u32 s20, s0;
	[tilespmem:v11+s14+$0x0] =	vst.idx.add.s32.msk $0xffff, v2  }
0x55: {  	v17 =	vmul.f32 $1.600000000e+01, v17;
	v12 =	vtrunc.f32 v12;
	[tilespmem:v14+s14+$0x0] =	vst.idx.add.s32.msk $0xffff, v2;
	v14 =	vpack.i.b32.b16 v14, v3;
	v3 =	vmovc v13  }
0x56: {  	v13 =	vmul.f32 $1.600000000e+01, v24;
	v8 =	vadd.f32 v1, v8;
	v25 =	vld [tilespmem:s26+$0x10];
	[tilespmem:s30+$0x20] =	vst v14  }
0x57: {  	v24 =	vcvt.f32.s32 v12;
	v12 =	vadd.f32 v1, v17;
	v23 =	vld [tilespmem:s26+$0x470];
	[tilespmem:s30+$0x30] =	vst v4;
	v4 =	vmov v19  }
0x58: {  	v14 =	vmul.f32 $1.600000000e+01, v20;
	v13 =	vadd.f32 v1, v13;
	v17 =	vtrunc.f32 v8;
	[tilespmem:v7+s14+$0x0] =	vst.idx.add.s32.msk $0xffff, v2  }
0x59: {  	v8 =	vpack.i.b32.b16 v24, v11;
	v11 =	vtrunc.f32 v12;
	v17 =	vcvt.f32.s32 v17;
	v19 =	vld [tilespmem:s26+$0x410];
	[tilespmem:s30+$0xFFFFFFF0] =	vst v9;
	s30 =	smov.u32 s29;
	s29 =	smov.u32 s2  }
0x5a: {  	v12 =	vadd.f32 v1, v14;
	v9 =	vtrunc.f32 v13;
	v13 =	vmul.f32 $1.600000000e+01, v16;
	[tilespmem:v22+s14+$0x0] =	vst.idx.add.s32.msk $0xffff, v2  }
0x5b: {  	v26 =	vpack.i.b32.b16 v6, v17;
	[tilespmem:v10+s14+$0x0] =	vst.idx.add.s32.msk $0xffff, v2  }
0x5c: {  	v14 =	vtrunc.f32 v15;
	v12 =	vtrunc.f32 v12;
	v13 =	vadd.f32 v1, v13;
	[tilespmem:v3+s14+$0x0] =	vst.idx.add.s32.msk $0xffff, v2  }
0x5d: {  	v14 =	vcvt.f32.s32 v14;
	v20 =	vcvt.f32.s32 v12;
	v15 =	vld [tilespmem:s26+$0x20]  }
0x5e: {  	v27 =	vtrunc.f32 v13;
	v22 =	vld [tilespmem:s26+$0x50]  }
0x5f: {  	v29 =	vcvt.f32.s32 v9;
	v13 =	vpack.i.b32.b16 v21, v14;
	v28 =	vld [tilespmem:s26+$0x450]  }
0x60: {  	v30 =	vld [tilespmem:s26+$0x0]  }
0x61: {  	v12 =	vcvt.f32.s32 v11;
	v16 =	vpack.i.b32.b16 v29, v10;
	v31 =	vld [tilespmem:s26+$0x420]  }
0x62: {  	v10 =	vld [tilespmem:s26+$0x40]  }
0x63: {  	v9 =	vpack.i.b32.b16 v12, v20;
	v11 =	vmul.f32 $1.600000000e+01, v15;
	v15 =	vld [tilespmem:s26+$0x460]  }
0x64: {  	v28 =	vmul.f32 $1.600000000e+01, v28;
	[tilespmem:v20+s14+$0x0] =	vst.idx.add.s32.msk $0xffff, v2;
	v20 =	vcvt.f32.s32 v27  }
0x65: {  	v27 =	vmul.f32 $1.600000000e+01, v30;
	v30 =	vmul.f32 $1.600000000e+01, v22;
	[tilespmem:v14+s14+$0x0] =	vst.idx.add.s32.msk $0xffff, v2  }
0x66: {  	v14 =	vcvt.f32.s32 v5;
	v22 =	vmul.f32 $1.600000000e+01, v31;
	v31 =	vld [tilespmem:s26+$0x440];
	v28 =	vadd.f32 v1, v28  }
0x67: {  	v5 =	vadd.f32 v1, v27;
	v27 =	vadd.f32 v1, v11;
	v10 =	vmul.f32 $1.600000000e+01, v10;
	[tilespmem:v24+s14+$0x0] =	vst.idx.add.s32.msk $0xffff, v2  }
0x68: {  	v11 =	vadd.f32 v1, v22;
	v22 =	vmul.f32 $1.600000000e+01, v15;
	v15 =	vmul.f32 $1.600000000e+01, v23;
	[tilespmem:v21+s14+$0x0] =	vst.idx.add.s32.msk $0xffff, v2  }
0x69: {  	v7 =	vpack.i.b32.b16 v20, v7;
	v21 =	vtrunc.f32 v5;
	v5 =	vtrunc.f32 v28;
	[tilespmem:v17+s14+$0x0] =	vst.idx.add.s32.msk $0xffff, v2  }
0x6a: {  	v19 =	vmul.f32 $1.600000000e+01, v19;
	v23 =	vtrunc.f32 v11;
	v24 =	vadd.f32 v1, v15;
	[tilespmem:v18+s14+$0x0] =	vst.idx.add.s32.msk $0xffff, v2  }
.Ltmp1:
0x6b: {  	v17 =	vtrunc.f32 v27;
	v11 =	vcvt.f32.s32 v21;
	v15 =	vadd.f32 v1, v10;
	[tilespmem:v20+s14+$0x0] =	vst.idx.add.s32.msk $0xffff, v2;
	(pc) =	sbr.rel @p1 .LBB2_5-.Ltmp1, $4  }
0x6c: {  	v10 =	vcvt.f32.s32 v17;
	v21 =	vadd.f32 v1, v19;
	v22 =	vadd.f32 v1, v22;
	v17 =	vld [tilespmem:s26+$0x70];
	[tilespmem:s30+$0x10] =	vst v7  }
0x6d: {  	v20 =	vadd.f32 v1, v30;
	v7 =	vcvt.f32.s32 v23;
	v18 =	vtrunc.f32 v24;
	[tilespmem:v6+s14+$0x0] =	vst.idx.add.s32.msk $0xffff, v2  }
0x6e: {  	v23 =	vmul.f32 $1.600000000e+01, v31;
	v6 =	vtrunc.f32 v21;
	v19 =	vld [tilespmem:s26+$0x400];
	[tilespmem:s30+$0x0] =	vst v26  }
0x6f: {  	v21 =	vmul.f32 $1.600000000e+01, v25;
	v6 =	vcvt.f32.s32 v6;
	[tilespmem:v29+s14+$0x0] =	vst.idx.add.s32.msk $0xffff, v2  }
0x70: {  	_ =	sdelay $0x1  }
0x71: {  	[tilespmem:s30+$0xFFFFFFD0] =	vst v16  }
0x72: {  	v24 =	vld [tilespmem:s26+$0x60];
	[tilespmem:s30+$0xFFFFFFE0] =	vst v13  }
0x73: {  	[tilespmem:v12+s14+$0x0] =	vst.idx.add.s32.msk $0xffff, v2  }
0x74: {  	v48 =	vld [tilespmem:s26+$0x430];
	[tilespmem:s30+$0xFFFFFFC0] =	vst v8  }
0x75: {  	v46 =	vtrunc.f32 v22;
	[tilespmem:v11+s14+$0x0] =	vst.idx.add.s32.msk $0xffff, v2  }
0x76: {  	[tilespmem:v14+s14+$0x0] =	vst.idx.add.s32.msk $0xffff, v2;
	v52 =	vtrunc.f32 v15;
	v16 =	vcvt.f32.s32 v46  }
0x77: {  	v45 =	vadd.f32 v1, v23;
	v51 =	vld [tilespmem:s26+$0x30];
	[tilespmem:s30+$0x30] =	vst v4;
	v55 =	vtrunc.f32 v20;
	v4 =	vcvt.f32.s32 v52  }
0x78: {  	[tilespmem:v7+s14+$0x0] =	vst.idx.add.s32.msk $0xffff, v2;
	v56 =	vcvt.f32.s32 v55  }
0x79: {  	v3 =	vpack.i.b32.b16 v14, v3;
	v18 =	vcvt.f32.s32 v18;
	[tilespmem:v10+s14+$0x0] =	vst.idx.add.s32.msk $0xffff, v2;
	v49 =	vtrunc.f32 v45  }
0x7a: {  	v50 =	vadd.f32 v1, v21;
	[tilespmem:s30+$0x20] =	vst v3;
	v8 =	vcvt.f32.s32 v49  }
0x7b: {  	[tilespmem:s30+$0xFFFFFFF0] =	vst v9  }
0x7c: {  	v19 =	vmul.f32 $1.600000000e+01, v19;
	v13 =	vtrunc.f32 v50;
	[tilespmem:v16+s14+$0x0] =	vst.idx.add.s32.msk $0xffff, v2  }
0x7d: {  	v13 =	vcvt.f32.s32 v13;
	[tilespmem:v4+s14+$0x0] =	vst.idx.add.s32.msk $0xffff, v2  }
0x7e: {  	v5 =	vcvt.f32.s32 v5;
	v47 =	vmul.f32 $1.600000000e+01, v24;
	v53 =	vadd.f32 v1, v19;
	[tilespmem:v56+s14+$0x0] =	vst.idx.add.s32.msk $0xffff, v2  }
0x7f: {  	v17 =	vmul.f32 $1.600000000e+01, v17;
	v54 =	vmul.f32 $1.600000000e+01, v48;
	[tilespmem:v18+s14+$0x0] =	vst.idx.add.s32.msk $0xffff, v2  }
0x80: {  	v12 =	vadd.f32 v1, v47;
	v14 =	vtrunc.f32 v53;
	v4 =	vpack.i.b32.b16 v56, v4;
	[tilespmem:v8+s14+$0x0] =	vst.idx.add.s32.msk $0xffff, v2  }
0x81: {  	v63 =	vpack.i.b32.b16 v18, v16;
	v15 =	vadd.f32 v1, v54;
	v14 =	vcvt.f32.s32 v14;
	[tilespmem:s29+$0xFFFFFFE0] =	vst v4  }
0x82: {  	v3 =	vtrunc.f32 v12;
	[tilespmem:s29+$0x30] =	vst v63  }
0x83: {  	v17 =	vadd.f32 v1, v17;
	v15 =	vtrunc.f32 v15;
	v3 =	vcvt.f32.s32 v3;
	[tilespmem:v13+s14+$0x0] =	vst.idx.add.s32.msk $0xffff, v2  }
0x84: {  	v61 =	vpack.i.b32.b16 v13, v11;
	v12 =	vmul.f32 $1.600000000e+01, v51;
	v15 =	vcvt.f32.s32 v15;
	[tilespmem:v5+s14+$0x0] =	vst.idx.add.s32.msk $0xffff, v2  }
0x85: {  	v62 =	vpack.i.b32.b16 v5, v8;
	[tilespmem:s29+$0xFFFFFFC0] =	vst v61  }
0x86: {  	v17 =	vtrunc.f32 v17;
	v12 =	vadd.f32 v1, v12;
	[tilespmem:s29+$0x20] =	vst v62  }
0x87: {  	v58 =	vcvt.f32.s32 v17;
	[tilespmem:v14+s14+$0x0] =	vst.idx.add.s32.msk $0xffff, v2  }
0x88: {  	v12 =	vtrunc.f32 v12;
	[tilespmem:v6+s14+$0x0] =	vst.idx.add.s32.msk $0xffff, v2  }
0x89: {  	v12 =	vcvt.f32.s32 v12;
	[tilespmem:v3+s14+$0x0] =	vst.idx.add.s32.msk $0xffff, v2  }
0x8a: {  	v59 =	vpack.i.b32.b16 v6, v14;
	[tilespmem:v15+s14+$0x0] =	vst.idx.add.s32.msk $0xffff, v2  }
0x8b: {  	v57 =	vpack.i.b32.b16 v15, v7;
	[tilespmem:s29+$0x0] =	vst v59  }
0x8c: {  	p1 =	sne.s32 s24, $0xF;
	[tilespmem:s29+$0x10] =	vst v57  }
.Ltmp2:
0x8d: {  	s26 =	sshll.u32 s24, $0xF;
	v3 =	vpack.i.b32.b16 v58, v3;
	[tilespmem:v58+s14+$0x0] =	vst.idx.add.s32.msk $0xffff, v2;
	(pc) =	sbr.rel @p1 .LBB2_8-.Ltmp2, $4  }
0x8e: {  	s0 =	sor.u32 s7, s26;
	[tilespmem:s29+$0xFFFFFFF0] =	vst v3  }
0x8f: {  	s0 =	sshrl.u32 s0, $0x3;
	v60 =	vpack.i.b32.b16 v12, v10;
	[tilespmem:v12+s14+$0x0] =	vst.idx.add.s32.msk $0xffff, v2  }
0x90: {  	s0 =	sadd.s32 s4, s0;
	[tilespmem:s29+$0xFFFFFFD0] =	vst v60  }
0x91: {  	[hbm4b:s0+s3] =	stream.linear.scatter [tilespmem:s15], [sflag:$0x3], $0x4000, $0x38;
	[tilespmem:$0x1C400] =	vst v63  }
.Ltmp3:
0x92: {  	(pc) =	sbr.rel .LBB2_9-.Ltmp3, $4  }
0x93: {  	_ = 	snop  }
0x94: {  	_ =	swait.ge [sflag:s16], $0x8000  }
0x95: {  	[sflag:s16] =	ssyncset.done $0x0  }
0x96: {  	[sflag:s16] =	ssyncadd.s32 $0xFFFF8000  }
.LBB2_8:
0x97: {  	s0 =	sadd.s32 $0x2, s25  }
0x98: {  	s2 =	sshrl.u32 s0, $0x3;
	s0 =	sshll.u32 s0, $0xC  }
0x99: {  	s2 =	sadd.s32 s5, s2;
	s0 =	sand.u32 $0x6000, s0  }
0x9a: {  	s2 =	sshll.u32 s2, $0xF;
	s0 =	sadd.s32 s1, s0  }
.Ltmp4:
0x9b: {  	s0 =	sadd.s32 s2, s0;
	(pc) =	sbr.rel @p0 .LBB2_10-.Ltmp4, $4  }
0x9c: {  	[tilespmem:s3], [sflag:$0x1] =	stream.linear.gather [hbm4b:s0+s3], $0x8000, $0x38;
	[tilespmem:$0x1C400] =	vst v63  }
0x9d: {  	_ =	swait.ge [sflag:s16], $0x8000  }
0x9e: {  	[sflag:s16] =	ssyncset.done $0x0  }
0x9f: {  	[sflag:s16] =	ssyncadd.s32 $0xFFFF8000  }
.LBB2_9:
0xa0: {  	_ =	swait.ge [sflag:s17], $0x4000  }
0xa1: {  	[sflag:s17] =	ssyncset.done $0x0  }
0xa2: {  	[sflag:s17] =	ssyncadd.s32 $0xFFFFC000  }
.LBB2_10:
0xa3: {  	s0 =	simm.s32 $0x0;
	s2 =	simm.s32 $0x0  }
0xa4: {  	s8 =	simm.s32 $0x0;
	s2 =	sand.u32 $0x7000, s2;
	s0 =	sand.u32 $0x800, s0  }
0xa5: {  	s8 =	sand.u32 $0x380, s8;
	s0 =	sor.u32 s0, s2  }
0xa6: {  	s0 =	sor.u32 s8, s0  }
0xa7: {  	v3 =	vld [tilespmem:s0+$0x8000]  }
0xa8: {  	v4 =	vld [tilespmem:s0+$0x8020]  }
0xa9: {  	v5 =	vld [tilespmem:s0+$0x8050]  }
0xaa: {  	v6 =	vld [tilespmem:s0+$0x8420]  }
0xab: {  	v7 =	vld [tilespmem:s0+$0x8450]  }
0xac: {  	s29 =	simm.s32 $0x800;
	s8 =	simm.s32 $0x100;
	v8 =	vld [tilespmem:s0+$0x8460]  }
0xad: {  	s10 =	simm.s32 $0x40;
	s20 =	sand.u32 $0x800, s29;
	v9 =	vld [tilespmem:s0+$0x8040];
	s2 =	sand.u32 $0x7000, s8  }
0xae: {  	v10 =	vld [tilespmem:s0+$0x8440];
	s8 =	sand.u32 $0x380, s10;
	s2 =	sor.u32 s20, s2  }
0xaf: {  	v11 =	vld [tilespmem:s0+$0x8470];
	s28 =	sor.u32 s8, s2  }
0xb0: {  	v20 =	vld [tilespmem:s28+$0x8470]  }
0xb1: {  	v25 =	vld [tilespmem:s28+$0x8050]  }
0xb2: {  	v26 =	vld [tilespmem:s28+$0x8000]  }
0xb3: {  	v29 =	vld [tilespmem:s28+$0x8040];
	v3 =	vmul.f32 $1.600000000e+01, v3;
	v4 =	vmul.f32 $1.600000000e+01, v4  }
0xb4: {  	v23 =	vld [tilespmem:s28+$0x8410];
	v6 =	vmul.f32 $1.600000000e+01, v6;
	v7 =	vmul.f32 $1.600000000e+01, v7  }
0xb5: {  	v21 =	vld [tilespmem:s28+$0x8010];
	v8 =	vmul.f32 $1.600000000e+01, v8;
	v5 =	vmul.f32 $1.600000000e+01, v5  }
0xb6: {  	v9 =	vmul.f32 $1.600000000e+01, v9;
	v10 =	vmul.f32 $1.600000000e+01, v10  }
0xb7: {  	v11 =	vmul.f32 $1.600000000e+01, v11;
	v3 =	vadd.f32 v1, v3;
	v26 =	vmul.f32 $1.600000000e+01, v26  }
0xb8: {  	v4 =	vadd.f32 v1, v4;
	v25 =	vmul.f32 $1.600000000e+01, v25;
	v62 =	vmul.f32 $1.600000000e+01, v29  }
0xb9: {  	v12 =	vld [tilespmem:s0+$0x8410];
	v7 =	vadd.f32 v1, v7;
	v20 =	vmul.f32 $1.600000000e+01, v20;
	v23 =	vmul.f32 $1.600000000e+01, v23  }
0xba: {  	v9 =	vadd.f32 v1, v9;
	v21 =	vmul.f32 $1.600000000e+01, v21;
	v3 =	vtrunc.f32 v3  }
0xbb: {  	v13 =	vld [tilespmem:s0+$0x8010];
	v6 =	vadd.f32 v1, v6;
	v4 =	vtrunc.f32 v4;
	v7 =	vtrunc.f32 v7  }
0xbc: {  	v18 =	vld [tilespmem:s0+$0x8430];
	v9 =	vtrunc.f32 v9;
	v14 =	vcvt.f32.s32 v3  }
0xbd: {  	v3 =	vtrunc.f32 v6;
	v6 =	vadd.f32 v1, v8;
	v19 =	vcvt.f32.s32 v4  }
0xbe: {  	v15 =	vld [tilespmem:s0+$0x8070];
	v10 =	vadd.f32 v1, v10;
	v17 =	vcvt.f32.s32 v3;
	v3 =	vmul.f32 $1.600000000e+01, v12  }
0xbf: {  	v9 =	vcvt.f32.s32 v9;
	v12 =	vld [tilespmem:s0+$0x8060];
	v6 =	vtrunc.f32 v6  }
0xc0: {  	v16 =	vld [tilespmem:s0+$0x8030];
	v6 =	vcvt.f32.s32 v6;
	v4 =	vadd.f32 v1, v3;
	v3 =	vtrunc.f32 v10  }
0xc1: {  	v8 =	vld [tilespmem:s0+$0x8400];
	v10 =	vadd.f32 v1, v11;
	v11 =	vmul.f32 $1.600000000e+01, v13;
	v13 =	vmul.f32 $1.600000000e+01, v18  }
0xc2: {  	v28 =	vld [tilespmem:s28+$0x8420];
	v5 =	vadd.f32 v1, v5;
	v3 =	vcvt.f32.s32 v3;
	v4 =	vtrunc.f32 v4  }
0xc3: {  	v61 =	vld [tilespmem:s28+$0x8440];
	v10 =	vtrunc.f32 v10;
	v22 =	vcvt.f32.s32 v4  }
0xc4: {  	[tilespmem:v14+s14+$0x0] =	vst.idx.add.s32.msk $0xffff, v2;
	v4 =	vtrunc.f32 v5;
	v5 =	vadd.f32 v1, v11;
	v11 =	vmul.f32 $1.600000000e+01, v12  }
0xc5: {  	v20 =	vadd.f32 v1, v20;
	v10 =	vcvt.f32.s32 v10;
	[tilespmem:v19+s14+$0x0] =	vst.idx.add.s32.msk $0xffff, v2;
	v12 =	vmul.f32 $1.600000000e+01, v16  }
0xc6: {  	v23 =	vadd.f32 v1, v23;
	[tilespmem:v9+s14+$0x0] =	vst.idx.add.s32.msk $0xffff, v2;
	v24 =	vcvt.f32.s32 v4;
	v4 =	vmul.f32 $1.600000000e+01, v8  }
0xc7: {  	[tilespmem:v17+s14+$0x0] =	vst.idx.add.s32.msk $0xffff, v2;
	v5 =	vtrunc.f32 v5;
	v8 =	vadd.f32 v1, v11;
	v12 =	vadd.f32 v1, v12  }
0xc8: {  	v11 =	vmul.f32 $1.600000000e+01, v15;
	v15 =	vld [tilespmem:s28+$0x8020];
	v4 =	vadd.f32 v1, v4;
	v5 =	vcvt.f32.s32 v5  }
0xc9: {  	v13 =	vadd.f32 v1, v13;
	[tilespmem:v6+s14+$0x0] =	vst.idx.add.s32.msk $0xffff, v2;
	v8 =	vtrunc.f32 v8;
	v12 =	vtrunc.f32 v12  }
0xca: {  	v18 =	vcvt.f32.s32 v8;
	v8 =	vadd.f32 v1, v11;
	v11 =	vld [tilespmem:s28+$0x8450];
	v16 =	vtrunc.f32 v4  }
0xcb: {  	[tilespmem:v3+s14+$0x0] =	vst.idx.add.s32.msk $0xffff, v2;
	v4 =	vpack.i.b32.b16 v10, v6;
	v31 =	vcvt.f32.s32 v12;
	v27 =	vcvt.f32.s32 v16  }
0xcc: {  	[tilespmem:v10+s14+$0x0] =	vst.idx.add.s32.msk $0xffff, v2;
	v6 =	vtrunc.f32 v8;
	v8 =	vpack.i.b32.b16 v5, v14;
	v14 =	vtrunc.f32 v13  }
0xcd: {  	v13 =	vpack.i.b32.b16 v24, v9;
	v15 =	vmul.f32 $1.600000000e+01, v15;
	v12 =	vcvt.f32.s32 v6;
	v6 =	vld [tilespmem:s28+$0x8460]  }
0xce: {  	v16 =	vpack.i.b32.b16 v31, v19;
	[tilespmem:v24+s14+$0x0] =	vst.idx.add.s32.msk $0xffff, v2;
	v19 =	vcvt.f32.s32 v14;
	v14 =	vcvt.f32.s32 v7  }
0xcf: {  	v7 =	vadd.f32 v1, v26;
	[tilespmem:v5+s14+$0x0] =	vst.idx.add.s32.msk $0xffff, v2;
	v15 =	vadd.f32 v1, v15;
	v11 =	vmul.f32 $1.600000000e+01, v11  }
0xd0: {  	v30 =	vpack.i.b32.b16 v22, v27;
	v9 =	vpack.i.b32.b16 v12, v18;
	[tilespmem:v18+s14+$0x0] =	vst.idx.add.s32.msk $0xffff, v2;
	v18 =	vmul.f32 $1.600000000e+01, v28  }
0xd1: {  	v7 =	vtrunc.f32 v7;
	v10 =	vtrunc.f32 v15;
	[tilespmem:v31+s14+$0x0] =	vst.idx.add.s32.msk $0xffff, v2;
	v11 =	vadd.f32 v1, v11  }
0xd2: {  	[tilespmem:v27+s14+$0x0] =	vst.idx.add.s32.msk $0xffff, v2;
	v10 =	vcvt.f32.s32 v10;
	v6 =	vmul.f32 $1.600000000e+01, v6;
	v18 =	vadd.f32 v1, v18  }
0xd3: {  	v63 =	vpack.i.b32.b16 v19, v17;
	[tilespmem:v22+s14+$0x0] =	vst.idx.add.s32.msk $0xffff, v2;
	v5 =	vtrunc.f32 v11;
	v11 =	vcvt.f32.s32 v7  }
0xd4: {  	s31 =	simm.s32 $0x14040;
	v15 =	vadd.f32 v1, v62;
	[tilespmem:v19+s14+$0x0] =	vst.idx.add.s32.msk $0xffff, v2;
	v19 =	vtrunc.f32 v20;
	v18 =	vtrunc.f32 v18  }
0xd5: {  	v17 =	vld [tilespmem:s28+$0x8070];
	[tilespmem:s31+$0x0] =	vst v30;
	v22 =	vadd.f32 v1, v6;
	v6 =	vtrunc.f32 v23;
	v23 =	vmul.f32 $1.600000000e+01, v61  }
0xd6: {  	s30 =	simm.s32 $0x140C0;
	s2 =	simm.s32 $0x8;
	s0 =	simm.s32 $0x140C0;
	v20 =	vadd.f32 v1, v25;
	[tilespmem:s31+$0x10] =	vst v63;
	v7 =	vcvt.f32.s32 v18;
	v18 =	vld [tilespmem:s28+$0x8400];
	v6 =	vcvt.f32.s32 v6  }
.LBB2_11:
0xd7: {  	s2 =	sadd.s32 $0x8, s2;
	v24 =	vld [tilespmem:s28+$0x8030];
	v23 =	vadd.f32 v1, v23;
	v22 =	vtrunc.f32 v22;
	v19 =	vcvt.f32.s32 v19;
	s29 =	sadd.s32 $0x800, s29;
	s0 =	sadd.s32 $0x80, s0;
	[tilespmem:s31+$0xFFFFFFD0] =	vst v16  }
0xd8: {  	v16 =	vtrunc.f32 v20;
	s8 =	sshll.u32 s2, $0x5;
	s20 =	sshll.u32 s2, $0x3;
	p0 =	slt.u32 s2, $0x3F8;
	v20 =	vld [tilespmem:s28+$0x8060];
	v22 =	vcvt.f32.s32 v22;
	[tilespmem:s31+$0xFFFFFFE0] =	vst v13  }
0xd9: {  	s10 =	sand.u32 $0x800, s29;
	s8 =	sand.u32 $0x7000, s8;
	v13 =	vtrunc.f32 v23;
	[tilespmem:v12+s14+$0x0] =	vst.idx.add.s32.msk $0xffff, v2  }
0xda: {  	s20 =	sand.u32 $0x380, s20;
	v12 =	vadd.f32 v1, v21;
	v21 =	vcvt.f32.s32 v16;
	s8 =	sor.u32 s10, s8;
	v16 =	vld [tilespmem:s28+$0x8430];
	v13 =	vcvt.f32.s32 v13;
	[tilespmem:s31+$0xFFFFFFC0] =	vst v8  }
0xdb: {  	v8 =	vmul.f32 $1.600000000e+01, v18;
	v18 =	vpack.i.b32.b16 v19, v22;
	s28 =	sor.u32 s20, s8;
	[tilespmem:v11+s14+$0x0] =	vst.idx.add.s32.msk $0xffff, v2  }
0xdc: {  	v17 =	vmul.f32 $1.600000000e+01, v17;
	v12 =	vtrunc.f32 v12;
	[tilespmem:v14+s14+$0x0] =	vst.idx.add.s32.msk $0xffff, v2;
	v14 =	vpack.i.b32.b16 v14, v3;
	v3 =	vmovc v13  }
0xdd: {  	v13 =	vmul.f32 $1.600000000e+01, v24;
	v8 =	vadd.f32 v1, v8;
	v25 =	vld [tilespmem:s28+$0x8010];
	[tilespmem:s31+$0x20] =	vst v14  }
0xde: {  	v24 =	vcvt.f32.s32 v12;
	v12 =	vadd.f32 v1, v17;
	v23 =	vld [tilespmem:s28+$0x8470];
	[tilespmem:s31+$0x30] =	vst v4;
	v4 =	vmov v18  }
0xdf: {  	v14 =	vmul.f32 $1.600000000e+01, v20;
	v13 =	vadd.f32 v1, v13;
	v17 =	vtrunc.f32 v8;
	[tilespmem:v7+s14+$0x0] =	vst.idx.add.s32.msk $0xffff, v2  }
0xe0: {  	v8 =	vpack.i.b32.b16 v24, v11;
	v11 =	vtrunc.f32 v12;
	v17 =	vcvt.f32.s32 v17;
	v18 =	vld [tilespmem:s28+$0x8410];
	[tilespmem:s31+$0xFFFFFFF0] =	vst v9;
	s31 =	smov.u32 s30;
	s30 =	smov.u32 s0  }
0xe1: {  	v12 =	vadd.f32 v1, v14;
	v9 =	vtrunc.f32 v13;
	v13 =	vmul.f32 $1.600000000e+01, v16;
	[tilespmem:v22+s14+$0x0] =	vst.idx.add.s32.msk $0xffff, v2  }
0xe2: {  	v26 =	vpack.i.b32.b16 v6, v17;
	[tilespmem:v10+s14+$0x0] =	vst.idx.add.s32.msk $0xffff, v2  }
0xe3: {  	v14 =	vtrunc.f32 v15;
	v12 =	vtrunc.f32 v12;
	v13 =	vadd.f32 v1, v13;
	[tilespmem:v3+s14+$0x0] =	vst.idx.add.s32.msk $0xffff, v2  }
0xe4: {  	v14 =	vcvt.f32.s32 v14;
	v20 =	vcvt.f32.s32 v12;
	v15 =	vld [tilespmem:s28+$0x8020]  }
0xe5: {  	v27 =	vtrunc.f32 v13;
	v22 =	vld [tilespmem:s28+$0x8050]  }
0xe6: {  	v29 =	vcvt.f32.s32 v9;
	v13 =	vpack.i.b32.b16 v21, v14;
	v28 =	vld [tilespmem:s28+$0x8450]  }
0xe7: {  	v30 =	vld [tilespmem:s28+$0x8000]  }
0xe8: {  	v12 =	vcvt.f32.s32 v11;
	v16 =	vpack.i.b32.b16 v29, v10;
	v31 =	vld [tilespmem:s28+$0x8420]  }
0xe9: {  	v10 =	vld [tilespmem:s28+$0x8040]  }
0xea: {  	v9 =	vpack.i.b32.b16 v12, v20;
	v11 =	vmul.f32 $1.600000000e+01, v15;
	v15 =	vld [tilespmem:s28+$0x8460]  }
0xeb: {  	v28 =	vmul.f32 $1.600000000e+01, v28;
	[tilespmem:v20+s14+$0x0] =	vst.idx.add.s32.msk $0xffff, v2;
	v20 =	vcvt.f32.s32 v27  }
0xec: {  	v27 =	vmul.f32 $1.600000000e+01, v30;
	v30 =	vmul.f32 $1.600000000e+01, v22;
	[tilespmem:v14+s14+$0x0] =	vst.idx.add.s32.msk $0xffff, v2  }
0xed: {  	v14 =	vcvt.f32.s32 v5;
	v22 =	vmul.f32 $1.600000000e+01, v31;
	v31 =	vld [tilespmem:s28+$0x8440];
	v28 =	vadd.f32 v1, v28  }
0xee: {  	v5 =	vadd.f32 v1, v27;
	v27 =	vadd.f32 v1, v11;
	v10 =	vmul.f32 $1.600000000e+01, v10;
	[tilespmem:v24+s14+$0x0] =	vst.idx.add.s32.msk $0xffff, v2  }
0xef: {  	v11 =	vadd.f32 v1, v22;
	v22 =	vmul.f32 $1.600000000e+01, v15;
	v15 =	vmul.f32 $1.600000000e+01, v23;
	[tilespmem:v21+s14+$0x0] =	vst.idx.add.s32.msk $0xffff, v2  }
0xf0: {  	v7 =	vpack.i.b32.b16 v20, v7;
	v21 =	vtrunc.f32 v5;
	v5 =	vtrunc.f32 v28;
	[tilespmem:v17+s14+$0x0] =	vst.idx.add.s32.msk $0xffff, v2  }
0xf1: {  	v18 =	vmul.f32 $1.600000000e+01, v18;
	v23 =	vtrunc.f32 v11;
	v24 =	vadd.f32 v1, v15;
	[tilespmem:v19+s14+$0x0] =	vst.idx.add.s32.msk $0xffff, v2  }
.Ltmp5:
0xf2: {  	v17 =	vtrunc.f32 v27;
	v11 =	vcvt.f32.s32 v21;
	v15 =	vadd.f32 v1, v10;
	[tilespmem:v20+s14+$0x0] =	vst.idx.add.s32.msk $0xffff, v2;
	(pc) =	sbr.rel @p0 .LBB2_11-.Ltmp5, $4  }
0xf3: {  	v10 =	vcvt.f32.s32 v17;
	v21 =	vadd.f32 v1, v18;
	v22 =	vadd.f32 v1, v22;
	v17 =	vld [tilespmem:s28+$0x8070];
	[tilespmem:s31+$0x10] =	vst v7  }
0xf4: {  	v20 =	vadd.f32 v1, v30;
	v7 =	vcvt.f32.s32 v23;
	v19 =	vtrunc.f32 v24;
	[tilespmem:v6+s14+$0x0] =	vst.idx.add.s32.msk $0xffff, v2  }
0xf5: {  	v23 =	vmul.f32 $1.600000000e+01, v31;
	v6 =	vtrunc.f32 v21;
	v18 =	vld [tilespmem:s28+$0x8400];
	[tilespmem:s31+$0x0] =	vst v26  }
0xf6: {  	v21 =	vmul.f32 $1.600000000e+01, v25;
	v6 =	vcvt.f32.s32 v6;
	[tilespmem:v29+s14+$0x0] =	vst.idx.add.s32.msk $0xffff, v2  }
0xf7: {  	_ =	sdelay $0x1  }
0xf8: {  	[tilespmem:s31+$0xFFFFFFD0] =	vst v16  }
0xf9: {  	v24 =	vld [tilespmem:s28+$0x8060];
	[tilespmem:s31+$0xFFFFFFE0] =	vst v13  }
0xfa: {  	[tilespmem:v12+s14+$0x0] =	vst.idx.add.s32.msk $0xffff, v2  }
0xfb: {  	v47 =	vld [tilespmem:s28+$0x8430];
	[tilespmem:s31+$0xFFFFFFC0] =	vst v8  }
0xfc: {  	v45 =	vtrunc.f32 v22;
	[tilespmem:v11+s14+$0x0] =	vst.idx.add.s32.msk $0xffff, v2  }
0xfd: {  	[tilespmem:v14+s14+$0x0] =	vst.idx.add.s32.msk $0xffff, v2;
	v51 =	vtrunc.f32 v15;
	v16 =	vcvt.f32.s32 v45  }
0xfe: {  	v44 =	vadd.f32 v1, v23;
	v50 =	vld [tilespmem:s28+$0x8030];
	[tilespmem:s31+$0x30] =	vst v4;
	v54 =	vtrunc.f32 v20;
	v4 =	vcvt.f32.s32 v51  }
0xff: {  	[tilespmem:v7+s14+$0x0] =	vst.idx.add.s32.msk $0xffff, v2;
	v55 =	vcvt.f32.s32 v54  }
0x100: {  	v3 =	vpack.i.b32.b16 v14, v3;
	v56 =	vcvt.f32.s32 v19;
	[tilespmem:v10+s14+$0x0] =	vst.idx.add.s32.msk $0xffff, v2;
	v48 =	vtrunc.f32 v44  }
0x101: {  	v49 =	vadd.f32 v1, v21;
	[tilespmem:s31+$0x20] =	vst v3;
	v8 =	vcvt.f32.s32 v48  }
0x102: {  	[tilespmem:s31+$0xFFFFFFF0] =	vst v9  }
0x103: {  	v18 =	vmul.f32 $1.600000000e+01, v18;
	v13 =	vtrunc.f32 v49;
	[tilespmem:v16+s14+$0x0] =	vst.idx.add.s32.msk $0xffff, v2  }
0x104: {  	v13 =	vcvt.f32.s32 v13;
	[tilespmem:v4+s14+$0x0] =	vst.idx.add.s32.msk $0xffff, v2  }
0x105: {  	v5 =	vcvt.f32.s32 v5;
	v46 =	vmul.f32 $1.600000000e+01, v24;
	v52 =	vadd.f32 v1, v18;
	[tilespmem:v55+s14+$0x0] =	vst.idx.add.s32.msk $0xffff, v2  }
0x106: {  	v17 =	vmul.f32 $1.600000000e+01, v17;
	v53 =	vmul.f32 $1.600000000e+01, v47;
	[tilespmem:v56+s14+$0x0] =	vst.idx.add.s32.msk $0xffff, v2  }
0x107: {  	v12 =	vadd.f32 v1, v46;
	v14 =	vtrunc.f32 v52;
	v4 =	vpack.i.b32.b16 v55, v4;
	[tilespmem:v8+s14+$0x0] =	vst.idx.add.s32.msk $0xffff, v2  }
0x108: {  	v63 =	vpack.i.b32.b16 v56, v16;
	v15 =	vadd.f32 v1, v53;
	v14 =	vcvt.f32.s32 v14;
	[tilespmem:s30+$0xFFFFFFE0] =	vst v4  }
0x109: {  	v3 =	vtrunc.f32 v12;
	[tilespmem:s30+$0x30] =	vst v63  }
0x10a: {  	v17 =	vadd.f32 v1, v17;
	v15 =	vtrunc.f32 v15;
	v3 =	vcvt.f32.s32 v3;
	[tilespmem:v13+s14+$0x0] =	vst.idx.add.s32.msk $0xffff, v2  }
0x10b: {  	v61 =	vpack.i.b32.b16 v13, v11;
	v12 =	vmul.f32 $1.600000000e+01, v50;
	v15 =	vcvt.f32.s32 v15;
	[tilespmem:v5+s14+$0x0] =	vst.idx.add.s32.msk $0xffff, v2  }
0x10c: {  	v62 =	vpack.i.b32.b16 v5, v8;
	[tilespmem:s30+$0xFFFFFFC0] =	vst v61  }
0x10d: {  	v17 =	vtrunc.f32 v17;
	v12 =	vadd.f32 v1, v12;
	[tilespmem:s30+$0x20] =	vst v62  }
0x10e: {  	v58 =	vcvt.f32.s32 v17;
	[tilespmem:v14+s14+$0x0] =	vst.idx.add.s32.msk $0xffff, v2  }
0x10f: {  	v12 =	vtrunc.f32 v12;
	[tilespmem:v6+s14+$0x0] =	vst.idx.add.s32.msk $0xffff, v2  }
0x110: {  	v12 =	vcvt.f32.s32 v12;
	[tilespmem:v3+s14+$0x0] =	vst.idx.add.s32.msk $0xffff, v2  }
0x111: {  	v59 =	vpack.i.b32.b16 v6, v14;
	[tilespmem:v15+s14+$0x0] =	vst.idx.add.s32.msk $0xffff, v2  }
0x112: {  	v57 =	vpack.i.b32.b16 v15, v7;
	[tilespmem:s30+$0x0] =	vst v59  }
0x113: {  	p0 =	seq.s32 s24, $0xF;
	[tilespmem:s30+$0x10] =	vst v57  }
.Ltmp6:
0x114: {  	v3 =	vpack.i.b32.b16 v58, v3;
	[tilespmem:v58+s14+$0x0] =	vst.idx.add.s32.msk $0xffff, v2;
	(pc) =	sbr.rel @p0 .LBB2_14-.Ltmp6, $4  }
0x115: {  	s0 =	sor.u32 s9, s26;
	[tilespmem:s30+$0xFFFFFFF0] =	vst v3  }
0x116: {  	s0 =	sshrl.u32 s0, $0x3;
	v60 =	vpack.i.b32.b16 v12, v10;
	[tilespmem:v12+s14+$0x0] =	vst.idx.add.s32.msk $0xffff, v2  }
0x117: {  	s0 =	sadd.s32 s4, s0;
	[tilespmem:s30+$0xFFFFFFD0] =	vst v60  }
0x118: {  	[hbm4b:s0+s3] =	stream.linear.scatter [tilespmem:s18], [sflag:$0x4], $0x4000, $0x38;
	[tilespmem:$0x1C400] =	vst v63  }
0x119: {  	s0 =	sadd.s32 $0x3, s25  }
.Ltmp7:
0x11a: {  	s2 =	sshrl.u32 s0, $0x3;
	s0 =	sshll.u32 s0, $0xC;
	(pc) =	sbr.rel .LBB2_4-.Ltmp7, $4  }
0x11b: {  	s2 =	sadd.s32 s5, s2;
	s0 =	sand.u32 $0x7000, s0  }
0x11c: {  	s2 =	sshll.u32 s2, $0xF;
	s0 =	sadd.s32 s1, s0  }
0x11d: {  	s24 =	sadd.s32 $0x1, s24;
	s0 =	sadd.s32 s2, s0  }
0x11e: {  	[tilespmem:s12], [sflag:$0x2] =	stream.linear.gather [hbm4b:s0+s3], $0x8000, $0x38;
	[tilespmem:$0x1C400] =	vst v63  }
.LBB2_14:
0x11f: {  	_ =	swait.ge [sflag:s19], $0x4000  }
0x120: {  	[sflag:s19] =	ssyncset.done $0x0  }
0x121: {  	[sflag:s19] =	ssyncadd.s32 $0xFFFFC000  }
0x122: {  	_ =	swait.ge [sflag:s17], $0x4000  }
0x123: {  	[sflag:s17] =	ssyncset.done $0x0  }
0x124: {  	s0 =	simm.s32 $0x18080;
	[sflag:s17] =	ssyncadd.s32 $0xFFFFC000  }
0x125: {  	v4 =	vld [tilespmem:s0+$0xFFFFFF80]  }
0x126: {  	s23 =	simm.s32 $0x0;
	s2 =	simm.s32 $0x40;
	v3 =	vld [tilespmem:s0+$0xFFFFFF90]  }
.LBB2_15:
0x127: {  	p0 =	sne.s32 s2, $0xFC0;
	v5 =	vld [tilespmem:s0+$0xFFFFFFA0]  }
0x128: {  	v6 =	vld [tilespmem:s0+$0xFFFFFFB0]  }
0x129: {  	v7 =	vld [tilespmem:s0+$0xFFFFFFC0]  }
0x12a: {  	v8 =	vld [tilespmem:s0+$0xFFFFFFD0];
	(xrf0) =	vadd.scan.msk.s32 $0xffff, v4  }
0x12b: {  	v4 =	vld [tilespmem:s0+$0xFFFFFFE0];
	(xrf0) =	vadd.scan.msk.s32 $0xffff, v3  }
0x12c: {  	v3 =	vld [tilespmem:s0+$0xFFFFFFF0];
	(xrf0) =	vadd.scan.msk.s32 $0xffff, v5  }
0x12d: {  	v5 =	vld [tilespmem:s0+$0x0];
	(xrf0) =	vadd.scan.msk.s32 $0xffff, v6  }
0x12e: {  	v6 =	vld [tilespmem:s0+$0x10];
	(xrf0) =	vadd.scan.msk.s32 $0xffff, v7  }
0x12f: {  	v7 =	vld [tilespmem:s0+$0x20];
	(xrf0) =	vadd.scan.msk.s32 $0xffff, v8  }
0x130: {  	v8 =	vld [tilespmem:s0+$0x30];
	v9, _, _ =	vpop (xrf0);
	(xrf0) =	vadd.scan.msk.s32 $0xffff, v4  }
0x131: {  	v4 =	vld [tilespmem:s0+$0x40];
	v10, _, _ =	vpop (xrf0);
	(xrf0) =	vadd.scan.msk.s32 $0xffff, v3  }
0x132: {  	v3 =	vbroadcast v9, $0xF;
	v13 =	vbroadcast v10, $0xF;
	v10 =	vld [tilespmem:s0+$0x50];
	v11, _, _ =	vpop (xrf0);
	(xrf0) =	vadd.scan.msk.s32 $0xffff, v5  }
0x133: {  	v5 =	vbroadcast v11, $0xF;
	v11 =	vld [tilespmem:s0+$0x60];
	v12, _, _ =	vpop (xrf0);
	(xrf0) =	vadd.scan.msk.s32 $0xffff, v6  }
0x134: {  	v3 =	vsel vm0, v3, v13;
	v6 =	vbroadcast v12, $0xF;
	v9, _, _ =	vpop (xrf0);
	(xrf0) =	vadd.scan.msk.s32 $0xffff, v7  }
0x135: {  	v3 =	vsel vm1, v3, v5;
	v9 =	vbroadcast v9, $0xF;
	v7, _, _ =	vpop (xrf0);
	(xrf0) =	vadd.scan.msk.s32 $0xffff, v8  }
0x136: {  	v3 =	vsel vm2, v3, v6;
	v12 =	vbroadcast v7, $0xF;
	v7 =	vld [tilespmem:s0+$0x70];
	v8, _, _ =	vpop (xrf0);
	(xrf0) =	vadd.scan.msk.s32 $0xffff, v4  }
0x137: {  	v3 =	vsel vm3, v3, v9;
	v4 =	vbroadcast v8, $0xF;
	v5, _, _ =	vpop (xrf0);
	(xrf0) =	vadd.scan.msk.s32 $0xffff, v10  }
0x138: {  	v3 =	vsel vm4, v3, v12;
	v5 =	vbroadcast v5, $0xF;
	v6, _, _ =	vpop (xrf0);
	(xrf0) =	vadd.scan.msk.s32 $0xffff, v11  }
0x139: {  	v3 =	vsel vm5, v3, v4;
	v4 =	vbroadcast v6, $0xF;
	v6, _, _ =	vpop (xrf0)  }
0x13a: {  	v3 =	vsel vm6, v3, v5;
	v5 =	vbroadcast v6, $0xF;
	v6, _, _ =	vpop (xrf0)  }
0x13b: {  	v3 =	vsel vm7, v3, v4;
	v4 =	vbroadcast v6, $0xF;
	v6, _, _ =	vpop (xrf0);
	(xrf0) =	vadd.scan.msk.s32 $0xffff, v7  }
0x13c: {  	v3 =	vsel vm8, v3, v5;
	v5 =	vbroadcast v6, $0xF;
	v6, _, _ =	vpop (xrf0)  }
0x13d: {  	v3 =	vsel vm9, v3, v4;
	v4 =	vbroadcast v6, $0xF;
	v6, _, _ =	vpop (xrf0)  }
0x13e: {  	v3 =	vsel vm10, v3, v5;
	v5 =	vbroadcast v6, $0xF;
	v6, _, _ =	vpop (xrf0)  }
0x13f: {  	v3 =	vsel vm11, v3, v4;
	v6 =	vbroadcast v6, $0xF  }
0x140: {  	v3 =	vsel vm12, v3, v5  }
.Ltmp8:
0x141: {  	v3 =	vsel vm13, v3, v6;
	v4, _, _ =	vpop (xrf0);
	(pc) =	sbr.rel @p0 .LBB2_15-.Ltmp8, $4  }
0x142: {  	s8 =	sshra.s32 s23, $0x2;
	s23 =	smov.u32 s2;
	v3 =	vsel vm14, v3, v4  }
0x143: {  	s0 =	sadd.s32 $0x100, s0;
	[tilespmem:s8+$0x1C000] =	vst v3  }
0x144: {  	v4 =	vld [tilespmem:s0+$0xFFFFFF80]  }
0x145: {  	s2 =	sadd.s32 $0x40, s2;
	v3 =	vld [tilespmem:s0+$0xFFFFFF90]  }
0x146: {  	v5 =	vld [tilespmem:s0+$0xFFFFFFA0]  }
0x147: {  	v6 =	vld [tilespmem:s0+$0xFFFFFFB0]  }
0x148: {  	v7 =	vld [tilespmem:s0+$0xFFFFFFC0]  }
0x149: {  	v8 =	vld [tilespmem:s0+$0xFFFFFFD0];
	(xrf0) =	vadd.scan.msk.s32 $0xffff, v4  }
0x14a: {  	v30 =	vld [tilespmem:s0+$0xFFFFFFE0];
	(xrf0) =	vadd.scan.msk.s32 $0xffff, v3  }
0x14b: {  	v3 =	vld [tilespmem:s0+$0xFFFFFFF0];
	(xrf0) =	vadd.scan.msk.s32 $0xffff, v5  }
0x14c: {  	v31 =	vld [tilespmem:s0+$0x0];
	(xrf0) =	vadd.scan.msk.s32 $0xffff, v6  }
0x14d: {  	v32 =	vld [tilespmem:s0+$0x10];
	(xrf0) =	vadd.scan.msk.s32 $0xffff, v7  }
0x14e: {  	v33 =	vld [tilespmem:s0+$0x20];
	(xrf0) =	vadd.scan.msk.s32 $0xffff, v8  }
0x14f: {  	v34 =	vld [tilespmem:s0+$0x30];
	v9, _, _ =	vpop (xrf0);
	(xrf0) =	vadd.scan.msk.s32 $0xffff, v30  }
0x150: {  	v35 =	vld [tilespmem:s0+$0x40];
	v10, _, _ =	vpop (xrf0);
	(xrf0) =	vadd.scan.msk.s32 $0xffff, v3  }
0x151: {  	v37 =	vld [tilespmem:s0+$0x50];
	v3 =	vbroadcast v9, $0xF;
	v36 =	vbroadcast v10, $0xF;
	v11, _, _ =	vpop (xrf0);
	(xrf0) =	vadd.scan.msk.s32 $0xffff, v31  }
0x152: {  	v39 =	vld [tilespmem:s0+$0x60];
	v38 =	vbroadcast v11, $0xF;
	v12, _, _ =	vpop (xrf0);
	(xrf0) =	vadd.scan.msk.s32 $0xffff, v32  }
0x153: {  	v3 =	vsel vm0, v3, v36;
	v40 =	vbroadcast v12, $0xF;
	v41, _, _ =	vpop (xrf0);
	(xrf0) =	vadd.scan.msk.s32 $0xffff, v33  }
0x154: {  	v3 =	vsel vm1, v3, v38;
	v42 =	vbroadcast v41, $0xF;
	v43, _, _ =	vpop (xrf0);
	(xrf0) =	vadd.scan.msk.s32 $0xffff, v34  }
0x155: {  	v45 =	vld [tilespmem:s0+$0x70];
	v3 =	vsel vm2, v3, v40;
	v44 =	vbroadcast v43, $0xF;
	v46, _, _ =	vpop (xrf0);
	(xrf0) =	vadd.scan.msk.s32 $0xffff, v35  }
0x156: {  	v3 =	vsel vm3, v3, v42;
	v47 =	vbroadcast v46, $0xF;
	v48, _, _ =	vpop (xrf0);
	(xrf0) =	vadd.scan.msk.s32 $0xffff, v37  }
0x157: {  	v3 =	vsel vm4, v3, v44;
	v5 =	vbroadcast v48, $0xF;
	v49, _, _ =	vpop (xrf0);
	(xrf0) =	vadd.scan.msk.s32 $0xffff, v39  }
0x158: {  	v3 =	vsel vm5, v3, v47;
	v50 =	vbroadcast v49, $0xF;
	v51, _, _ =	vpop (xrf0)  }
0x159: {  	v3 =	vsel vm6, v3, v5;
	v52 =	vbroadcast v51, $0xF;
	v53, _, _ =	vpop (xrf0)  }
0x15a: {  	(xrf0) =	vadd.scan.msk.s32 $0xffff, v45;
	v3 =	vsel vm7, v3, v50;
	v54 =	vbroadcast v53, $0xF;
	v55, _, _ =	vpop (xrf0)  }
0x15b: {  	v3 =	vsel vm8, v3, v52;
	v56 =	vbroadcast v55, $0xF;
	v57, _, _ =	vpop (xrf0)  }
0x15c: {  	v3 =	vsel vm9, v3, v54;
	v58 =	vbroadcast v57, $0xF;
	v59, _, _ =	vpop (xrf0)  }
0x15d: {  	v3 =	vsel vm10, v3, v56;
	v60 =	vbroadcast v59, $0xF;
	v61, _, _ =	vpop (xrf0)  }
0x15e: {  	v3 =	vsel vm11, v3, v58;
	v62 =	vbroadcast v61, $0xF  }
0x15f: {  	v3 =	vsel vm12, v3, v60  }
0x160: {  	s22 =	sadd.s32 $0x1, s22;
	v63, _, _ =	vpop (xrf0);
	v3 =	vsel vm13, v3, v62  }
0x161: {  	s30 =	sshra.s32 s23, $0x2;
	p0 =	sne.s32 s22, s11;
	v3 =	vsel vm14, v3, v63  }
.Ltmp9:
0x162: {  	s31 =	rddreg [dreg:$0x4];
	s2 =	simm.s32 $0x1C000;
	[tilespmem:s30+$0x1C000] =	vst v3;
	(pc) =	sbr.rel @p0 .LBB2_1-.Ltmp9, $4  }
0x163: {  	[hbm4b:s31+s3] =	stream.linear.scatter [tilespmem:s2], [sflag:$0x5], $0x400, $0x38;
	[tilespmem:$0x1C400] =	vst v63  }
0x164: {  	_ =	swait.ge [sflag:s21], $0x400  }
0x165: {  	[sflag:s21] =	ssyncset.done $0x0  }
0x166: {  	[sflag:s21] =	ssyncadd.s32 $0xFFFFFC00  }
0x167: {  	_ =	sfence.sel $0x180000  }
0x168: {  	[bflag:$0x0] =	sbarrier.arrive $0xFFFF  }
0x169: {  	_ =	strace $0x90000047  }
0x16a: {  	s0 =	stileid.u32;
	[bflag:$0x2] =	sbarrier.arrive $0xFFFF  }
0x16b: {  	p0 =	sne.s32 s0, $0x0;
	s0 =	rddreg [dreg:$0x2]  }
0x16c: {  	s0 =	sadd.s32 @!p0 $0x100000, s0  }
0x16d: {  	[sflag:s0] =	ssyncadd.tile.s32 @!p0 $0x1;
	_ =	shalt  }
.Lfunc_end2:
_tile_overlayer_lowered:
.L_overlay_start_2:
0x16e: {  	(tag) =	ssettag $0x2  }
0x16f: {  	s0 =	rddreg [dreg:$0x0];
	s2 =	stileid.u32  }
0x170: {  	s1 =	rddreg [dreg:$0x1];
	p0 =	sne.s32 s2, $0x0  }
0x171: {  	s3 =	rddreg [dreg:$0x2];
	[bflag:$0x3] =	sbarrier.arrive $0xFFFF;
	s2 =	simm.s32 @!p0 $0x1C05  }
0x172: {  	[timem:s3], [sflag:s2] =	dma.local @!p0 [hbm:s0], s1  }
0x173: {  	s0 =	simm.s32 @!p0 $0x5  }
0x174: {  	_ =	swait.ge @!p0 [sflag:s0], s1  }
0x175: {  	s1 =	ssub.s32 @!p0 $0x0, s1;
	[sflag:s0] =	ssyncset.done @!p0 $0x0  }
0x176: {  	[sflag:s0] =	ssyncadd.s32 @!p0 s1  }
0x177: {  	[bflag:$0x3] =	sbarrier.arrive $0xFFFF  }
0x178: {  	_ =	shalt  }

// kernel: kernel.7.cloned.1.call-start
scs
__scs_entry_jumppad:
0x0: {  	(pc) =	sbr.rel $0x88, $3  }
0x1: {  	(tag) =	ssettag $0x0;
	lr =	simm.s32 $0x1  }
0x2: {  	[smem:$0x3FA0] =	sst lr;
	_ =	strace $0xD0000000  }
0x3: {  	_ = 	snop  }
0x4: {  	_ = 	snop  }
0x5: {  	_ = 	snop  }
0x6: {  	_ = 	snop  }
0x7: {  	_ = 	snop  }
__scs_overlays_trampoline_lowered:
0x8: {  	[smem:$0x3FAF] =	sst s0  }
0x9: {  	[smem:$0x3FB0] =	sst s1  }
0xa: {  	[smem:$0x3FB1] =	sst s2  }
0xb: {  	[smem:$0x3FB2] =	sst s3  }
0xc: {  	[smem:$0x3FB3] =	sst s4  }
0xd: {  	[smem:$0x3FB4] =	sst s5  }
0xe: {  	[smem:$0x3FB5] =	sst s6  }
0xf: {  	[smem:$0x3FB6] =	sst s7  }
0x10: {  	[smem:$0x3FB7] =	sst s8  }
0x11: {  	[smem:$0x3FB8] =	sst s9;
	s0 =	simm.s32 @!p0 $0x0  }
0x12: {  	s1 =	sld [smem:$0x3F9E];
	s0 =	simm.s32 @p0 $0x1  }
0x13: {  	[smem:$0x3FB9] =	sst s0;
	s0 =	simm.s32 @!p1 $0x0  }
0x14: {  	s2 =	sld [smem:$0x3F9D];
	s0 =	simm.s32 @p1 $0x1  }
0x15: {  	[smem:$0x3FBA] =	sst s0;
	s0 =	simm.s32 @!p2 $0x0  }
0x16: {  	s3 =	sld [smem:$0x3FDB];
	s0 =	simm.s32 @p2 $0x1  }
0x17: {  	s4 =	simm.s32 $0x1BF5;
	[smem:$0x3FBC] =	sst s0  }
0x18: {  	s0 =	sld [smem:$0x3F9F];
	_ =	swait.ge [sflag:s4], $0x0  }
0x19: {  	s7 =	sld [smem:$0x3FA0]  }
0x1a: {  	s8 =	sadd.s32 $0xFFFFE003, lr  }
0x1b: {  	s9 =	sadd.s32 $0xFFFFFEF7, lr;
	s5 =	simm.s32 $0xFFFFFFFF;
	p2 =	slt.u32 s8, $0xFFFFF086  }
0x1c: {  	p1 =	slt.u32 s9, $0xF7A;
	s5 =	simm.s32 @!p2 $0x0  }
0x1d: {  	s5 =	simm.s32 @p1 $0x1;
	p0 =	seq.s32 s7, s2  }
0x1e: {  	s7 =	smul.u32 @!p0 $0xF7A, s2;
	p2 =	seq.s32 @!p0 s5, $0x0  }
0x1f: {  	s9 =	smul.u32 $0xF7A, s1;
	s8 =	simm.s32 @!p0 $0x1BF5;
	p2 =	por !p2, p0  }
0x20: {  	[sflag:s8] =	ssyncset.s32 @!p0 $0xFFFFF086;
	s6 =	sadd.s32 @!p0 s3, s7;
	s7 =	simm.s32 @!p0 $0x108  }
0x21: {  	s3 =	sadd.s32 s3, s9;
	s6 =	sadd.s32 @!p0 $0x88, s6;
	s7 =	simm.s32 @p2 $0x1082  }
0x22: {  	[simem:s7], [sflag:s8] =	dma.local @!p0 [hbm:s6], $0xF7A  }
0x23: {  	s9 =	sor.u32 $0xD0000000, s2;
	s6 =	simm.s32 $0x108;
	_ =	swait.ge @!p0 [sflag:s8], $0x0  }
0x24: {  	s3 =	sadd.s32 $0x88, s3;
	s6 =	simm.s32 @!p1 $0x1082;
	[sflag:s4] =	ssyncset.s32 $0xFFFFF086  }
0x25: {  	[simem:s6], [sflag:s4] =	dma.local [hbm:s3], $0xF7A  }
0x26: {  	[smem:$0x3FA0] =	sst s1;
	(tag) =	ssettag s2;
	_ =	strace s9  }
0x27: {  	s1 =	sld [smem:$0x3FB0]  }
0x28: {  	s2 =	sld [smem:$0x3FB1]  }
0x29: {  	s4 =	sld [smem:$0x3FB3]  }
0x2a: {  	p0 =	seq.s32 s5, $0x0;
	s5 =	sld [smem:$0x3FB4]  }
0x2b: {  	s6 =	sld [smem:$0x3FB5]  }
0x2c: {  	s7 =	sld [smem:$0x3FB6]  }
0x2d: {  	s3 =	simm.s32 $0x108;
	s8 =	sld [smem:$0x3FB7]  }
0x2e: {  	s3 =	simm.s32 @!p0 $0x1082;
	s9 =	sld [smem:$0x3FB8]  }
0x2f: {  	lr =	sadd.s32 s0, s3;
	s0 =	sld [smem:$0x3FAF]  }
0x30: {  	s3 =	sld [smem:$0x3FB2]  }
0x31: {  	[smem:$0x3FBB] =	sst s10  }
0x32: {  	s10 =	sld [smem:$0x3FB9];
	_ =	sdelay $0x3  }
0x33: {  	p0 =	seq.s32 s10, $0x1;
	s10 =	sld [smem:$0x3FBB];
	_ =	sdelay $0x3  }
0x34: {  	[smem:$0x3FBB] =	sst s10  }
0x35: {  	s10 =	sld [smem:$0x3FBA];
	_ =	sdelay $0x3  }
0x36: {  	p1 =	seq.s32 s10, $0x1;
	s10 =	sld [smem:$0x3FBB];
	_ =	sdelay $0x3  }
0x37: {  	[smem:$0x3FBB] =	sst s10  }
0x38: {  	s10 =	sld [smem:$0x3FBC]  }
0x39: {  	_ = 	snop;
	(pc) =	sbr.ind lr, $3  }
0x3a: {  	_ = 	snop  }
0x3b: {  	_ = 	snop  }
0x3c: {  	p2 =	seq.s32 s10, $0x1;
	s10 =	sld [smem:$0x3FBB]  }
0x3d: {  	_ =	shalt  }
0x3e: {  	_ =	shalt  }
0x3f: {  	_ =	shalt  }
0x40: {  	_ =	shalt  }
0x41: {  	_ =	shalt  }
0x42: {  	_ =	shalt  }
0x43: {  	_ =	shalt  }
0x44: {  	_ =	shalt  }
0x45: {  	_ =	shalt  }
0x46: {  	_ =	shalt  }
0x47: {  	_ =	shalt  }
0x48: {  	_ =	shalt  }
0x49: {  	_ =	shalt  }
0x4a: {  	_ =	shalt  }
0x4b: {  	_ =	shalt  }
0x4c: {  	_ =	shalt  }
0x4d: {  	_ =	shalt  }
0x4e: {  	_ =	shalt  }
0x4f: {  	_ =	shalt  }
0x50: {  	_ =	shalt  }
0x51: {  	_ =	shalt  }
0x52: {  	_ =	shalt  }
0x53: {  	_ =	shalt  }
0x54: {  	_ =	shalt  }
0x55: {  	_ =	shalt  }
0x56: {  	_ =	shalt  }
0x57: {  	_ =	shalt  }
0x58: {  	_ =	shalt  }
0x59: {  	_ =	shalt  }
0x5a: {  	_ =	shalt  }
0x5b: {  	_ =	shalt  }
0x5c: {  	_ =	shalt  }
0x5d: {  	_ =	shalt  }
0x5e: {  	_ =	shalt  }
0x5f: {  	_ =	shalt  }
0x60: {  	_ =	shalt  }
0x61: {  	_ =	shalt  }
0x62: {  	_ =	shalt  }
0x63: {  	_ =	shalt  }
0x64: {  	_ =	shalt  }
0x65: {  	_ =	shalt  }
0x66: {  	_ =	shalt  }
0x67: {  	_ =	shalt  }
0x68: {  	_ =	shalt  }
0x69: {  	_ =	shalt  }
0x6a: {  	_ =	shalt  }
0x6b: {  	_ =	shalt  }
0x6c: {  	_ =	shalt  }
0x6d: {  	_ =	shalt  }
0x6e: {  	_ =	shalt  }
0x6f: {  	_ =	shalt  }
0x70: {  	_ =	shalt  }
0x71: {  	_ =	shalt  }
0x72: {  	_ =	shalt  }
0x73: {  	_ =	shalt  }
0x74: {  	_ =	shalt  }
0x75: {  	_ =	shalt  }
0x76: {  	_ =	shalt  }
0x77: {  	_ =	shalt  }
0x78: {  	_ =	shalt  }
0x79: {  	_ =	shalt  }
0x7a: {  	_ =	shalt  }
0x7b: {  	_ =	shalt  }
0x7c: {  	_ =	shalt  }
0x7d: {  	_ =	shalt  }
0x7e: {  	_ =	shalt  }
0x7f: {  	_ =	shalt  }
0x80: {  	_ =	shalt  }
0x81: {  	_ =	shalt  }
0x82: {  	_ =	shalt  }
0x83: {  	_ =	shalt  }
0x84: {  	_ =	shalt  }
0x85: {  	_ =	shalt  }
0x86: {  	_ =	shalt  }
0x87: {  	_ =	shalt  }
.Lfunc_end0:
.L_simem_size_0:
called_computation.1_lowered:
.L_overlay_start_0:
0x88: {  	s2 =	sld [smem:$0x3FD9]  }
0x89: {  	s3 =	sld [smem:$0x3FFE];
	_ =	sdelay $0x1  }
0x8a: {  	s1 =	srdreg.scid  }
0x8b: {  	s0 =	sand.u32 $0x1, s1  }
0x8c: {  	s17 =	sshll.u32 s0, $0xA;
	s2 =	sadd.s32 s3, s2  }
0x8d: {  	s2 =	sadd.s32 s2, s17  }
0x8e: {  	[smem:$0x3FC7] =	sst s2  }
0x8f: {  	_ = 	snop  }
0x90: {  	s2 =	sld [smem:$0x3FD0];
	(tm) =	ssettm $0x1  }
0x91: {  	s18 =	sld [smem:$0x3FFB];
	_ =	sdelay $0x3  }
0x92: {  	_ =	strace s18  }
0x93: {  	s3 =	sld [smem:$0x3FFC];
	_ =	sdelay $0x3  }
0x94: {  	_ =	strace s3  }
0x95: {  	s3 =	sld [smem:$0x3FFD];
	_ =	sdelay $0x3  }
0x96: {  	_ =	strace s3  }
0x97: {  	_ =	strace $0x8FFFFFFF  }
0x98: {  	s19 =	sld [smem:$0x3FDB];
	_ =	sdelay $0x1  }
0x99: {  	s4 =	simm.s32 $_scs_section_size  }
0x9a: {  	s5 =	simm.s32 $_size__tile_overlayer_lowered;
	s6 =	simm.s32 $_tile_overlayer_lowered  }
0x9b: {  	s22 =	simm.s32 $0x1BFF;
	s21 =	sshll.u32 s6, $0x1;
	s3 =	sadd.s32 s4, s19  }
0x9c: {  	s7 =	simm.s32 $0x0;
	s20 =	sshll.u32 s5, $0x1;
	s5 =	sadd.s32 s21, s3  }
0x9d: {  	[timem:s7], [sflag:s22] =	dma.local [hbm:s5], s20  }
0x9e: {  	_ =	swait.ge [sflag:s22], s20  }
0x9f: {  	s4 =	ssub.s32 $0x0, s20;
	[sflag:s22] =	ssyncset.done $0x0  }
0xa0: {  	[sflag:s22] =	ssyncadd.s32 s4;
	_ =	sdelay $0x1  }
0xa1: {  	s23 =	simm.s32 $0x1B8B  }
0xa2: {  	_ =	swait.ge [sflag:s23], $0x1  }
0xa3: {  	[sflag:s23] =	ssyncset.done $0x0  }
0xa4: {  	s25 =	simm.s32 $0x1B8E;
	s24 =	sld [smem:$0x3FFE];
	[sflag:s23] =	ssyncadd.s32 $0xFFFFFFFF  }
0xa5: {  	s26 =	simm.s32 $execute0_lowered;
	[smem:$0x3FD2] =	sst s25  }
0xa6: {  	s5 =	sshll.u32 s26, $0x1;
	_ =	strace $0x80000049;
	[dreg:$0x1] =	wrdreg $0xFFFFFFFF  }
0xa7: {  	s28 =	simm.s32 $_size_execute0_lowered;
	s3 =	sadd.s32 s3, s5;
	[dreg:$0x0] =	wrdreg $0x0  }
0xa8: {  	s5 =	sshll.u32 s28, $0x1;
	[dreg:$0x2] =	wrdreg s3  }
0xa9: {  	[dreg:$0x3] =	wrdreg s5  }
0xaa: {  	[dreg:$0x4] =	wrdreg $0xC0  }
0xab: {  	_ =	task [dreg:s7], $0x5FFFF  }
0xac: {  	[dreg:$0x1] =	wrdreg $0xFFFFFFFF  }
0xad: {  	[dreg:$0x0] =	wrdreg $0x60  }
0xae: {  	[dreg:$0x2] =	wrdreg s24  }
0xaf: {  	[dreg:$0x3] =	wrdreg s2  }
0xb0: {  	[dreg:$0x4] =	wrdreg $0x9  }
0xb1: {  	_ =	task.clear_ibuf [dreg:s7], $0x5FFFF;
	_ =	strace $0x90000049  }
0xb2: {  	s29 =	simm.s32 $0x9;
	_ =	strace $0x8000004B  }
0xb3: {  	_ =	swait.ge [sflag:s29], $0x1  }
0xb4: {  	[sflag:s29] =	ssyncadd.s32 $0xFFFFFFFF  }
0xb5: {  	_ =	strace $0x9000004B  }
0xb6: {  	_ =	sfence  }
0xb7: {  	s30 =	sld [smem:$0x0];
	_ =	sdelay $0x2  }
0xb8: {  	s31 =	sshll.u32 s1, $0xD;
	s1 =	sshrl.u32 s1, $0x2  }
0xb9: {  	s3 =	sand.u32 $0x4000, s31;
	s1 =	sadd.s32 s1, s30  }
0xba: {  	s0 =	sor.u32 s3, s0;
	s1 =	sshll.u32 s1, $0x11  }
0xbb: {  	s0 =	sor.u32 s1, s0  }
0xbc: {  	s0 =	sadd.s32 $0x8F2B, s0  }
0xbd: {  	[sflag:s0] =	ssyncadd.remote.s32 $0x1  }
0xbe: {  	_ =	sfence.sel $0xFFFF  }
0xbf: {  	[dreg:$0x0] =	wrdreg $0xFFFFFFFF;
	(pc) =	sbr.abs _section_cstart, $3  }
0xc0: {  	[dreg:$0x1] =	wrdreg $0xFFFFFFFF  }
0xc1: {  	_ =	task.clear_ibuf [dreg:s7], $0x2FFFF;
	_ =	strace $0x9FFFFFFF  }
0xc2: {  	(tm) =	ssettm $0x7FFFFFFF  }
0xc3: {  	_ =	shalt  }
tec
execute0_lowered:
.L_overlay_start_1:
0x0: {  	(tag) =	ssettag $0x1  }
0x1: {  	s5 =	rddreg [dreg:$0x0]  }
0x2: {  	s2 =	rddreg [dreg:$0x1];
	s3 =	simm.s32 $0x0  }
0x3: {  	s4 =	srdreg.scid;
	s0 =	stileid.u32;
	s12 =	simm.s32 $0xC400  }
0x4: {  	s13 =	simm.s32 $0xE400;
	s14 =	simm.s32 $0x5;
	s15 =	simm.s32 $0x1  }
0x5: {  	s16 =	simm.s32 $0x8000;
	s17 =	simm.s32 $0x10400;
	s18 =	simm.s32 $0x2  }
0x6: {  	s19 =	simm.s32 $0x4;
	s20 =	simm.s32 $0x14400;
	s21 =	simm.s32 $0x3  }
0x7: {  	s22 =	simm.s32 $0x0;
	[smem:$0x7FF] =	sst s3;
	s6 =	sand.u32 $0x1, s4  }
0x8: {  	s29 =	sshll.u32 s0, $0x1;
	s4 =	sadd.s32 $0x1C00, s5;
	s31 =	sadd.s32 $0xC00, s5  }
.Ltmp0:
0x9: {  	_ =	strace $0x8000004A;
	s8 =	sor.u32 s6, s29;
	(pc) =	sbr.rel .LBB2_1-.Ltmp0, $4  }
0xa: {  	s7 =	ssub.s32 $0x2, s6;
	[dreg:$0x3] =	wrdreg s31;
	s30 =	sshll.u32 s8, $0x10  }
0xb: {  	s9 =	sshrl.u32 s7, $0x1;
	s10 =	sshll.u32 s8, $0x13;
	s8 =	sshll.u32 s8, $0x11  }
0xc: {  	s6 =	sadd.s32 s4, s30;
	s11 =	ssub.s32 s7, s9;
	s9 =	sor.u32 $0x4000, s10  }
0xd: {  	v0 =	vlaneseq.u32;
	s10 =	sor.u32 $0x6000, s10;
	s7 =	sadd.s32 $0x400, s6;
	s11 =	smax.u32 s11, $0x1  }
.LBB2_16:
0xe: {  	s22 =	sadd.s32 $0x1, s22  }
0xf: {  	_ =	swait.ge [sflag:s21], $0x4000;
	p0 =	sne.s32 s22, s11  }
.Ltmp1:
0x10: {  	[sflag:s21] =	ssyncset.done $0x0;
	(pc) =	sbr.rel @!p0 .LBB2_17-.Ltmp1, $4  }
0x11: {  	[sflag:s21] =	ssyncadd.s32 $0xFFFFC000  }
0x12: {  	_ =	swait.ge [sflag:s19], $0x4000  }
0x13: {  	[sflag:s19] =	ssyncset.done $0x0  }
0x14: {  	[sflag:s19] =	ssyncadd.s32 $0xFFFFC000  }
.LBB2_1:
0x15: {  	[tilespmem:s12], [sflag:$0x1] =	stream.linear.gather [hbm4b:s6+s3], $0x2000, $0x38;
	[tilespmem:$0x18400] =	vst v63  }
0x16: {  	_ = 	snop  }
0x17: {  	[tilespmem:s13], [sflag:$0x2] =	stream.linear.gather [hbm4b:s7+s3], $0x2000, $0x38;
	[tilespmem:$0x18400] =	vst v63  }
0x18: {  	s0 =	rddreg [dreg:$0x3]  }
0x19: {  	[tilespmem:s3], [sflag:$0x5] =	stream.linear.gather [hbm4b:s0+s3], $0x8000, $0x38;
	[tilespmem:$0x18400] =	vst v63  }
0x1a: {  	_ =	swait.ge [sflag:s14], $0x8000  }
0x1b: {  	[sflag:s14] =	ssyncset.done $0x0  }
0x1c: {  	s23 =	sand.u32 $0x3F0, s3;
	[sflag:s14] =	ssyncadd.s32 $0xFFFF8000  }
0x1d: {  	v1 =	vld [tilespmem:s23+$0x400]  }
0x1e: {  	v2 =	vld [tilespmem:s3+$0x0]  }
0x1f: {  	v3 =	vld [tilespmem:s23+$0x800]  }
0x20: {  	v4 =	vld [tilespmem:s23+$0xC00]  }
0x21: {  	v5 =	vld [tilespmem:s23+$0x1000]  }
0x22: {  	v6 =	vld [tilespmem:s23+$0x1400]  }
0x23: {  	v7 =	vld [tilespmem:s23+$0x1800];
	v1 =	vadd.s32 v1, v2  }
0x24: {  	v2 =	vld [tilespmem:s23+$0x1C00];
	v1 =	vadd.s32 v3, v1  }
0x25: {  	v3 =	vld [tilespmem:s23+$0x2000];
	v1 =	vadd.s32 v4, v1  }
0x26: {  	v48 =	vld [tilespmem:s23+$0x2400];
	v1 =	vadd.s32 v5, v1  }
0x27: {  	v49 =	vld [tilespmem:s23+$0x2800];
	v1 =	vadd.s32 v6, v1  }
0x28: {  	v50 =	vld [tilespmem:s23+$0x2C00];
	v1 =	vadd.s32 v7, v1  }
0x29: {  	v51 =	vld [tilespmem:s23+$0x3000];
	v1 =	vadd.s32 v2, v1  }
0x2a: {  	v2 =	vld [tilespmem:s23+$0x3400];
	v1 =	vadd.s32 v3, v1  }
0x2b: {  	v3 =	vld [tilespmem:s23+$0x3800];
	v1 =	vadd.s32 v48, v1  }
0x2c: {  	v52 =	vld [tilespmem:s23+$0x3C00];
	v1 =	vadd.s32 v49, v1  }
0x2d: {  	v53 =	vld [tilespmem:s23+$0x4000];
	v1 =	vadd.s32 v50, v1  }
0x2e: {  	v54 =	vld [tilespmem:s23+$0x4400];
	v1 =	vadd.s32 v51, v1  }
0x2f: {  	v55 =	vld [tilespmem:s23+$0x4800];
	v1 =	vadd.s32 v2, v1  }
0x30: {  	v2 =	vld [tilespmem:s23+$0x4C00];
	v1 =	vadd.s32 v3, v1  }
0x31: {  	v3 =	vld [tilespmem:s23+$0x5000];
	v1 =	vadd.s32 v52, v1  }
0x32: {  	v56 =	vld [tilespmem:s23+$0x5400];
	v1 =	vadd.s32 v53, v1  }
0x33: {  	v57 =	vld [tilespmem:s23+$0x5800];
	v1 =	vadd.s32 v54, v1  }
0x34: {  	v58 =	vld [tilespmem:s23+$0x5C00];
	v1 =	vadd.s32 v55, v1  }
0x35: {  	v59 =	vld [tilespmem:s23+$0x6000];
	v1 =	vadd.s32 v2, v1  }
0x36: {  	v2 =	vld [tilespmem:s23+$0x6400];
	v1 =	vadd.s32 v3, v1  }
0x37: {  	v3 =	vld [tilespmem:s23+$0x6800];
	v1 =	vadd.s32 v56, v1  }
0x38: {  	v60 =	vld [tilespmem:s23+$0x6C00];
	v1 =	vadd.s32 v57, v1  }
0x39: {  	v61 =	vld [tilespmem:s23+$0x7000];
	v1 =	vadd.s32 v58, v1  }
0x3a: {  	v62 =	vld [tilespmem:s23+$0x7400];
	v1 =	vadd.s32 v59, v1  }
0x3b: {  	v63 =	vld [tilespmem:s23+$0x7800];
	v1 =	vadd.s32 v2, v1  }
0x3c: {  	v2 =	vld [tilespmem:s23+$0x7C00];
	v1 =	vadd.s32 v3, v1  }
0x3d: {  	v1 =	vadd.s32 v60, v1  }
0x3e: {  	v1 =	vadd.s32 v61, v1  }
0x3f: {  	v1 =	vadd.s32 v62, v1  }
0x40: {  	v1 =	vadd.s32 v63, v1  }
0x41: {  	v3 =	vor.u32 s3, v0;
	v1 =	vadd.s32 v2, v1  }
0x42: {  	v2 =	vcvt.s32.f32 v3;
	v1 =	vadd.s32 $0xFFFF7F18, v1  }
0x43: {  	vm0 =	vlt.u32 v1, $0x3E9  }
0x44: {  	s26 =	simm.s32 $0x10;
	s23 =	simm.s32 $0xC000;
	v1 =	vnsel vm0, $0x0, v2  }
0x45: {  	s25 =	sand.u32 $0x3F0, s26;
	[tilespmem:s23+$0x0] =	vst v1  }
0x46: {  	s28 =	simm.s32 $0x20;
	s24 =	simm.s32 $0x10;
	v1 =	vld [tilespmem:s25+$0x400]  }
.LBB2_2:
0x47: {  	p0 =	sne.s32 s28, $0x3F0;
	v2 =	vld [tilespmem:s26+$0x0]  }
0x48: {  	v3 =	vld [tilespmem:s25+$0x800]  }
0x49: {  	v4 =	vld [tilespmem:s25+$0xC00]  }
0x4a: {  	v5 =	vld [tilespmem:s25+$0x1000]  }
0x4b: {  	v6 =	vld [tilespmem:s25+$0x1400]  }
0x4c: {  	v7 =	vld [tilespmem:s25+$0x1800];
	v1 =	vadd.s32 v1, v2  }
0x4d: {  	v2 =	vld [tilespmem:s25+$0x1C00];
	v1 =	vadd.s32 v3, v1  }
0x4e: {  	v3 =	vld [tilespmem:s25+$0x2000];
	v1 =	vadd.s32 v4, v1  }
0x4f: {  	v4 =	vld [tilespmem:s25+$0x2400];
	v1 =	vadd.s32 v5, v1  }
0x50: {  	v5 =	vld [tilespmem:s25+$0x2800];
	v1 =	vadd.s32 v6, v1  }
0x51: {  	v6 =	vld [tilespmem:s25+$0x2C00];
	v1 =	vadd.s32 v7, v1  }
0x52: {  	v7 =	vld [tilespmem:s25+$0x3000];
	v1 =	vadd.s32 v2, v1  }
0x53: {  	v2 =	vld [tilespmem:s25+$0x3400];
	v1 =	vadd.s32 v3, v1  }
0x54: {  	v3 =	vld [tilespmem:s25+$0x3800];
	v1 =	vadd.s32 v4, v1  }
0x55: {  	v4 =	vld [tilespmem:s25+$0x3C00];
	v1 =	vadd.s32 v5, v1  }
0x56: {  	v5 =	vld [tilespmem:s25+$0x4000];
	v1 =	vadd.s32 v6, v1  }
0x57: {  	v6 =	vld [tilespmem:s25+$0x4400];
	v1 =	vadd.s32 v7, v1  }
0x58: {  	v7 =	vld [tilespmem:s25+$0x4800];
	v1 =	vadd.s32 v2, v1  }
0x59: {  	v2 =	vld [tilespmem:s25+$0x4C00];
	v1 =	vadd.s32 v3, v1  }
0x5a: {  	v3 =	vld [tilespmem:s25+$0x5000];
	v1 =	vadd.s32 v4, v1  }
0x5b: {  	v4 =	vld [tilespmem:s25+$0x5400];
	v1 =	vadd.s32 v5, v1  }
0x5c: {  	v5 =	vld [tilespmem:s25+$0x5800];
	v1 =	vadd.s32 v6, v1  }
0x5d: {  	v6 =	vld [tilespmem:s25+$0x5C00];
	v1 =	vadd.s32 v7, v1  }
0x5e: {  	v7 =	vld [tilespmem:s25+$0x6000];
	v1 =	vadd.s32 v2, v1  }
0x5f: {  	v2 =	vld [tilespmem:s25+$0x6400];
	v1 =	vadd.s32 v3, v1  }
0x60: {  	v3 =	vld [tilespmem:s25+$0x6800];
	v1 =	vadd.s32 v4, v1  }
0x61: {  	v4 =	vld [tilespmem:s25+$0x6C00];
	v1 =	vadd.s32 v5, v1  }
0x62: {  	v5 =	vld [tilespmem:s25+$0x7000];
	v1 =	vadd.s32 v6, v1  }
0x63: {  	v6 =	vld [tilespmem:s25+$0x7400];
	v1 =	vadd.s32 v7, v1  }
0x64: {  	v7 =	vld [tilespmem:s25+$0x7800];
	v1 =	vadd.s32 v2, v1  }
0x65: {  	v2 =	vld [tilespmem:s25+$0x7C00];
	v1 =	vadd.s32 v3, v1  }
0x66: {  	v1 =	vadd.s32 v4, v1  }
0x67: {  	v1 =	vadd.s32 v5, v1  }
0x68: {  	v1 =	vadd.s32 v6, v1  }
0x69: {  	v1 =	vadd.s32 v7, v1  }
0x6a: {  	v3 =	vor.u32 s24, v0;
	s24 =	smov.u32 s28;
	v1 =	vadd.s32 v2, v1  }
.Ltmp2:
0x6b: {  	v2 =	vcvt.s32.f32 v3;
	v1 =	vadd.s32 $0xFFFF7F18, v1;
	(pc) =	sbr.rel @p0 .LBB2_2-.Ltmp2, $4  }
0x6c: {  	vm0 =	vlt.u32 v1, $0x3E9  }
0x6d: {  	s23 =	sadd.s32 $0x10, s23;
	v1 =	vnsel vm0, $0x0, v2  }
0x6e: {  	s25 =	sand.u32 $0x3F0, s28;
	[tilespmem:s23+$0x0] =	vst v1  }
0x6f: {  	s26 =	sadd.s32 $0x10, s26;
	s28 =	sadd.s32 $0x10, s28;
	v1 =	vld [tilespmem:s25+$0x400]  }
0x70: {  	v2 =	vld [tilespmem:s26+$0x0]  }
0x71: {  	v3 =	vld [tilespmem:s25+$0x800]  }
0x72: {  	v4 =	vld [tilespmem:s25+$0xC00]  }
0x73: {  	v5 =	vld [tilespmem:s25+$0x1000]  }
0x74: {  	v6 =	vld [tilespmem:s25+$0x1400]  }
0x75: {  	v7 =	vld [tilespmem:s25+$0x1800];
	v1 =	vadd.s32 v1, v2  }
0x76: {  	v2 =	vld [tilespmem:s25+$0x1C00];
	v1 =	vadd.s32 v3, v1  }
0x77: {  	v3 =	vld [tilespmem:s25+$0x2000];
	v1 =	vadd.s32 v4, v1  }
0x78: {  	v43 =	vld [tilespmem:s25+$0x2400];
	v1 =	vadd.s32 v5, v1  }
0x79: {  	v44 =	vld [tilespmem:s25+$0x2800];
	v1 =	vadd.s32 v6, v1  }
0x7a: {  	v45 =	vld [tilespmem:s25+$0x2C00];
	v1 =	vadd.s32 v7, v1  }
0x7b: {  	v46 =	vld [tilespmem:s25+$0x3000];
	v1 =	vadd.s32 v2, v1  }
0x7c: {  	v2 =	vld [tilespmem:s25+$0x3400];
	v1 =	vadd.s32 v3, v1  }
0x7d: {  	v3 =	vld [tilespmem:s25+$0x3800];
	v1 =	vadd.s32 v43, v1  }
0x7e: {  	v47 =	vld [tilespmem:s25+$0x3C00];
	v1 =	vadd.s32 v44, v1  }
0x7f: {  	v48 =	vld [tilespmem:s25+$0x4000];
	v1 =	vadd.s32 v45, v1  }
0x80: {  	v49 =	vld [tilespmem:s25+$0x4400];
	v1 =	vadd.s32 v46, v1  }
0x81: {  	v50 =	vld [tilespmem:s25+$0x4800];
	v1 =	vadd.s32 v2, v1  }
0x82: {  	v2 =	vld [tilespmem:s25+$0x4C00];
	v1 =	vadd.s32 v3, v1  }
0x83: {  	v3 =	vld [tilespmem:s25+$0x5000];
	v1 =	vadd.s32 v47, v1  }
0x84: {  	v51 =	vld [tilespmem:s25+$0x5400];
	v1 =	vadd.s32 v48, v1  }
0x85: {  	v52 =	vld [tilespmem:s25+$0x5800];
	v1 =	vadd.s32 v49, v1  }
0x86: {  	v53 =	vld [tilespmem:s25+$0x5C00];
	v1 =	vadd.s32 v50, v1  }
0x87: {  	v54 =	vld [tilespmem:s25+$0x6000];
	v1 =	vadd.s32 v2, v1  }
0x88: {  	v2 =	vld [tilespmem:s25+$0x6400];
	v1 =	vadd.s32 v3, v1  }
0x89: {  	v3 =	vld [tilespmem:s25+$0x6800];
	v1 =	vadd.s32 v51, v1  }
0x8a: {  	v55 =	vld [tilespmem:s25+$0x6C00];
	v1 =	vadd.s32 v52, v1  }
0x8b: {  	v56 =	vld [tilespmem:s25+$0x7000];
	v1 =	vadd.s32 v53, v1  }
0x8c: {  	v57 =	vld [tilespmem:s25+$0x7400];
	v1 =	vadd.s32 v54, v1  }
0x8d: {  	v58 =	vld [tilespmem:s25+$0x7800];
	v1 =	vadd.s32 v2, v1  }
0x8e: {  	v2 =	vld [tilespmem:s25+$0x7C00];
	v1 =	vadd.s32 v3, v1  }
0x8f: {  	v1 =	vadd.s32 v55, v1  }
0x90: {  	v1 =	vadd.s32 v56, v1  }
0x91: {  	v1 =	vadd.s32 v57, v1  }
0x92: {  	v1 =	vadd.s32 v58, v1  }
0x93: {  	v3 =	vor.u32 s24, v0;
	v1 =	vadd.s32 v2, v1  }
0x94: {  	v2 =	vcvt.s32.f32 v3;
	v1 =	vadd.s32 $0xFFFF7F18, v1  }
0x95: {  	vm0 =	vlt.u32 v1, $0x3E9  }
0x96: {  	s23 =	sadd.s32 $0x10, s23;
	v1 =	vnsel vm0, $0x0, v2  }
0x97: {  	s31 =	simm.s32 $0x0;
	[tilespmem:s23+$0x0] =	vst v1  }
0x98: {  	v1 =	vld [tilespmem:s31+$0xC000];
	_ =	sdelay $0x4  }
0x99: {  	v2 =	vbroadcast v1, $0x0  }
0x9a: {  	s24 =	simm.s32 $0x8080;
	v3 =	vbroadcast v1, $0x1  }
0x9b: {  	v59 =	vbroadcast v1, $0x2;
	[tilespmem:s24+$0xFFFFFF80] =	vst v2  }
0x9c: {  	v60 =	vbroadcast v1, $0x5;
	[tilespmem:s24+$0xFFFFFF90] =	vst v3  }
0x9d: {  	v61 =	vbroadcast v1, $0x8;
	[tilespmem:s24+$0xFFFFFFA0] =	vst v59  }
0x9e: {  	v62 =	vbroadcast v1, $0xB;
	[tilespmem:s24+$0xFFFFFFD0] =	vst v60  }
0x9f: {  	v63 =	vbroadcast v1, $0xE;
	[tilespmem:s24+$0x0] =	vst v61  }
0xa0: {  	v2 =	vbroadcast v1, $0x3;
	[tilespmem:s24+$0x30] =	vst v62  }
0xa1: {  	v3 =	vbroadcast v1, $0x4;
	[tilespmem:s24+$0x60] =	vst v63  }
0xa2: {  	[tilespmem:s24+$0xFFFFFFB0] =	vst v2;
	v2 =	vbroadcast v1, $0x6  }
0xa3: {  	[tilespmem:s24+$0xFFFFFFC0] =	vst v3;
	v3 =	vbroadcast v1, $0x7  }
0xa4: {  	[tilespmem:s24+$0xFFFFFFE0] =	vst v2;
	v2 =	vbroadcast v1, $0x9  }
0xa5: {  	[tilespmem:s24+$0xFFFFFFF0] =	vst v3;
	v3 =	vbroadcast v1, $0xA  }
0xa6: {  	[tilespmem:s24+$0x10] =	vst v2;
	v2 =	vbroadcast v1, $0xC  }
0xa7: {  	[tilespmem:s24+$0x20] =	vst v3;
	v3 =	vbroadcast v1, $0xD  }
0xa8: {  	v1 =	vbroadcast v1, $0xF;
	[tilespmem:s24+$0x40] =	vst v2  }
0xa9: {  	[tilespmem:s24+$0x50] =	vst v3  }
0xaa: {  	s26 =	simm.s32 $0x10;
	s25 =	simm.s32 $0x80;
	s23 =	simm.s32 $0x0;
	[tilespmem:s24+$0x70] =	vst v1  }
.LBB2_4:
0xab: {  	p0 =	sne.s32 s25, $0xFC0;
	v1 =	vld [tilespmem:s26+$0xC000];
	_ =	sdelay $0x4  }
0xac: {  	v2 =	vbroadcast v1, $0x0;
	v3 =	vbroadcast v1, $0x1  }
0xad: {  	s24 =	sadd.s32 $0x100, s24;
	v4 =	vbroadcast v1, $0x2;
	v5 =	vbroadcast v1, $0x3  }
0xae: {  	v6 =	vbroadcast v1, $0x5;
	[tilespmem:s24+$0xFFFFFF80] =	vst v2;
	v2 =	vbroadcast v1, $0x4  }
0xaf: {  	v7 =	vbroadcast v1, $0x7;
	[tilespmem:s24+$0xFFFFFF90] =	vst v3;
	v3 =	vbroadcast v1, $0x6  }
0xb0: {  	v8 =	vbroadcast v1, $0x9;
	[tilespmem:s24+$0xFFFFFFA0] =	vst v4;
	v4 =	vbroadcast v1, $0x8  }
0xb1: {  	v9 =	vbroadcast v1, $0xB;
	[tilespmem:s24+$0xFFFFFFB0] =	vst v5;
	v5 =	vbroadcast v1, $0xA  }
0xb2: {  	v10 =	vbroadcast v1, $0xD;
	[tilespmem:s24+$0xFFFFFFC0] =	vst v2;
	v2 =	vbroadcast v1, $0xC  }
0xb3: {  	[tilespmem:s24+$0xFFFFFFD0] =	vst v6;
	v6 =	vbroadcast v1, $0xE;
	v1 =	vbroadcast v1, $0xF  }
0xb4: {  	[tilespmem:s24+$0xFFFFFFE0] =	vst v3  }
0xb5: {  	[tilespmem:s24+$0xFFFFFFF0] =	vst v7  }
0xb6: {  	[tilespmem:s24+$0x0] =	vst v4  }
0xb7: {  	[tilespmem:s24+$0x10] =	vst v8  }
0xb8: {  	[tilespmem:s24+$0x20] =	vst v5  }
.Ltmp3:
0xb9: {  	[tilespmem:s24+$0x30] =	vst v9;
	(pc) =	sbr.rel @p0 .LBB2_4-.Ltmp3, $4  }
0xba: {  	[tilespmem:s24+$0x40] =	vst v2  }
0xbb: {  	[tilespmem:s24+$0x50] =	vst v10  }
0xbc: {  	[tilespmem:s24+$0x60] =	vst v6  }
0xbd: {  	s26 =	sshra.s32 s25, $0x2;
	s25 =	sadd.s32 $0x40, s25;
	[tilespmem:s24+$0x70] =	vst v1  }
0xbe: {  	v1 =	vld [tilespmem:s26+$0xC000];
	_ =	sdelay $0x4  }
0xbf: {  	v2 =	vbroadcast v1, $0x0  }
0xc0: {  	s24 =	sadd.s32 $0x100, s24;
	v3 =	vbroadcast v1, $0x1  }
0xc1: {  	v4 =	vbroadcast v1, $0x2;
	[tilespmem:s24+$0xFFFFFF80] =	vst v2  }
0xc2: {  	v60 =	vbroadcast v1, $0x5;
	[tilespmem:s24+$0xFFFFFF90] =	vst v3  }
0xc3: {  	v61 =	vbroadcast v1, $0x8;
	[tilespmem:s24+$0xFFFFFFA0] =	vst v4  }
0xc4: {  	v62 =	vbroadcast v1, $0xB;
	[tilespmem:s24+$0xFFFFFFD0] =	vst v60  }
0xc5: {  	v63 =	vbroadcast v1, $0xE;
	[tilespmem:s24+$0x0] =	vst v61  }
0xc6: {  	v2 =	vbroadcast v1, $0x3;
	[tilespmem:s24+$0x30] =	vst v62  }
0xc7: {  	v3 =	vbroadcast v1, $0x4;
	[tilespmem:s24+$0x60] =	vst v63  }
0xc8: {  	[tilespmem:s24+$0xFFFFFFB0] =	vst v2;
	v2 =	vbroadcast v1, $0x6  }
0xc9: {  	[tilespmem:s24+$0xFFFFFFC0] =	vst v3;
	v3 =	vbroadcast v1, $0x7  }
0xca: {  	[tilespmem:s24+$0xFFFFFFE0] =	vst v2;
	v2 =	vbroadcast v1, $0x9  }
0xcb: {  	[tilespmem:s24+$0xFFFFFFF0] =	vst v3;
	v3 =	vbroadcast v1, $0xA  }
0xcc: {  	[tilespmem:s24+$0x10] =	vst v2;
	v2 =	vbroadcast v1, $0xC  }
0xcd: {  	[tilespmem:s24+$0x20] =	vst v3;
	v3 =	vbroadcast v1, $0xD  }
0xce: {  	v1 =	vbroadcast v1, $0xF;
	[tilespmem:s24+$0x40] =	vst v2  }
0xcf: {  	[tilespmem:s24+$0x50] =	vst v3  }
0xd0: {  	[tilespmem:s24+$0x70] =	vst v1  }
.LBB2_6:
0xd1: {  	_ =	swait.ge [sflag:s15], $0x2000  }
0xd2: {  	p0 =	seq.s32 s23, $0x0;
	[sflag:s15] =	ssyncset.done $0x0  }
0xd3: {  	s24 =	simm.s32 @!p0 $0x3;
	[sflag:s15] =	ssyncadd.s32 $0xFFFFE000  }
0xd4: {  	_ =	swait.ge @!p0 [sflag:s24], $0x4000  }
0xd5: {  	[sflag:s24] =	ssyncset.done @!p0 $0x0  }
0xd6: {  	s30 =	simm.s32 $0xC440;
	[sflag:s24] =	ssyncadd.s32 @!p0 $0xFFFFC000  }
0xd7: {  	v1 =	vld [tilespmem:s30+$0x30]  }
0xd8: {  	v2 =	vld [tilespmem:s30+$0xFFFFFFC0]  }
0xd9: {  	v3 =	vld [tilespmem:s30+$0xFFFFFFD0]  }
0xda: {  	v4 =	vld [tilespmem:s30+$0xFFFFFFE0]  }
0xdb: {  	v5 =	vld [tilespmem:s30+$0xFFFFFFF0]  }
0xdc: {  	v6 =	vld [tilespmem:s30+$0x0];
	v7 =	vunpack.i.l.s16.s32 v1  }
0xdd: {  	v9 =	vld [tilespmem:s30+$0x10];
	v8 =	vunpack.i.l.s16.s32 v2  }
0xde: {  	v11 =	vld [tilespmem:s30+$0x20];
	v10 =	vunpack.i.l.s16.s32 v3  }
0xdf: {  	v12 =	vunpack.i.l.s16.s32 v4  }
0xe0: {  	v13 =	vunpack.i.l.s16.s32 v5  }
0xe1: {  	v14 =	vunpack.i.l.s16.s32 v6;
	v7 =	vld.idx.msk [tilespmem:v7+s16+$0x0], $0xffff  }
0xe2: {  	v15 =	vunpack.i.l.s16.s32 v9;
	v8 =	vld.idx.msk [tilespmem:v8+s16+$0x0], $0xffff  }
0xe3: {  	s25 =	simm.s32 $0x0;
	s31 =	simm.s32 $0x0;
	v16 =	vunpack.i.l.s16.s32 v11;
	v10 =	vld.idx.msk [tilespmem:v10+s16+$0x0], $0xffff  }
0xe4: {  	s28 =	simm.s32 $0x0;
	s26 =	sand.u32 $0x800, s25;
	s24 =	sand.u32 $0x3000, s31;
	v1 =	vunpack.i.u.s16.s32 v1;
	v12 =	vld.idx.msk [tilespmem:v12+s16+$0x0], $0xffff  }
0xe5: {  	s28 =	sand.u32 $0x380, s28;
	s24 =	sor.u32 s26, s24;
	v2 =	vunpack.i.u.s16.s32 v2;
	v13 =	vld.idx.msk [tilespmem:v13+s16+$0x0], $0xffff  }
0xe6: {  	s28 =	sor.u32 s28, s24;
	v17 =	vunpack.i.u.s16.s32 v3;
	v14 =	vld.idx.msk [tilespmem:v14+s16+$0x0], $0xffff  }
0xe7: {  	v18 =	vunpack.i.u.s16.s32 v4;
	v15 =	vld.idx.msk [tilespmem:v15+s16+$0x0], $0xffff;
	[tilespmem:s28+$0x10860] =	vst v7  }
0xe8: {  	v7 =	vunpack.i.u.s16.s32 v5;
	[tilespmem:s28+$0x10400] =	vst v8;
	v8 =	vunpack.i.u.s16.s32 v6;
	v6 =	vld.idx.msk [tilespmem:v16+s16+$0x0], $0xffff  }
0xe9: {  	[tilespmem:s28+$0x10420] =	vst v10;
	v19 =	vld.idx.msk [tilespmem:v1+s16+$0x0], $0xffff  }
0xea: {  	[tilespmem:s28+$0x10440] =	vst v12;
	v3 =	vld.idx.msk [tilespmem:v2+s16+$0x0], $0xffff  }
0xeb: {  	[tilespmem:s28+$0x10460] =	vst v13;
	v4 =	vld.idx.msk [tilespmem:v17+s16+$0x0], $0xffff  }
0xec: {  	[tilespmem:s28+$0x10800] =	vst v14;
	v5 =	vld.idx.msk [tilespmem:v18+s16+$0x0], $0xffff  }
0xed: {  	[tilespmem:s28+$0x10820] =	vst v15;
	v7 =	vld.idx.msk [tilespmem:v7+s16+$0x0], $0xffff  }
0xee: {  	s29 =	simm.s32 $0xC4C0;
	s26 =	simm.s32 $0x0;
	s24 =	sshll.u32 s23, $0xE;
	v1 =	vunpack.i.u.s16.s32 v9;
	v2 =	vunpack.i.u.s16.s32 v11;
	v8 =	vld.idx.msk [tilespmem:v8+s16+$0x0], $0xffff;
	[tilespmem:s28+$0x10870] =	vst v19  }
.LBB2_7:
0xef: {  	v9 =	vld [tilespmem:s29+$0x30];
	[tilespmem:s28+$0x10840] =	vst v6  }
0xf0: {  	v6 =	vld [tilespmem:s29+$0xFFFFFFC0];
	[tilespmem:s28+$0x10410] =	vst v3  }
0xf1: {  	v3 =	vld [tilespmem:s29+$0xFFFFFFD0];
	[tilespmem:s28+$0x10430] =	vst v4  }
0xf2: {  	v4 =	vld [tilespmem:s29+$0xFFFFFFE0];
	[tilespmem:s28+$0x10450] =	vst v5  }
0xf3: {  	v5 =	vld [tilespmem:s29+$0xFFFFFFF0];
	[tilespmem:s28+$0x10470] =	vst v7  }
0xf4: {  	v7 =	vld [tilespmem:s29+$0x0];
	v10 =	vunpack.i.l.s16.s32 v9;
	[tilespmem:s28+$0x10810] =	vst v8  }
0xf5: {  	v8 =	vunpack.i.u.s16.s32 v6;
	v6 =	vunpack.i.l.s16.s32 v6;
	v11 =	vld [tilespmem:s29+$0x10]  }
0xf6: {  	v12 =	vunpack.i.u.s16.s32 v3;
	v3 =	vunpack.i.l.s16.s32 v3;
	v13 =	vld [tilespmem:s29+$0x20]  }
0xf7: {  	v14 =	vunpack.i.u.s16.s32 v4;
	v4 =	vunpack.i.l.s16.s32 v4;
	v15 =	vld.idx.msk [tilespmem:v1+s16+$0x0], $0xffff  }
0xf8: {  	v16 =	vunpack.i.u.s16.s32 v5;
	v5 =	vunpack.i.l.s16.s32 v5;
	v17 =	vld.idx.msk [tilespmem:v2+s16+$0x0], $0xffff  }
0xf9: {  	v18 =	vunpack.i.u.s16.s32 v7;
	v7 =	vunpack.i.l.s16.s32 v7;
	v10 =	vld.idx.msk [tilespmem:v10+s16+$0x0], $0xffff  }
0xfa: {  	s26 =	sadd.s32 $0x8, s26;
	v6 =	vld.idx.msk [tilespmem:v6+s16+$0x0], $0xffff;
	v1 =	vunpack.i.u.s16.s32 v11;
	v11 =	vunpack.i.l.s16.s32 v11  }
0xfb: {  	s25 =	sadd.s32 $0x800, s25;
	s30 =	sshll.u32 s26, $0x5;
	p1 =	slt.u32 s26, $0x1F8;
	v9 =	vunpack.i.u.s16.s32 v9;
	v3 =	vld.idx.msk [tilespmem:v3+s16+$0x0], $0xffff;
	v2 =	vunpack.i.u.s16.s32 v13;
	v13 =	vunpack.i.l.s16.s32 v13  }
0xfc: {  	s31 =	sand.u32 $0x800, s25;
	s0 =	sshll.u32 s26, $0x3;
	s30 =	sand.u32 $0x3000, s30;
	v4 =	vld.idx.msk [tilespmem:v4+s16+$0x0], $0xffff  }
0xfd: {  	s0 =	sand.u32 $0x380, s0;
	s30 =	sor.u32 s31, s30;
	v5 =	vld.idx.msk [tilespmem:v5+s16+$0x0], $0xffff;
	[tilespmem:s28+$0x10830] =	vst v15  }
0xfe: {  	v7 =	vld.idx.msk [tilespmem:v7+s16+$0x0], $0xffff;
	[tilespmem:s28+$0x10850] =	vst v17;
	s28 =	sor.u32 s0, s30  }
0xff: {  	v11 =	vld.idx.msk [tilespmem:v11+s16+$0x0], $0xffff;
	[tilespmem:s28+$0x10860] =	vst v10  }
0x100: {  	[tilespmem:s28+$0x10400] =	vst v6;
	v9 =	vld.idx.msk [tilespmem:v9+s16+$0x0], $0xffff  }
0x101: {  	[tilespmem:s28+$0x10420] =	vst v3;
	v6 =	vld.idx.msk [tilespmem:v13+s16+$0x0], $0xffff  }
.Ltmp4:
0x102: {  	v3 =	vld.idx.msk [tilespmem:v8+s16+$0x0], $0xffff;
	[tilespmem:s28+$0x10440] =	vst v4;
	(pc) =	sbr.rel @p1 .LBB2_7-.Ltmp4, $4  }
0x103: {  	v4 =	vld.idx.msk [tilespmem:v12+s16+$0x0], $0xffff;
	[tilespmem:s28+$0x10460] =	vst v5  }
0x104: {  	v5 =	vld.idx.msk [tilespmem:v14+s16+$0x0], $0xffff;
	[tilespmem:s28+$0x10800] =	vst v7  }
0x105: {  	v7 =	vld.idx.msk [tilespmem:v16+s16+$0x0], $0xffff;
	[tilespmem:s28+$0x10820] =	vst v11  }
0x106: {  	s29 =	sadd.s32 $0x80, s29;
	v8 =	vld.idx.msk [tilespmem:v18+s16+$0x0], $0xffff;
	[tilespmem:s28+$0x10870] =	vst v9  }
0x107: {  	_ =	sdelay $0x2  }
0x108: {  	[tilespmem:s28+$0x10840] =	vst v6  }
0x109: {  	[tilespmem:s28+$0x10410] =	vst v3;
	v1 =	vld.idx.msk [tilespmem:v1+s16+$0x0], $0xffff  }
0x10a: {  	[tilespmem:s28+$0x10430] =	vst v4;
	v2 =	vld.idx.msk [tilespmem:v2+s16+$0x0], $0xffff  }
0x10b: {  	p1 =	sne.s32 s23, $0x1F;
	[tilespmem:s28+$0x10450] =	vst v5  }
.Ltmp5:
0x10c: {  	s0 =	sshll.u32 s23, $0xC;
	[tilespmem:s28+$0x10470] =	vst v7;
	(pc) =	sbr.rel @p1 .LBB2_10-.Ltmp5, $4  }
0x10d: {  	s25 =	sand.u32 $0x18000, s0;
	s26 =	sand.u32 $0x7000, s0;
	[tilespmem:s28+$0x10810] =	vst v8  }
0x10e: {  	s25 =	sor.u32 s8, s25;
	s0 =	sadd.s32 s2, s26;
	[tilespmem:s28+$0x10830] =	vst v1  }
0x10f: {  	s0 =	sadd.s32 s25, s0;
	[tilespmem:s28+$0x10850] =	vst v2  }
0x110: {  	[hbm4b:s0+s3] =	stream.linear.scatter [tilespmem:s17], [sflag:$0x3], $0x4000, $0x38;
	[tilespmem:$0x18400] =	vst v63  }
.Ltmp6:
0x111: {  	(pc) =	sbr.rel .LBB2_11-.Ltmp6, $4  }
0x112: {  	_ = 	snop  }
0x113: {  	_ =	swait.ge [sflag:s18], $0x2000  }
0x114: {  	[sflag:s18] =	ssyncset.done $0x0  }
0x115: {  	[sflag:s18] =	ssyncadd.s32 $0xFFFFE000  }
.LBB2_10:
0x116: {  	s0 =	sadd.s32 s24, s9  }
0x117: {  	s0 =	sshrl.u32 s0, $0x3  }
.Ltmp7:
0x118: {  	s0 =	sadd.s32 s4, s0;
	(pc) =	sbr.rel @p0 .LBB2_12-.Ltmp7, $4  }
0x119: {  	[tilespmem:s12], [sflag:$0x1] =	stream.linear.gather [hbm4b:s0+s3], $0x2000, $0x38;
	[tilespmem:$0x18400] =	vst v63  }
0x11a: {  	_ =	swait.ge [sflag:s18], $0x2000  }
0x11b: {  	[sflag:s18] =	ssyncset.done $0x0  }
0x11c: {  	[sflag:s18] =	ssyncadd.s32 $0xFFFFE000  }
.LBB2_11:
0x11d: {  	_ =	swait.ge [sflag:s19], $0x4000  }
0x11e: {  	[sflag:s19] =	ssyncset.done $0x0  }
0x11f: {  	[sflag:s19] =	ssyncadd.s32 $0xFFFFC000  }
.LBB2_12:
0x120: {  	s0 =	simm.s32 $0xE440  }
0x121: {  	v1 =	vld [tilespmem:s0+$0x30]  }
0x122: {  	v2 =	vld [tilespmem:s0+$0xFFFFFFC0]  }
0x123: {  	v3 =	vld [tilespmem:s0+$0xFFFFFFD0]  }
0x124: {  	v4 =	vld [tilespmem:s0+$0xFFFFFFE0]  }
0x125: {  	v5 =	vld [tilespmem:s0+$0xFFFFFFF0]  }
0x126: {  	v6 =	vld [tilespmem:s0+$0x0];
	v7 =	vunpack.i.l.s16.s32 v1  }
0x127: {  	v9 =	vld [tilespmem:s0+$0x10];
	v8 =	vunpack.i.l.s16.s32 v2  }
0x128: {  	v11 =	vld [tilespmem:s0+$0x20];
	v10 =	vunpack.i.l.s16.s32 v3  }
0x129: {  	v12 =	vunpack.i.l.s16.s32 v4  }
0x12a: {  	v13 =	vunpack.i.l.s16.s32 v5  }
0x12b: {  	v14 =	vunpack.i.l.s16.s32 v6;
	v7 =	vld.idx.msk [tilespmem:v7+s16+$0x0], $0xffff  }
0x12c: {  	v15 =	vunpack.i.l.s16.s32 v9;
	v8 =	vld.idx.msk [tilespmem:v8+s16+$0x0], $0xffff  }
0x12d: {  	s28 =	simm.s32 $0x0;
	s5 =	simm.s32 $0x0;
	v16 =	vunpack.i.l.s16.s32 v11;
	v10 =	vld.idx.msk [tilespmem:v10+s16+$0x0], $0xffff  }
0x12e: {  	s30 =	simm.s32 $0x0;
	s0 =	sand.u32 $0x3000, s5;
	s29 =	sand.u32 $0x800, s28;
	v1 =	vunpack.i.u.s16.s32 v1;
	v12 =	vld.idx.msk [tilespmem:v12+s16+$0x0], $0xffff  }
0x12f: {  	s30 =	sand.u32 $0x380, s30;
	s0 =	sor.u32 s29, s0;
	v2 =	vunpack.i.u.s16.s32 v2;
	v13 =	vld.idx.msk [tilespmem:v13+s16+$0x0], $0xffff  }
0x130: {  	s29 =	sor.u32 s30, s0;
	v17 =	vunpack.i.u.s16.s32 v3;
	v14 =	vld.idx.msk [tilespmem:v14+s16+$0x0], $0xffff  }
0x131: {  	v18 =	vunpack.i.u.s16.s32 v4;
	v15 =	vld.idx.msk [tilespmem:v15+s16+$0x0], $0xffff;
	[tilespmem:s29+$0x14860] =	vst v7  }
0x132: {  	v7 =	vunpack.i.u.s16.s32 v5;
	[tilespmem:s29+$0x14400] =	vst v8;
	v8 =	vunpack.i.u.s16.s32 v6;
	v6 =	vld.idx.msk [tilespmem:v16+s16+$0x0], $0xffff  }
0x133: {  	[tilespmem:s29+$0x14420] =	vst v10;
	v19 =	vld.idx.msk [tilespmem:v1+s16+$0x0], $0xffff  }
0x134: {  	[tilespmem:s29+$0x14440] =	vst v12;
	v3 =	vld.idx.msk [tilespmem:v2+s16+$0x0], $0xffff  }
0x135: {  	[tilespmem:s29+$0x14460] =	vst v13;
	v4 =	vld.idx.msk [tilespmem:v17+s16+$0x0], $0xffff  }
0x136: {  	[tilespmem:s29+$0x14800] =	vst v14;
	v5 =	vld.idx.msk [tilespmem:v18+s16+$0x0], $0xffff  }
0x137: {  	[tilespmem:s29+$0x14820] =	vst v15;
	v7 =	vld.idx.msk [tilespmem:v7+s16+$0x0], $0xffff  }
0x138: {  	s31 =	simm.s32 $0xE4C0;
	s30 =	simm.s32 $0x0;
	v1 =	vunpack.i.u.s16.s32 v9;
	v2 =	vunpack.i.u.s16.s32 v11;
	v8 =	vld.idx.msk [tilespmem:v8+s16+$0x0], $0xffff;
	[tilespmem:s29+$0x14870] =	vst v19  }
.LBB2_13:
0x139: {  	v9 =	vld [tilespmem:s31+$0x30];
	[tilespmem:s29+$0x14840] =	vst v6  }
0x13a: {  	v6 =	vld [tilespmem:s31+$0xFFFFFFC0];
	[tilespmem:s29+$0x14410] =	vst v3  }
0x13b: {  	v3 =	vld [tilespmem:s31+$0xFFFFFFD0];
	[tilespmem:s29+$0x14430] =	vst v4  }
0x13c: {  	v4 =	vld [tilespmem:s31+$0xFFFFFFE0];
	[tilespmem:s29+$0x14450] =	vst v5  }
0x13d: {  	v5 =	vld [tilespmem:s31+$0xFFFFFFF0];
	[tilespmem:s29+$0x14470] =	vst v7  }
0x13e: {  	v7 =	vld [tilespmem:s31+$0x0];
	v10 =	vunpack.i.l.s16.s32 v9;
	[tilespmem:s29+$0x14810] =	vst v8  }
0x13f: {  	v8 =	vunpack.i.u.s16.s32 v6;
	v6 =	vunpack.i.l.s16.s32 v6;
	v11 =	vld [tilespmem:s31+$0x10]  }
0x140: {  	v12 =	vunpack.i.u.s16.s32 v3;
	v3 =	vunpack.i.l.s16.s32 v3;
	v13 =	vld [tilespmem:s31+$0x20]  }
0x141: {  	v14 =	vunpack.i.u.s16.s32 v4;
	v4 =	vunpack.i.l.s16.s32 v4;
	v15 =	vld.idx.msk [tilespmem:v1+s16+$0x0], $0xffff  }
0x142: {  	v16 =	vunpack.i.u.s16.s32 v5;
	v5 =	vunpack.i.l.s16.s32 v5;
	v17 =	vld.idx.msk [tilespmem:v2+s16+$0x0], $0xffff  }
0x143: {  	v18 =	vunpack.i.u.s16.s32 v7;
	v7 =	vunpack.i.l.s16.s32 v7;
	v10 =	vld.idx.msk [tilespmem:v10+s16+$0x0], $0xffff  }
0x144: {  	s30 =	sadd.s32 $0x8, s30;
	v6 =	vld.idx.msk [tilespmem:v6+s16+$0x0], $0xffff;
	v1 =	vunpack.i.u.s16.s32 v11;
	v11 =	vunpack.i.l.s16.s32 v11  }
0x145: {  	s28 =	sadd.s32 $0x800, s28;
	s0 =	sshll.u32 s30, $0x5;
	p0 =	slt.u32 s30, $0x1F8;
	v9 =	vunpack.i.u.s16.s32 v9;
	v3 =	vld.idx.msk [tilespmem:v3+s16+$0x0], $0xffff;
	v2 =	vunpack.i.u.s16.s32 v13;
	v13 =	vunpack.i.l.s16.s32 v13  }
0x146: {  	s1 =	sand.u32 $0x800, s28;
	s5 =	sshll.u32 s30, $0x3;
	s0 =	sand.u32 $0x3000, s0;
	v4 =	vld.idx.msk [tilespmem:v4+s16+$0x0], $0xffff  }
0x147: {  	s5 =	sand.u32 $0x380, s5;
	s0 =	sor.u32 s1, s0;
	v5 =	vld.idx.msk [tilespmem:v5+s16+$0x0], $0xffff;
	[tilespmem:s29+$0x14830] =	vst v15  }
0x148: {  	v7 =	vld.idx.msk [tilespmem:v7+s16+$0x0], $0xffff;
	[tilespmem:s29+$0x14850] =	vst v17;
	s29 =	sor.u32 s5, s0  }
0x149: {  	v11 =	vld.idx.msk [tilespmem:v11+s16+$0x0], $0xffff;
	[tilespmem:s29+$0x14860] =	vst v10  }
0x14a: {  	[tilespmem:s29+$0x14400] =	vst v6;
	v9 =	vld.idx.msk [tilespmem:v9+s16+$0x0], $0xffff  }
0x14b: {  	[tilespmem:s29+$0x14420] =	vst v3;
	v6 =	vld.idx.msk [tilespmem:v13+s16+$0x0], $0xffff  }
.Ltmp8:
0x14c: {  	v3 =	vld.idx.msk [tilespmem:v8+s16+$0x0], $0xffff;
	[tilespmem:s29+$0x14440] =	vst v4;
	(pc) =	sbr.rel @p0 .LBB2_13-.Ltmp8, $4  }
0x14d: {  	v4 =	vld.idx.msk [tilespmem:v12+s16+$0x0], $0xffff;
	[tilespmem:s29+$0x14460] =	vst v5  }
0x14e: {  	v5 =	vld.idx.msk [tilespmem:v14+s16+$0x0], $0xffff;
	[tilespmem:s29+$0x14800] =	vst v7  }
0x14f: {  	v7 =	vld.idx.msk [tilespmem:v16+s16+$0x0], $0xffff;
	[tilespmem:s29+$0x14820] =	vst v11  }
0x150: {  	s31 =	sadd.s32 $0x80, s31;
	v8 =	vld.idx.msk [tilespmem:v18+s16+$0x0], $0xffff;
	[tilespmem:s29+$0x14870] =	vst v9  }
0x151: {  	_ =	sdelay $0x2  }
0x152: {  	[tilespmem:s29+$0x14840] =	vst v6  }
0x153: {  	[tilespmem:s29+$0x14410] =	vst v3;
	v1 =	vld.idx.msk [tilespmem:v1+s16+$0x0], $0xffff  }
0x154: {  	[tilespmem:s29+$0x14430] =	vst v4;
	v2 =	vld.idx.msk [tilespmem:v2+s16+$0x0], $0xffff  }
0x155: {  	p0 =	seq.s32 s23, $0x1F;
	[tilespmem:s29+$0x14450] =	vst v5  }
.Ltmp9:
0x156: {  	[tilespmem:s29+$0x14470] =	vst v7;
	(pc) =	sbr.rel @p0 .LBB2_16-.Ltmp9, $4  }
0x157: {  	s0 =	sadd.s32 s26, s2;
	[tilespmem:s29+$0x14810] =	vst v8  }
0x158: {  	s0 =	sadd.s32 s25, s0;
	[tilespmem:s29+$0x14830] =	vst v1  }
0x159: {  	s0 =	sadd.s32 $0x800, s0;
	[tilespmem:s29+$0x14850] =	vst v2  }
0x15a: {  	[hbm4b:s0+s3] =	stream.linear.scatter [tilespmem:s20], [sflag:$0x4], $0x4000, $0x38;
	[tilespmem:$0x18400] =	vst v63  }
.Ltmp10:
0x15b: {  	(pc) =	sbr.rel .LBB2_6-.Ltmp10, $4  }
0x15c: {  	s0 =	sadd.s32 s24, s10  }
0x15d: {  	s0 =	sshrl.u32 s0, $0x3  }
0x15e: {  	s23 =	sadd.s32 $0x1, s23;
	s0 =	sadd.s32 s4, s0  }
0x15f: {  	[tilespmem:s13], [sflag:$0x2] =	stream.linear.gather [hbm4b:s0+s3], $0x2000, $0x38;
	[tilespmem:$0x18400] =	vst v63  }
.LBB2_17:
0x160: {  	_ =	sfence.sel $0x180000  }
0x161: {  	[bflag:$0x0] =	sbarrier.arrive $0xFFFF  }
0x162: {  	_ =	strace $0x9000004A  }
0x163: {  	s0 =	stileid.u32;
	[bflag:$0x2] =	sbarrier.arrive $0xFFFF  }
0x164: {  	p0 =	sne.s32 s0, $0x0;
	s0 =	rddreg [dreg:$0x2]  }
0x165: {  	s0 =	sadd.s32 @!p0 $0x100000, s0  }
0x166: {  	[sflag:s0] =	ssyncadd.tile.s32 @!p0 $0x1;
	_ =	shalt  }
.Lfunc_end2:
_tile_overlayer_lowered:
.L_overlay_start_2:
0x167: {  	(tag) =	ssettag $0x2  }
0x168: {  	s0 =	rddreg [dreg:$0x0];
	s2 =	stileid.u32  }
0x169: {  	s1 =	rddreg [dreg:$0x1];
	p0 =	sne.s32 s2, $0x0  }
0x16a: {  	s3 =	rddreg [dreg:$0x2];
	[bflag:$0x3] =	sbarrier.arrive $0xFFFF;
	s2 =	simm.s32 @!p0 $0x1C05  }
0x16b: {  	[timem:s3], [sflag:s2] =	dma.local @!p0 [hbm:s0], s1  }
0x16c: {  	s0 =	simm.s32 @!p0 $0x5  }
0x16d: {  	_ =	swait.ge @!p0 [sflag:s0], s1  }
0x16e: {  	s1 =	ssub.s32 @!p0 $0x0, s1;
	[sflag:s0] =	ssyncset.done @!p0 $0x0  }
0x16f: {  	[sflag:s0] =	ssyncadd.s32 @!p0 s1  }
0x170: {  	[bflag:$0x3] =	sbarrier.arrive $0xFFFF  }
0x171: {  	_ =	shalt  }

</sc_bundles>
